<compile_context>
chip_gen: v7x
topology: tpu7x:2x2x1
jax: 0.10.2.dev20260603
libtpu: 0.0.44.dev20260713+nightly
codegen_flags: <defaults>
</compile_context>

<pallas_src>
import functools

import jax
import jax.numpy as jnp
from jax import lax
from jax.experimental import pallas as pl
from jax.experimental.pallas import tpu as pltpu
from jax.experimental.pallas import tpu_sc as plsc

H, W, D = 128, 128, 256
L = 16
DC = D // L
NUM_WORKERS = 32
H_PER_WORKER = H // NUM_WORKERS
HALF = W // 2

_mesh = plsc.VectorSubcoreMesh(core_axis_name="c", subcore_axis_name="s")


@functools.partial(
    pl.kernel,
    mesh=_mesh,
    out_type=jax.ShapeDtypeStruct((H * W, D), jnp.float32),
    scratch_types=[
        pltpu.VMEM((W, D), jnp.float32),
        pltpu.VMEM((H_PER_WORKER, D), jnp.float32),
        pltpu.VMEM((W, D), jnp.float32),
        pltpu.VMEM((W, D), jnp.float32),
        pltpu.SemaphoreType.DMA,
        pltpu.SemaphoreType.DMA,
        pltpu.SemaphoreType.DMA,
        pltpu.SemaphoreType.DMA,
    ],
)
def _pos_encoder(height_hbm, width_hbm, out_hbm,
                 width_v, hrows_v, buf0, buf1, sem_a, sem_b, sem_c, sem_d):
    wid = lax.axis_index("s") * 2 + lax.axis_index("c")
    base_h = wid * H_PER_WORKER

    cp_w0 = pltpu.async_copy(width_hbm.at[pl.ds(0, HALF)],
                             width_v.at[pl.ds(0, HALF)], sem_a)
    cp_w1 = pltpu.async_copy(width_hbm.at[pl.ds(HALF, HALF)],
                             width_v.at[pl.ds(HALF, HALF)], sem_b)
    pltpu.sync_copy(height_hbm.at[pl.ds(base_h, H_PER_WORKER)], hrows_v)

    def hreg_chunks(hh):
        return tuple(hrows_v[hh, pl.ds(dc * L, L)] for dc in range(DC))

    def compute(buf, hregs, lo, hi):
        @plsc.parallel_loop(lo, hi, unroll=2, carry=hregs)
        def _body(w, carry):
            for dc in range(DC):
                buf[w, pl.ds(dc * L, L)] = (
                    width_v[w, pl.ds(dc * L, L)] + carry[dc])
            return carry

    def out_rows(hh, off=0):
        return (base_h + hh) * W + off

    hregs = hreg_chunks(0)
    cp_w0.wait()
    compute(buf0, hregs, 0, HALF)
    cp_w1.wait()
    compute(buf0, hregs, HALF, W)
    dma0 = pltpu.async_copy(buf0, out_hbm.at[pl.ds(out_rows(0), W)], sem_c)

    compute(buf1, hreg_chunks(1), 0, W)
    dma1 = pltpu.async_copy(buf1, out_hbm.at[pl.ds(out_rows(1), W)], sem_d)

    dma0.wait()
    compute(buf0, hreg_chunks(2), 0, W)
    dma2 = pltpu.async_copy(buf0, out_hbm.at[pl.ds(out_rows(2), W)], sem_c)

    dma1.wait()
    hregs = hreg_chunks(3)
    compute(buf1, hregs, 0, HALF)
    dma3a = pltpu.async_copy(buf1.at[pl.ds(0, HALF)],
                             out_hbm.at[pl.ds(out_rows(3), HALF)], sem_a)
    compute(buf1, hregs, HALF, W)
    dma3b = pltpu.async_copy(buf1.at[pl.ds(HALF, HALF)],
                             out_hbm.at[pl.ds(out_rows(3, HALF), HALF)], sem_b)

    dma2.wait()
    dma3a.wait()
    dma3b.wait()


def kernel(height_table, width_table):
    return _pos_encoder(height_table, width_table)

# --- scband reference (transcript-rebuilt; emitter-appended) ---
"""Pipeline reference for scband-positional-encoder-30030411333826 (READ-ONLY COPY).

The authoritative reference and input builder live on the scoring server;
editing this copy changes nothing except your own understanding.
"""

import jax, jax.numpy as jnp
import numpy as np

H, W = 128, 128
EMBED_DIM = 256


def setup_inputs(seed: int = 0) -> dict:
    key = jax.random.key(seed)
    k1, k2 = jax.random.split(key)
    # nn.Embedding default init: N(0, 1)
    height_table = jax.random.normal(k1, (H, EMBED_DIM), dtype=jnp.float32)
    width_table = jax.random.normal(k2, (W, EMBED_DIM), dtype=jnp.float32)
    return {"height_table": height_table, "width_table": width_table}


def reference(height_table, width_table):
    rows = jnp.arange(H, dtype=jnp.int32)
    cols = jnp.arange(W, dtype=jnp.int32)
    row_embed = jnp.take(height_table, rows, axis=0)  # [H, D]
    col_embed = jnp.take(width_table, cols, axis=0)   # [W, D]
    pos_embed = row_embed[:, None, :] + col_embed[None, :, :]  # [H, W, D]
    return pos_embed.reshape(H * W, -1)

if __name__ == "__main__":
    import jax
    _d = setup_inputs()
    print(jax.jit(kernel)(*tuple(_d.values())))

</pallas_src>

<mosaic_0001>
#map = affine_map<(d0, d1) -> (0, 0)>
module attributes {stable_mosaic.version = 14 : i64} {
  func.func @_pos_encoder(%arg0: i32, %arg1: i32, %arg2: memref<128x256xf32, #tpu.memory_space<hbm>>, %arg3: memref<128x256xf32, #tpu.memory_space<hbm>>, %arg4: memref<16384x256xf32, #tpu.memory_space<hbm>>, %arg5: memref<128x256xf32, #tpu.memory_space<vmem>>, %arg6: memref<4x256xf32, #tpu.memory_space<vmem>>, %arg7: memref<128x256xf32, #tpu.memory_space<vmem>>, %arg8: memref<128x256xf32, #tpu.memory_space<vmem>>, %arg9: memref<!tpu.dma_semaphore, #tpu.memory_space<semaphore_mem>>, %arg10: memref<!tpu.dma_semaphore, #tpu.memory_space<semaphore_mem>>, %arg11: memref<!tpu.dma_semaphore, #tpu.memory_space<semaphore_mem>>, %arg12: memref<!tpu.dma_semaphore, #tpu.memory_space<semaphore_mem>>) attributes {dimension_semantics = [#tpu.dimension_semantics<core_parallel>, #tpu.dimension_semantics<subcore_parallel>], iteration_bounds = array<i64: 2, 16>, scalar_prefetch = 0 : i64, scratch_operands = 8 : i64, tpu.core_type = #tpu.core_type<sc_vector_subcore>, window_params = [{transform_indices = #map}, {transform_indices = #map}, {transform_indices = #map}]} {
    %mul3A = arith.constant 2 : i32
    %mul3A_0 = arith.muli %arg1, %mul3A : i32
    %add3A = arith.addi %mul3A_0, %arg0 : i32
    %mul3A_1 = arith.constant 4 : i32
    %mul3A_2 = arith.muli %add3A, %mul3A_1 : i32
    %dma_start3A = arith.constant 0 : i32
    %dma_start3A_3 = arith.constant 0 : i32
    %dma_start3A_4 = tpu.memref_slice %arg5[%dma_start3A, %dma_start3A_3] : memref<128x256xf32, #tpu.memory_space<vmem>> -> memref<64x256xf32, #tpu.memory_space<vmem>>
    %dma_start3A_5 = arith.constant 0 : i32
    %dma_start3A_6 = arith.constant 0 : i32
    %dma_start3A_7 = tpu.memref_slice %arg3[%dma_start3A_5, %dma_start3A_6] : memref<128x256xf32, #tpu.memory_space<hbm>> -> memref<64x256xf32, #tpu.memory_space<hbm>>
    %dma_start3A_8 = arith.constant 0 : i32
    %dma_start3A_9 = arith.constant 0 : i32
    %dma_start3A_10 = tpu.memref_slice %arg5[%dma_start3A_8, %dma_start3A_9] : memref<128x256xf32, #tpu.memory_space<vmem>> -> memref<64x256xf32, #tpu.memory_space<vmem>>
    %dma_start3A_11 = arith.constant 0 : i32
    %dma_start3A_12 = arith.constant 0 : i32
    %dma_start3A_13 = tpu.memref_slice %arg3[%dma_start3A_11, %dma_start3A_12] : memref<128x256xf32, #tpu.memory_space<hbm>> -> memref<64x256xf32, #tpu.memory_space<hbm>>
    tpu.enqueue_dma source(%dma_start3A_13 : memref<64x256xf32, #tpu.memory_space<hbm>>) target(%dma_start3A_10 : memref<64x256xf32, #tpu.memory_space<vmem>>) target_semaphore(%arg9 : memref<!tpu.dma_semaphore, #tpu.memory_space<semaphore_mem>>)
    %dma_start3A_14 = arith.constant 64 : i32
    %dma_start3A_15 = arith.constant 0 : i32
    %dma_start3A_16 = tpu.memref_slice %arg5[%dma_start3A_14, %dma_start3A_15] : memref<128x256xf32, #tpu.memory_space<vmem>> -> memref<64x256xf32, #tpu.memory_space<vmem>>
    %dma_start3A_17 = arith.constant 64 : i32
    %dma_start3A_18 = arith.constant 0 : i32
    %dma_start3A_19 = tpu.memref_slice %arg3[%dma_start3A_17, %dma_start3A_18] : memref<128x256xf32, #tpu.memory_space<hbm>> -> memref<64x256xf32, #tpu.memory_space<hbm>>
    %dma_start3A_20 = arith.constant 64 : i32
    %dma_start3A_21 = arith.constant 0 : i32
    %dma_start3A_22 = tpu.memref_slice %arg5[%dma_start3A_20, %dma_start3A_21] : memref<128x256xf32, #tpu.memory_space<vmem>> -> memref<64x256xf32, #tpu.memory_space<vmem>>
    %dma_start3A_23 = arith.constant 64 : i32
    %dma_start3A_24 = arith.constant 0 : i32
    %dma_start3A_25 = tpu.memref_slice %arg3[%dma_start3A_23, %dma_start3A_24] : memref<128x256xf32, #tpu.memory_space<hbm>> -> memref<64x256xf32, #tpu.memory_space<hbm>>
    tpu.enqueue_dma source(%dma_start3A_25 : memref<64x256xf32, #tpu.memory_space<hbm>>) target(%dma_start3A_22 : memref<64x256xf32, #tpu.memory_space<vmem>>) target_semaphore(%arg10 : memref<!tpu.dma_semaphore, #tpu.memory_space<semaphore_mem>>)
    "tpu.region"() ({
      %run_scoped3A = tpu.sem_alloc : memref<!tpu.dma_semaphore, #tpu.memory_space<semaphore_mem>>
      %dma_start3A_485 = arith.constant 0 : i32
      %dma_start3A_486 = tpu.memref_slice %arg2[%mul3A_2, %dma_start3A_485] : memref<128x256xf32, #tpu.memory_space<hbm>> -> memref<4x256xf32, #tpu.memory_space<hbm>>
      %dma_start3A_487 = arith.constant 0 : i32
      %dma_start3A_488 = tpu.memref_slice %arg2[%mul3A_2, %dma_start3A_487] : memref<128x256xf32, #tpu.memory_space<hbm>> -> memref<4x256xf32, #tpu.memory_space<hbm>>
      tpu.enqueue_dma source(%dma_start3A_488 : memref<4x256xf32, #tpu.memory_space<hbm>>) target(%arg6 : memref<4x256xf32, #tpu.memory_space<vmem>>) target_semaphore(%run_scoped3A : memref<!tpu.dma_semaphore, #tpu.memory_space<semaphore_mem>>)
      %dma_wait3A_489 = arith.constant 0 : i32
      %dma_wait3A_490 = tpu.memref_slice %arg2[%mul3A_2, %dma_wait3A_489] : memref<128x256xf32, #tpu.memory_space<hbm>> -> memref<4x256xf32, #tpu.memory_space<hbm>>
      %dma_wait3A_491 = arith.constant 0 : i32
      %dma_wait3A_492 = tpu.memref_slice %arg2[%mul3A_2, %dma_wait3A_491] : memref<128x256xf32, #tpu.memory_space<hbm>> -> memref<4x256xf32, #tpu.memory_space<hbm>>
      tpu.wait_dma2 semaphore(%run_scoped3A : memref<!tpu.dma_semaphore, #tpu.memory_space<semaphore_mem>>) src(%dma_wait3A_492 : memref<4x256xf32, #tpu.memory_space<hbm>>) dst(%arg6 : memref<4x256xf32, #tpu.memory_space<vmem>>)
      tpu.yield
    }) : () -> ()
    %get3A = arith.constant 0 : i32
    %get3A_26 = arith.index_cast %get3A : i32 to index
    %get3A_27 = arith.constant 0 : index
    %get3A_28 = tpu.vector_load %arg6[%get3A_26, %get3A_27] {strides = array<i32>} : memref<4x256xf32, #tpu.memory_space<vmem>>, vector<1x16xf32>,
    %get3A_29 = vector.shape_cast %get3A_28 : vector<1x16xf32> to vector<16xf32>
    %get3A_30 = arith.constant 0 : i32
    %get3A_31 = arith.index_cast %get3A_30 : i32 to index
    %get3A_32 = arith.constant 16 : index
    %get3A_33 = tpu.vector_load %arg6[%get3A_31, %get3A_32] {strides = array<i32>} : memref<4x256xf32, #tpu.memory_space<vmem>>, vector<1x16xf32>,
    %get3A_34 = vector.shape_cast %get3A_33 : vector<1x16xf32> to vector<16xf32>
    %get3A_35 = arith.constant 0 : i32
    %get3A_36 = arith.index_cast %get3A_35 : i32 to index
    %get3A_37 = arith.constant 32 : index
    %get3A_38 = tpu.vector_load %arg6[%get3A_36, %get3A_37] {strides = array<i32>} : memref<4x256xf32, #tpu.memory_space<vmem>>, vector<1x16xf32>,
    %get3A_39 = vector.shape_cast %get3A_38 : vector<1x16xf32> to vector<16xf32>
    %get3A_40 = arith.constant 0 : i32
    %get3A_41 = arith.index_cast %get3A_40 : i32 to index
    %get3A_42 = arith.constant 48 : index
    %get3A_43 = tpu.vector_load %arg6[%get3A_41, %get3A_42] {strides = array<i32>} : memref<4x256xf32, #tpu.memory_space<vmem>>, vector<1x16xf32>,
    %get3A_44 = vector.shape_cast %get3A_43 : vector<1x16xf32> to vector<16xf32>
    %get3A_45 = arith.constant 0 : i32
    %get3A_46 = arith.index_cast %get3A_45 : i32 to index
    %get3A_47 = arith.constant 64 : index
    %get3A_48 = tpu.vector_load %arg6[%get3A_46, %get3A_47] {strides = array<i32>} : memref<4x256xf32, #tpu.memory_space<vmem>>, vector<1x16xf32>,
    %get3A_49 = vector.shape_cast %get3A_48 : vector<1x16xf32> to vector<16xf32>
    %get3A_50 = arith.constant 0 : i32
    %get3A_51 = arith.index_cast %get3A_50 : i32 to index
    %get3A_52 = arith.constant 80 : index
    %get3A_53 = tpu.vector_load %arg6[%get3A_51, %get3A_52] {strides = array<i32>} : memref<4x256xf32, #tpu.memory_space<vmem>>, vector<1x16xf32>,
    %get3A_54 = vector.shape_cast %get3A_53 : vector<1x16xf32> to vector<16xf32>
    %get3A_55 = arith.constant 0 : i32
    %get3A_56 = arith.index_cast %get3A_55 : i32 to index
    %get3A_57 = arith.constant 96 : index
    %get3A_58 = tpu.vector_load %arg6[%get3A_56, %get3A_57] {strides = array<i32>} : memref<4x256xf32, #tpu.memory_space<vmem>>, vector<1x16xf32>,
    %get3A_59 = vector.shape_cast %get3A_58 : vector<1x16xf32> to vector<16xf32>
    %get3A_60 = arith.constant 0 : i32
    %get3A_61 = arith.index_cast %get3A_60 : i32 to index
    %get3A_62 = arith.constant 112 : index
    %get3A_63 = tpu.vector_load %arg6[%get3A_61, %get3A_62] {strides = array<i32>} : memref<4x256xf32, #tpu.memory_space<vmem>>, vector<1x16xf32>,
    %get3A_64 = vector.shape_cast %get3A_63 : vector<1x16xf32> to vector<16xf32>
    %get3A_65 = arith.constant 0 : i32
    %get3A_66 = arith.index_cast %get3A_65 : i32 to index
    %get3A_67 = arith.constant 128 : index
    %get3A_68 = tpu.vector_load %arg6[%get3A_66, %get3A_67] {strides = array<i32>} : memref<4x256xf32, #tpu.memory_space<vmem>>, vector<1x16xf32>,
    %get3A_69 = vector.shape_cast %get3A_68 : vector<1x16xf32> to vector<16xf32>
    %get3A_70 = arith.constant 0 : i32
    %get3A_71 = arith.index_cast %get3A_70 : i32 to index
    %get3A_72 = arith.constant 144 : index
    %get3A_73 = tpu.vector_load %arg6[%get3A_71, %get3A_72] {strides = array<i32>} : memref<4x256xf32, #tpu.memory_space<vmem>>, vector<1x16xf32>,
    %get3A_74 = vector.shape_cast %get3A_73 : vector<1x16xf32> to vector<16xf32>
    %get3A_75 = arith.constant 0 : i32
    %get3A_76 = arith.index_cast %get3A_75 : i32 to index
    %get3A_77 = arith.constant 160 : index
    %get3A_78 = tpu.vector_load %arg6[%get3A_76, %get3A_77] {strides = array<i32>} : memref<4x256xf32, #tpu.memory_space<vmem>>, vector<1x16xf32>,
    %get3A_79 = vector.shape_cast %get3A_78 : vector<1x16xf32> to vector<16xf32>
    %get3A_80 = arith.constant 0 : i32
    %get3A_81 = arith.index_cast %get3A_80 : i32 to index
    %get3A_82 = arith.constant 176 : index
    %get3A_83 = tpu.vector_load %arg6[%get3A_81, %get3A_82] {strides = array<i32>} : memref<4x256xf32, #tpu.memory_space<vmem>>, vector<1x16xf32>,
    %get3A_84 = vector.shape_cast %get3A_83 : vector<1x16xf32> to vector<16xf32>
    %get3A_85 = arith.constant 0 : i32
    %get3A_86 = arith.index_cast %get3A_85 : i32 to index
    %get3A_87 = arith.constant 192 : index
    %get3A_88 = tpu.vector_load %arg6[%get3A_86, %get3A_87] {strides = array<i32>} : memref<4x256xf32, #tpu.memory_space<vmem>>, vector<1x16xf32>,
    %get3A_89 = vector.shape_cast %get3A_88 : vector<1x16xf32> to vector<16xf32>
    %get3A_90 = arith.constant 0 : i32
    %get3A_91 = arith.index_cast %get3A_90 : i32 to index
    %get3A_92 = arith.constant 208 : index
    %get3A_93 = tpu.vector_load %arg6[%get3A_91, %get3A_92] {strides = array<i32>} : memref<4x256xf32, #tpu.memory_space<vmem>>, vector<1x16xf32>,
    %get3A_94 = vector.shape_cast %get3A_93 : vector<1x16xf32> to vector<16xf32>
    %get3A_95 = arith.constant 0 : i32
    %get3A_96 = arith.index_cast %get3A_95 : i32 to index
    %get3A_97 = arith.constant 224 : index
    %get3A_98 = tpu.vector_load %arg6[%get3A_96, %get3A_97] {strides = array<i32>} : memref<4x256xf32, #tpu.memory_space<vmem>>, vector<1x16xf32>,
    %get3A_99 = vector.shape_cast %get3A_98 : vector<1x16xf32> to vector<16xf32>
    %get3A_100 = arith.constant 0 : i32
    %get3A_101 = arith.index_cast %get3A_100 : i32 to index
    %get3A_102 = arith.constant 240 : index
    %get3A_103 = tpu.vector_load %arg6[%get3A_101, %get3A_102] {strides = array<i32>} : memref<4x256xf32, #tpu.memory_space<vmem>>, vector<1x16xf32>,
    %get3A_104 = vector.shape_cast %get3A_103 : vector<1x16xf32> to vector<16xf32>
    %dma_wait3A = arith.constant 0 : i32
    %dma_wait3A_105 = arith.constant 0 : i32
    %dma_wait3A_106 = tpu.memref_slice %arg5[%dma_wait3A, %dma_wait3A_105] : memref<128x256xf32, #tpu.memory_space<vmem>> -> memref<64x256xf32, #tpu.memory_space<vmem>>
    %dma_wait3A_107 = arith.constant 0 : i32
    %dma_wait3A_108 = arith.constant 0 : i32
    %dma_wait3A_109 = tpu.memref_slice %arg3[%dma_wait3A_107, %dma_wait3A_108] : memref<128x256xf32, #tpu.memory_space<hbm>> -> memref<64x256xf32, #tpu.memory_space<hbm>>
    %dma_wait3A_110 = arith.constant 0 : i32
    %dma_wait3A_111 = arith.constant 0 : i32
    %dma_wait3A_112 = tpu.memref_slice %arg5[%dma_wait3A_110, %dma_wait3A_111] : memref<128x256xf32, #tpu.memory_space<vmem>> -> memref<64x256xf32, #tpu.memory_space<vmem>>
    %dma_wait3A_113 = arith.constant 0 : i32
    %dma_wait3A_114 = arith.constant 0 : i32
    %dma_wait3A_115 = tpu.memref_slice %arg3[%dma_wait3A_113, %dma_wait3A_114] : memref<128x256xf32, #tpu.memory_space<hbm>> -> memref<64x256xf32, #tpu.memory_space<hbm>>
    tpu.wait_dma2 semaphore(%arg9 : memref<!tpu.dma_semaphore, #tpu.memory_space<semaphore_mem>>) src(%dma_wait3A_115 : memref<64x256xf32, #tpu.memory_space<hbm>>) dst(%dma_wait3A_112 : memref<64x256xf32, #tpu.memory_space<vmem>>)
    %parallel_loop3A = arith.constant 0 : i32
    %parallel_loop3A_116 = arith.constant 64 : i32
    %parallel_loop3A_117 = arith.constant 1 : i32
    %parallel_loop3A_118:16 = scf.for %parallel_loop3A_485 = %parallel_loop3A to %parallel_loop3A_116 step %parallel_loop3A_117 iter_args(%parallel_loop3A_486 = %get3A_29, %parallel_loop3A_487 = %get3A_34, %parallel_loop3A_488 = %get3A_39, %parallel_loop3A_489 = %get3A_44, %parallel_loop3A_490 = %get3A_49, %parallel_loop3A_491 = %get3A_54, %parallel_loop3A_492 = %get3A_59, %parallel_loop3A_493 = %get3A_64, %parallel_loop3A_494 = %get3A_69, %parallel_loop3A_495 = %get3A_74, %parallel_loop3A_496 = %get3A_79, %parallel_loop3A_497 = %get3A_84, %parallel_loop3A_498 = %get3A_89, %parallel_loop3A_499 = %get3A_94, %parallel_loop3A_500 = %get3A_99, %parallel_loop3A_501 = %get3A_104) -> (vector<16xf32>, vector<16xf32>, vector<16xf32>, vector<16xf32>, vector<16xf32>, vector<16xf32>, vector<16xf32>, vector<16xf32>, vector<16xf32>, vector<16xf32>, vector<16xf32>, vector<16xf32>, vector<16xf32>, vector<16xf32>, vector<16xf32>, vector<16xf32>)  : i32 {
      %parallel_loop3A_502 = arith.index_cast %parallel_loop3A_485 : i32 to index
      %parallel_loop3A_503 = arith.constant 0 : index
      %parallel_loop3A_504 = tpu.vector_load %arg5[%parallel_loop3A_502, %parallel_loop3A_503] {strides = array<i32>} : memref<128x256xf32, #tpu.memory_space<vmem>>, vector<1x16xf32>,
      %parallel_loop3A_505 = vector.shape_cast %parallel_loop3A_504 : vector<1x16xf32> to vector<16xf32>
      %parallel_loop3A_506 = arith.addf %parallel_loop3A_505, %parallel_loop3A_486 : vector<16xf32>
      %parallel_loop3A_507 = arith.index_cast %parallel_loop3A_485 : i32 to index
      %parallel_loop3A_508 = arith.constant 0 : index
      %parallel_loop3A_509 = tpu.vector_load %arg7[%parallel_loop3A_507, %parallel_loop3A_508] {strides = array<i32>} : memref<128x256xf32, #tpu.memory_space<vmem>>, vector<1x16xf32>,
      %parallel_loop3A_510 = vector.shape_cast %parallel_loop3A_509 : vector<1x16xf32> to vector<16xf32>
      %parallel_loop3A_511 = vector.shape_cast %parallel_loop3A_506 : vector<16xf32> to vector<1x16xf32>
      tpu.vector_store %arg7[%parallel_loop3A_507, %parallel_loop3A_508], %parallel_loop3A_511 {strides = array<i32>} : memref<128x256xf32, #tpu.memory_space<vmem>>, vector<1x16xf32>,
      %parallel_loop3A_512 = arith.index_cast %parallel_loop3A_485 : i32 to index
      %parallel_loop3A_513 = arith.constant 16 : index
      %parallel_loop3A_514 = tpu.vector_load %arg5[%parallel_loop3A_512, %parallel_loop3A_513] {strides = array<i32>} : memref<128x256xf32, #tpu.memory_space<vmem>>, vector<1x16xf32>,
      %parallel_loop3A_515 = vector.shape_cast %parallel_loop3A_514 : vector<1x16xf32> to vector<16xf32>
      %parallel_loop3A_516 = arith.addf %parallel_loop3A_515, %parallel_loop3A_487 : vector<16xf32>
      %parallel_loop3A_517 = arith.index_cast %parallel_loop3A_485 : i32 to index
      %parallel_loop3A_518 = arith.constant 16 : index
      %parallel_loop3A_519 = tpu.vector_load %arg7[%parallel_loop3A_517, %parallel_loop3A_518] {strides = array<i32>} : memref<128x256xf32, #tpu.memory_space<vmem>>, vector<1x16xf32>,
      %parallel_loop3A_520 = vector.shape_cast %parallel_loop3A_519 : vector<1x16xf32> to vector<16xf32>
      %parallel_loop3A_521 = vector.shape_cast %parallel_loop3A_516 : vector<16xf32> to vector<1x16xf32>
      tpu.vector_store %arg7[%parallel_loop3A_517, %parallel_loop3A_518], %parallel_loop3A_521 {strides = array<i32>} : memref<128x256xf32, #tpu.memory_space<vmem>>, vector<1x16xf32>,
      %parallel_loop3A_522 = arith.index_cast %parallel_loop3A_485 : i32 to index
      %parallel_loop3A_523 = arith.constant 32 : index
      %parallel_loop3A_524 = tpu.vector_load %arg5[%parallel_loop3A_522, %parallel_loop3A_523] {strides = array<i32>} : memref<128x256xf32, #tpu.memory_space<vmem>>, vector<1x16xf32>,
      %parallel_loop3A_525 = vector.shape_cast %parallel_loop3A_524 : vector<1x16xf32> to vector<16xf32>
      %parallel_loop3A_526 = arith.addf %parallel_loop3A_525, %parallel_loop3A_488 : vector<16xf32>
      %parallel_loop3A_527 = arith.index_cast %parallel_loop3A_485 : i32 to index
      %parallel_loop3A_528 = arith.constant 32 : index
      %parallel_loop3A_529 = tpu.vector_load %arg7[%parallel_loop3A_527, %parallel_loop3A_528] {strides = array<i32>} : memref<128x256xf32, #tpu.memory_space<vmem>>, vector<1x16xf32>,
      %parallel_loop3A_530 = vector.shape_cast %parallel_loop3A_529 : vector<1x16xf32> to vector<16xf32>
      %parallel_loop3A_531 = vector.shape_cast %parallel_loop3A_526 : vector<16xf32> to vector<1x16xf32>
      tpu.vector_store %arg7[%parallel_loop3A_527, %parallel_loop3A_528], %parallel_loop3A_531 {strides = array<i32>} : memref<128x256xf32, #tpu.memory_space<vmem>>, vector<1x16xf32>,
      %parallel_loop3A_532 = arith.index_cast %parallel_loop3A_485 : i32 to index
      %parallel_loop3A_533 = arith.constant 48 : index
      %parallel_loop3A_534 = tpu.vector_load %arg5[%parallel_loop3A_532, %parallel_loop3A_533] {strides = array<i32>} : memref<128x256xf32, #tpu.memory_space<vmem>>, vector<1x16xf32>,
      %parallel_loop3A_535 = vector.shape_cast %parallel_loop3A_534 : vector<1x16xf32> to vector<16xf32>
      %parallel_loop3A_536 = arith.addf %parallel_loop3A_535, %parallel_loop3A_489 : vector<16xf32>
      %parallel_loop3A_537 = arith.index_cast %parallel_loop3A_485 : i32 to index
      %parallel_loop3A_538 = arith.constant 48 : index
      %parallel_loop3A_539 = tpu.vector_load %arg7[%parallel_loop3A_537, %parallel_loop3A_538] {strides = array<i32>} : memref<128x256xf32, #tpu.memory_space<vmem>>, vector<1x16xf32>,
      %parallel_loop3A_540 = vector.shape_cast %parallel_loop3A_539 : vector<1x16xf32> to vector<16xf32>
      %parallel_loop3A_541 = vector.shape_cast %parallel_loop3A_536 : vector<16xf32> to vector<1x16xf32>
      tpu.vector_store %arg7[%parallel_loop3A_537, %parallel_loop3A_538], %parallel_loop3A_541 {strides = array<i32>} : memref<128x256xf32, #tpu.memory_space<vmem>>, vector<1x16xf32>,
      %parallel_loop3A_542 = arith.index_cast %parallel_loop3A_485 : i32 to index
      %parallel_loop3A_543 = arith.constant 64 : index
      %parallel_loop3A_544 = tpu.vector_load %arg5[%parallel_loop3A_542, %parallel_loop3A_543] {strides = array<i32>} : memref<128x256xf32, #tpu.memory_space<vmem>>, vector<1x16xf32>,
      %parallel_loop3A_545 = vector.shape_cast %parallel_loop3A_544 : vector<1x16xf32> to vector<16xf32>
      %parallel_loop3A_546 = arith.addf %parallel_loop3A_545, %parallel_loop3A_490 : vector<16xf32>
      %parallel_loop3A_547 = arith.index_cast %parallel_loop3A_485 : i32 to index
      %parallel_loop3A_548 = arith.constant 64 : index
      %parallel_loop3A_549 = tpu.vector_load %arg7[%parallel_loop3A_547, %parallel_loop3A_548] {strides = array<i32>} : memref<128x256xf32, #tpu.memory_space<vmem>>, vector<1x16xf32>,
      %parallel_loop3A_550 = vector.shape_cast %parallel_loop3A_549 : vector<1x16xf32> to vector<16xf32>
      %parallel_loop3A_551 = vector.shape_cast %parallel_loop3A_546 : vector<16xf32> to vector<1x16xf32>
      tpu.vector_store %arg7[%parallel_loop3A_547, %parallel_loop3A_548], %parallel_loop3A_551 {strides = array<i32>} : memref<128x256xf32, #tpu.memory_space<vmem>>, vector<1x16xf32>,
      %parallel_loop3A_552 = arith.index_cast %parallel_loop3A_485 : i32 to index
      %parallel_loop3A_553 = arith.constant 80 : index
      %parallel_loop3A_554 = tpu.vector_load %arg5[%parallel_loop3A_552, %parallel_loop3A_553] {strides = array<i32>} : memref<128x256xf32, #tpu.memory_space<vmem>>, vector<1x16xf32>,
      %parallel_loop3A_555 = vector.shape_cast %parallel_loop3A_554 : vector<1x16xf32> to vector<16xf32>
      %parallel_loop3A_556 = arith.addf %parallel_loop3A_555, %parallel_loop3A_491 : vector<16xf32>
      %parallel_loop3A_557 = arith.index_cast %parallel_loop3A_485 : i32 to index
      %parallel_loop3A_558 = arith.constant 80 : index
      %parallel_loop3A_559 = tpu.vector_load %arg7[%parallel_loop3A_557, %parallel_loop3A_558] {strides = array<i32>} : memref<128x256xf32, #tpu.memory_space<vmem>>, vector<1x16xf32>,
      %parallel_loop3A_560 = vector.shape_cast %parallel_loop3A_559 : vector<1x16xf32> to vector<16xf32>
      %parallel_loop3A_561 = vector.shape_cast %parallel_loop3A_556 : vector<16xf32> to vector<1x16xf32>
      tpu.vector_store %arg7[%parallel_loop3A_557, %parallel_loop3A_558], %parallel_loop3A_561 {strides = array<i32>} : memref<128x256xf32, #tpu.memory_space<vmem>>, vector<1x16xf32>,
      %parallel_loop3A_562 = arith.index_cast %parallel_loop3A_485 : i32 to index
      %parallel_loop3A_563 = arith.constant 96 : index
      %parallel_loop3A_564 = tpu.vector_load %arg5[%parallel_loop3A_562, %parallel_loop3A_563] {strides = array<i32>} : memref<128x256xf32, #tpu.memory_space<vmem>>, vector<1x16xf32>,
      %parallel_loop3A_565 = vector.shape_cast %parallel_loop3A_564 : vector<1x16xf32> to vector<16xf32>
      %parallel_loop3A_566 = arith.addf %parallel_loop3A_565, %parallel_loop3A_492 : vector<16xf32>
      %parallel_loop3A_567 = arith.index_cast %parallel_loop3A_485 : i32 to index
      %parallel_loop3A_568 = arith.constant 96 : index
      %parallel_loop3A_569 = tpu.vector_load %arg7[%parallel_loop3A_567, %parallel_loop3A_568] {strides = array<i32>} : memref<128x256xf32, #tpu.memory_space<vmem>>, vector<1x16xf32>,
      %parallel_loop3A_570 = vector.shape_cast %parallel_loop3A_569 : vector<1x16xf32> to vector<16xf32>
      %parallel_loop3A_571 = vector.shape_cast %parallel_loop3A_566 : vector<16xf32> to vector<1x16xf32>
      tpu.vector_store %arg7[%parallel_loop3A_567, %parallel_loop3A_568], %parallel_loop3A_571 {strides = array<i32>} : memref<128x256xf32, #tpu.memory_space<vmem>>, vector<1x16xf32>,
      %parallel_loop3A_572 = arith.index_cast %parallel_loop3A_485 : i32 to index
      %parallel_loop3A_573 = arith.constant 112 : index
      %parallel_loop3A_574 = tpu.vector_load %arg5[%parallel_loop3A_572, %parallel_loop3A_573] {strides = array<i32>} : memref<128x256xf32, #tpu.memory_space<vmem>>, vector<1x16xf32>,
      %parallel_loop3A_575 = vector.shape_cast %parallel_loop3A_574 : vector<1x16xf32> to vector<16xf32>
      %parallel_loop3A_576 = arith.addf %parallel_loop3A_575, %parallel_loop3A_493 : vector<16xf32>
      %parallel_loop3A_577 = arith.index_cast %parallel_loop3A_485 : i32 to index
      %parallel_loop3A_578 = arith.constant 112 : index
      %parallel_loop3A_579 = tpu.vector_load %arg7[%parallel_loop3A_577, %parallel_loop3A_578] {strides = array<i32>} : memref<128x256xf32, #tpu.memory_space<vmem>>, vector<1x16xf32>,
      %parallel_loop3A_580 = vector.shape_cast %parallel_loop3A_579 : vector<1x16xf32> to vector<16xf32>
      %parallel_loop3A_581 = vector.shape_cast %parallel_loop3A_576 : vector<16xf32> to vector<1x16xf32>
      tpu.vector_store %arg7[%parallel_loop3A_577, %parallel_loop3A_578], %parallel_loop3A_581 {strides = array<i32>} : memref<128x256xf32, #tpu.memory_space<vmem>>, vector<1x16xf32>,
      %parallel_loop3A_582 = arith.index_cast %parallel_loop3A_485 : i32 to index
      %parallel_loop3A_583 = arith.constant 128 : index
      %parallel_loop3A_584 = tpu.vector_load %arg5[%parallel_loop3A_582, %parallel_loop3A_583] {strides = array<i32>} : memref<128x256xf32, #tpu.memory_space<vmem>>, vector<1x16xf32>,
      %parallel_loop3A_585 = vector.shape_cast %parallel_loop3A_584 : vector<1x16xf32> to vector<16xf32>
      %parallel_loop3A_586 = arith.addf %parallel_loop3A_585, %parallel_loop3A_494 : vector<16xf32>
      %parallel_loop3A_587 = arith.index_cast %parallel_loop3A_485 : i32 to index
      %parallel_loop3A_588 = arith.constant 128 : index
      %parallel_loop3A_589 = tpu.vector_load %arg7[%parallel_loop3A_587, %parallel_loop3A_588] {strides = array<i32>} : memref<128x256xf32, #tpu.memory_space<vmem>>, vector<1x16xf32>,
      %parallel_loop3A_590 = vector.shape_cast %parallel_loop3A_589 : vector<1x16xf32> to vector<16xf32>
      %parallel_loop3A_591 = vector.shape_cast %parallel_loop3A_586 : vector<16xf32> to vector<1x16xf32>
      tpu.vector_store %arg7[%parallel_loop3A_587, %parallel_loop3A_588], %parallel_loop3A_591 {strides = array<i32>} : memref<128x256xf32, #tpu.memory_space<vmem>>, vector<1x16xf32>,
      %parallel_loop3A_592 = arith.index_cast %parallel_loop3A_485 : i32 to index
      %parallel_loop3A_593 = arith.constant 144 : index
      %parallel_loop3A_594 = tpu.vector_load %arg5[%parallel_loop3A_592, %parallel_loop3A_593] {strides = array<i32>} : memref<128x256xf32, #tpu.memory_space<vmem>>, vector<1x16xf32>,
      %parallel_loop3A_595 = vector.shape_cast %parallel_loop3A_594 : vector<1x16xf32> to vector<16xf32>
      %parallel_loop3A_596 = arith.addf %parallel_loop3A_595, %parallel_loop3A_495 : vector<16xf32>
      %parallel_loop3A_597 = arith.index_cast %parallel_loop3A_485 : i32 to index
      %parallel_loop3A_598 = arith.constant 144 : index
      %parallel_loop3A_599 = tpu.vector_load %arg7[%parallel_loop3A_597, %parallel_loop3A_598] {strides = array<i32>} : memref<128x256xf32, #tpu.memory_space<vmem>>, vector<1x16xf32>,
      %parallel_loop3A_600 = vector.shape_cast %parallel_loop3A_599 : vector<1x16xf32> to vector<16xf32>
      %parallel_loop3A_601 = vector.shape_cast %parallel_loop3A_596 : vector<16xf32> to vector<1x16xf32>
      tpu.vector_store %arg7[%parallel_loop3A_597, %parallel_loop3A_598], %parallel_loop3A_601 {strides = array<i32>} : memref<128x256xf32, #tpu.memory_space<vmem>>, vector<1x16xf32>,
      %parallel_loop3A_602 = arith.index_cast %parallel_loop3A_485 : i32 to index
      %parallel_loop3A_603 = arith.constant 160 : index
      %parallel_loop3A_604 = tpu.vector_load %arg5[%parallel_loop3A_602, %parallel_loop3A_603] {strides = array<i32>} : memref<128x256xf32, #tpu.memory_space<vmem>>, vector<1x16xf32>,
      %parallel_loop3A_605 = vector.shape_cast %parallel_loop3A_604 : vector<1x16xf32> to vector<16xf32>
      %parallel_loop3A_606 = arith.addf %parallel_loop3A_605, %parallel_loop3A_496 : vector<16xf32>
      %parallel_loop3A_607 = arith.index_cast %parallel_loop3A_485 : i32 to index
      %parallel_loop3A_608 = arith.constant 160 : index
      %parallel_loop3A_609 = tpu.vector_load %arg7[%parallel_loop3A_607, %parallel_loop3A_608] {strides = array<i32>} : memref<128x256xf32, #tpu.memory_space<vmem>>, vector<1x16xf32>,
      %parallel_loop3A_610 = vector.shape_cast %parallel_loop3A_609 : vector<1x16xf32> to vector<16xf32>
      %parallel_loop3A_611 = vector.shape_cast %parallel_loop3A_606 : vector<16xf32> to vector<1x16xf32>
      tpu.vector_store %arg7[%parallel_loop3A_607, %parallel_loop3A_608], %parallel_loop3A_611 {strides = array<i32>} : memref<128x256xf32, #tpu.memory_space<vmem>>, vector<1x16xf32>,
      %parallel_loop3A_612 = arith.index_cast %parallel_loop3A_485 : i32 to index
      %parallel_loop3A_613 = arith.constant 176 : index
      %parallel_loop3A_614 = tpu.vector_load %arg5[%parallel_loop3A_612, %parallel_loop3A_613] {strides = array<i32>} : memref<128x256xf32, #tpu.memory_space<vmem>>, vector<1x16xf32>,
      %parallel_loop3A_615 = vector.shape_cast %parallel_loop3A_614 : vector<1x16xf32> to vector<16xf32>
      %parallel_loop3A_616 = arith.addf %parallel_loop3A_615, %parallel_loop3A_497 : vector<16xf32>
      %parallel_loop3A_617 = arith.index_cast %parallel_loop3A_485 : i32 to index
      %parallel_loop3A_618 = arith.constant 176 : index
      %parallel_loop3A_619 = tpu.vector_load %arg7[%parallel_loop3A_617, %parallel_loop3A_618] {strides = array<i32>} : memref<128x256xf32, #tpu.memory_space<vmem>>, vector<1x16xf32>,
      %parallel_loop3A_620 = vector.shape_cast %parallel_loop3A_619 : vector<1x16xf32> to vector<16xf32>
      %parallel_loop3A_621 = vector.shape_cast %parallel_loop3A_616 : vector<16xf32> to vector<1x16xf32>
      tpu.vector_store %arg7[%parallel_loop3A_617, %parallel_loop3A_618], %parallel_loop3A_621 {strides = array<i32>} : memref<128x256xf32, #tpu.memory_space<vmem>>, vector<1x16xf32>,
      %parallel_loop3A_622 = arith.index_cast %parallel_loop3A_485 : i32 to index
      %parallel_loop3A_623 = arith.constant 192 : index
      %parallel_loop3A_624 = tpu.vector_load %arg5[%parallel_loop3A_622, %parallel_loop3A_623] {strides = array<i32>} : memref<128x256xf32, #tpu.memory_space<vmem>>, vector<1x16xf32>,
      %parallel_loop3A_625 = vector.shape_cast %parallel_loop3A_624 : vector<1x16xf32> to vector<16xf32>
      %parallel_loop3A_626 = arith.addf %parallel_loop3A_625, %parallel_loop3A_498 : vector<16xf32>
      %parallel_loop3A_627 = arith.index_cast %parallel_loop3A_485 : i32 to index
      %parallel_loop3A_628 = arith.constant 192 : index
      %parallel_loop3A_629 = tpu.vector_load %arg7[%parallel_loop3A_627, %parallel_loop3A_628] {strides = array<i32>} : memref<128x256xf32, #tpu.memory_space<vmem>>, vector<1x16xf32>,
      %parallel_loop3A_630 = vector.shape_cast %parallel_loop3A_629 : vector<1x16xf32> to vector<16xf32>
      %parallel_loop3A_631 = vector.shape_cast %parallel_loop3A_626 : vector<16xf32> to vector<1x16xf32>
      tpu.vector_store %arg7[%parallel_loop3A_627, %parallel_loop3A_628], %parallel_loop3A_631 {strides = array<i32>} : memref<128x256xf32, #tpu.memory_space<vmem>>, vector<1x16xf32>,
      %parallel_loop3A_632 = arith.index_cast %parallel_loop3A_485 : i32 to index
      %parallel_loop3A_633 = arith.constant 208 : index
      %parallel_loop3A_634 = tpu.vector_load %arg5[%parallel_loop3A_632, %parallel_loop3A_633] {strides = array<i32>} : memref<128x256xf32, #tpu.memory_space<vmem>>, vector<1x16xf32>,
      %parallel_loop3A_635 = vector.shape_cast %parallel_loop3A_634 : vector<1x16xf32> to vector<16xf32>
      %parallel_loop3A_636 = arith.addf %parallel_loop3A_635, %parallel_loop3A_499 : vector<16xf32>
      %parallel_loop3A_637 = arith.index_cast %parallel_loop3A_485 : i32 to index
      %parallel_loop3A_638 = arith.constant 208 : index
      %parallel_loop3A_639 = tpu.vector_load %arg7[%parallel_loop3A_637, %parallel_loop3A_638] {strides = array<i32>} : memref<128x256xf32, #tpu.memory_space<vmem>>, vector<1x16xf32>,
      %parallel_loop3A_640 = vector.shape_cast %parallel_loop3A_639 : vector<1x16xf32> to vector<16xf32>
      %parallel_loop3A_641 = vector.shape_cast %parallel_loop3A_636 : vector<16xf32> to vector<1x16xf32>
      tpu.vector_store %arg7[%parallel_loop3A_637, %parallel_loop3A_638], %parallel_loop3A_641 {strides = array<i32>} : memref<128x256xf32, #tpu.memory_space<vmem>>, vector<1x16xf32>,
      %parallel_loop3A_642 = arith.index_cast %parallel_loop3A_485 : i32 to index
      %parallel_loop3A_643 = arith.constant 224 : index
      %parallel_loop3A_644 = tpu.vector_load %arg5[%parallel_loop3A_642, %parallel_loop3A_643] {strides = array<i32>} : memref<128x256xf32, #tpu.memory_space<vmem>>, vector<1x16xf32>,
      %parallel_loop3A_645 = vector.shape_cast %parallel_loop3A_644 : vector<1x16xf32> to vector<16xf32>
      %parallel_loop3A_646 = arith.addf %parallel_loop3A_645, %parallel_loop3A_500 : vector<16xf32>
      %parallel_loop3A_647 = arith.index_cast %parallel_loop3A_485 : i32 to index
      %parallel_loop3A_648 = arith.constant 224 : index
      %parallel_loop3A_649 = tpu.vector_load %arg7[%parallel_loop3A_647, %parallel_loop3A_648] {strides = array<i32>} : memref<128x256xf32, #tpu.memory_space<vmem>>, vector<1x16xf32>,
      %parallel_loop3A_650 = vector.shape_cast %parallel_loop3A_649 : vector<1x16xf32> to vector<16xf32>
      %parallel_loop3A_651 = vector.shape_cast %parallel_loop3A_646 : vector<16xf32> to vector<1x16xf32>
      tpu.vector_store %arg7[%parallel_loop3A_647, %parallel_loop3A_648], %parallel_loop3A_651 {strides = array<i32>} : memref<128x256xf32, #tpu.memory_space<vmem>>, vector<1x16xf32>,
      %parallel_loop3A_652 = arith.index_cast %parallel_loop3A_485 : i32 to index
      %parallel_loop3A_653 = arith.constant 240 : index
      %parallel_loop3A_654 = tpu.vector_load %arg5[%parallel_loop3A_652, %parallel_loop3A_653] {strides = array<i32>} : memref<128x256xf32, #tpu.memory_space<vmem>>, vector<1x16xf32>,
      %parallel_loop3A_655 = vector.shape_cast %parallel_loop3A_654 : vector<1x16xf32> to vector<16xf32>
      %parallel_loop3A_656 = arith.addf %parallel_loop3A_655, %parallel_loop3A_501 : vector<16xf32>
      %parallel_loop3A_657 = arith.index_cast %parallel_loop3A_485 : i32 to index
      %parallel_loop3A_658 = arith.constant 240 : index
      %parallel_loop3A_659 = tpu.vector_load %arg7[%parallel_loop3A_657, %parallel_loop3A_658] {strides = array<i32>} : memref<128x256xf32, #tpu.memory_space<vmem>>, vector<1x16xf32>,
      %parallel_loop3A_660 = vector.shape_cast %parallel_loop3A_659 : vector<1x16xf32> to vector<16xf32>
      %parallel_loop3A_661 = vector.shape_cast %parallel_loop3A_656 : vector<16xf32> to vector<1x16xf32>
      tpu.vector_store %arg7[%parallel_loop3A_657, %parallel_loop3A_658], %parallel_loop3A_661 {strides = array<i32>} : memref<128x256xf32, #tpu.memory_space<vmem>>, vector<1x16xf32>,
      scf.yield %parallel_loop3A_486, %parallel_loop3A_487, %parallel_loop3A_488, %parallel_loop3A_489, %parallel_loop3A_490, %parallel_loop3A_491, %parallel_loop3A_492, %parallel_loop3A_493, %parallel_loop3A_494, %parallel_loop3A_495, %parallel_loop3A_496, %parallel_loop3A_497, %parallel_loop3A_498, %parallel_loop3A_499, %parallel_loop3A_500, %parallel_loop3A_501 : vector<16xf32>, vector<16xf32>, vector<16xf32>, vector<16xf32>, vector<16xf32>, vector<16xf32>, vector<16xf32>, vector<16xf32>, vector<16xf32>, vector<16xf32>, vector<16xf32>, vector<16xf32>, vector<16xf32>, vector<16xf32>, vector<16xf32>, vector<16xf32>
    } {sc.loop_unroll_factor = 2 : i64, sc.parallel_access}
    %dma_wait3A_119 = arith.constant 64 : i32
    %dma_wait3A_120 = arith.constant 0 : i32
    %dma_wait3A_121 = tpu.memref_slice %arg5[%dma_wait3A_119, %dma_wait3A_120] : memref<128x256xf32, #tpu.memory_space<vmem>> -> memref<64x256xf32, #tpu.memory_space<vmem>>
    %dma_wait3A_122 = arith.constant 64 : i32
    %dma_wait3A_123 = arith.constant 0 : i32
    %dma_wait3A_124 = tpu.memref_slice %arg3[%dma_wait3A_122, %dma_wait3A_123] : memref<128x256xf32, #tpu.memory_space<hbm>> -> memref<64x256xf32, #tpu.memory_space<hbm>>
    %dma_wait3A_125 = arith.constant 64 : i32
    %dma_wait3A_126 = arith.constant 0 : i32
    %dma_wait3A_127 = tpu.memref_slice %arg5[%dma_wait3A_125, %dma_wait3A_126] : memref<128x256xf32, #tpu.memory_space<vmem>> -> memref<64x256xf32, #tpu.memory_space<vmem>>
    %dma_wait3A_128 = arith.constant 64 : i32
    %dma_wait3A_129 = arith.constant 0 : i32
    %dma_wait3A_130 = tpu.memref_slice %arg3[%dma_wait3A_128, %dma_wait3A_129] : memref<128x256xf32, #tpu.memory_space<hbm>> -> memref<64x256xf32, #tpu.memory_space<hbm>>
    tpu.wait_dma2 semaphore(%arg10 : memref<!tpu.dma_semaphore, #tpu.memory_space<semaphore_mem>>) src(%dma_wait3A_130 : memref<64x256xf32, #tpu.memory_space<hbm>>) dst(%dma_wait3A_127 : memref<64x256xf32, #tpu.memory_space<vmem>>)
    %parallel_loop3A_131 = arith.constant 64 : i32
    %parallel_loop3A_132 = arith.constant 128 : i32
    %parallel_loop3A_133 = arith.constant 1 : i32
    %parallel_loop3A_134:16 = scf.for %parallel_loop3A_485 = %parallel_loop3A_131 to %parallel_loop3A_132 step %parallel_loop3A_133 iter_args(%parallel_loop3A_486 = %get3A_29, %parallel_loop3A_487 = %get3A_34, %parallel_loop3A_488 = %get3A_39, %parallel_loop3A_489 = %get3A_44, %parallel_loop3A_490 = %get3A_49, %parallel_loop3A_491 = %get3A_54, %parallel_loop3A_492 = %get3A_59, %parallel_loop3A_493 = %get3A_64, %parallel_loop3A_494 = %get3A_69, %parallel_loop3A_495 = %get3A_74, %parallel_loop3A_496 = %get3A_79, %parallel_loop3A_497 = %get3A_84, %parallel_loop3A_498 = %get3A_89, %parallel_loop3A_499 = %get3A_94, %parallel_loop3A_500 = %get3A_99, %parallel_loop3A_501 = %get3A_104) -> (vector<16xf32>, vector<16xf32>, vector<16xf32>, vector<16xf32>, vector<16xf32>, vector<16xf32>, vector<16xf32>, vector<16xf32>, vector<16xf32>, vector<16xf32>, vector<16xf32>, vector<16xf32>, vector<16xf32>, vector<16xf32>, vector<16xf32>, vector<16xf32>)  : i32 {
      %parallel_loop3A_502 = arith.index_cast %parallel_loop3A_485 : i32 to index
      %parallel_loop3A_503 = arith.constant 0 : index
      %parallel_loop3A_504 = tpu.vector_load %arg5[%parallel_loop3A_502, %parallel_loop3A_503] {strides = array<i32>} : memref<128x256xf32, #tpu.memory_space<vmem>>, vector<1x16xf32>,
      %parallel_loop3A_505 = vector.shape_cast %parallel_loop3A_504 : vector<1x16xf32> to vector<16xf32>
      %parallel_loop3A_506 = arith.addf %parallel_loop3A_505, %parallel_loop3A_486 : vector<16xf32>
      %parallel_loop3A_507 = arith.index_cast %parallel_loop3A_485 : i32 to index
      %parallel_loop3A_508 = arith.constant 0 : index
      %parallel_loop3A_509 = tpu.vector_load %arg7[%parallel_loop3A_507, %parallel_loop3A_508] {strides = array<i32>} : memref<128x256xf32, #tpu.memory_space<vmem>>, vector<1x16xf32>,
      %parallel_loop3A_510 = vector.shape_cast %parallel_loop3A_509 : vector<1x16xf32> to vector<16xf32>
      %parallel_loop3A_511 = vector.shape_cast %parallel_loop3A_506 : vector<16xf32> to vector<1x16xf32>
      tpu.vector_store %arg7[%parallel_loop3A_507, %parallel_loop3A_508], %parallel_loop3A_511 {strides = array<i32>} : memref<128x256xf32, #tpu.memory_space<vmem>>, vector<1x16xf32>,
      %parallel_loop3A_512 = arith.index_cast %parallel_loop3A_485 : i32 to index
      %parallel_loop3A_513 = arith.constant 16 : index
      %parallel_loop3A_514 = tpu.vector_load %arg5[%parallel_loop3A_512, %parallel_loop3A_513] {strides = array<i32>} : memref<128x256xf32, #tpu.memory_space<vmem>>, vector<1x16xf32>,
      %parallel_loop3A_515 = vector.shape_cast %parallel_loop3A_514 : vector<1x16xf32> to vector<16xf32>
      %parallel_loop3A_516 = arith.addf %parallel_loop3A_515, %parallel_loop3A_487 : vector<16xf32>
      %parallel_loop3A_517 = arith.index_cast %parallel_loop3A_485 : i32 to index
      %parallel_loop3A_518 = arith.constant 16 : index
      %parallel_loop3A_519 = tpu.vector_load %arg7[%parallel_loop3A_517, %parallel_loop3A_518] {strides = array<i32>} : memref<128x256xf32, #tpu.memory_space<vmem>>, vector<1x16xf32>,
      %parallel_loop3A_520 = vector.shape_cast %parallel_loop3A_519 : vector<1x16xf32> to vector<16xf32>
      %parallel_loop3A_521 = vector.shape_cast %parallel_loop3A_516 : vector<16xf32> to vector<1x16xf32>
      tpu.vector_store %arg7[%parallel_loop3A_517, %parallel_loop3A_518], %parallel_loop3A_521 {strides = array<i32>} : memref<128x256xf32, #tpu.memory_space<vmem>>, vector<1x16xf32>,
      %parallel_loop3A_522 = arith.index_cast %parallel_loop3A_485 : i32 to index
      %parallel_loop3A_523 = arith.constant 32 : index
      %parallel_loop3A_524 = tpu.vector_load %arg5[%parallel_loop3A_522, %parallel_loop3A_523] {strides = array<i32>} : memref<128x256xf32, #tpu.memory_space<vmem>>, vector<1x16xf32>,
      %parallel_loop3A_525 = vector.shape_cast %parallel_loop3A_524 : vector<1x16xf32> to vector<16xf32>
      %parallel_loop3A_526 = arith.addf %parallel_loop3A_525, %parallel_loop3A_488 : vector<16xf32>
      %parallel_loop3A_527 = arith.index_cast %parallel_loop3A_485 : i32 to index
      %parallel_loop3A_528 = arith.constant 32 : index
      %parallel_loop3A_529 = tpu.vector_load %arg7[%parallel_loop3A_527, %parallel_loop3A_528] {strides = array<i32>} : memref<128x256xf32, #tpu.memory_space<vmem>>, vector<1x16xf32>,
      %parallel_loop3A_530 = vector.shape_cast %parallel_loop3A_529 : vector<1x16xf32> to vector<16xf32>
      %parallel_loop3A_531 = vector.shape_cast %parallel_loop3A_526 : vector<16xf32> to vector<1x16xf32>
      tpu.vector_store %arg7[%parallel_loop3A_527, %parallel_loop3A_528], %parallel_loop3A_531 {strides = array<i32>} : memref<128x256xf32, #tpu.memory_space<vmem>>, vector<1x16xf32>,
      %parallel_loop3A_532 = arith.index_cast %parallel_loop3A_485 : i32 to index
      %parallel_loop3A_533 = arith.constant 48 : index
      %parallel_loop3A_534 = tpu.vector_load %arg5[%parallel_loop3A_532, %parallel_loop3A_533] {strides = array<i32>} : memref<128x256xf32, #tpu.memory_space<vmem>>, vector<1x16xf32>,
      %parallel_loop3A_535 = vector.shape_cast %parallel_loop3A_534 : vector<1x16xf32> to vector<16xf32>
      %parallel_loop3A_536 = arith.addf %parallel_loop3A_535, %parallel_loop3A_489 : vector<16xf32>
      %parallel_loop3A_537 = arith.index_cast %parallel_loop3A_485 : i32 to index
      %parallel_loop3A_538 = arith.constant 48 : index
      %parallel_loop3A_539 = tpu.vector_load %arg7[%parallel_loop3A_537, %parallel_loop3A_538] {strides = array<i32>} : memref<128x256xf32, #tpu.memory_space<vmem>>, vector<1x16xf32>,
      %parallel_loop3A_540 = vector.shape_cast %parallel_loop3A_539 : vector<1x16xf32> to vector<16xf32>
      %parallel_loop3A_541 = vector.shape_cast %parallel_loop3A_536 : vector<16xf32> to vector<1x16xf32>
      tpu.vector_store %arg7[%parallel_loop3A_537, %parallel_loop3A_538], %parallel_loop3A_541 {strides = array<i32>} : memref<128x256xf32, #tpu.memory_space<vmem>>, vector<1x16xf32>,
      %parallel_loop3A_542 = arith.index_cast %parallel_loop3A_485 : i32 to index
      %parallel_loop3A_543 = arith.constant 64 : index
      %parallel_loop3A_544 = tpu.vector_load %arg5[%parallel_loop3A_542, %parallel_loop3A_543] {strides = array<i32>} : memref<128x256xf32, #tpu.memory_space<vmem>>, vector<1x16xf32>,
      %parallel_loop3A_545 = vector.shape_cast %parallel_loop3A_544 : vector<1x16xf32> to vector<16xf32>
      %parallel_loop3A_546 = arith.addf %parallel_loop3A_545, %parallel_loop3A_490 : vector<16xf32>
      %parallel_loop3A_547 = arith.index_cast %parallel_loop3A_485 : i32 to index
      %parallel_loop3A_548 = arith.constant 64 : index
      %parallel_loop3A_549 = tpu.vector_load %arg7[%parallel_loop3A_547, %parallel_loop3A_548] {strides = array<i32>} : memref<128x256xf32, #tpu.memory_space<vmem>>, vector<1x16xf32>,
      %parallel_loop3A_550 = vector.shape_cast %parallel_loop3A_549 : vector<1x16xf32> to vector<16xf32>
      %parallel_loop3A_551 = vector.shape_cast %parallel_loop3A_546 : vector<16xf32> to vector<1x16xf32>
      tpu.vector_store %arg7[%parallel_loop3A_547, %parallel_loop3A_548], %parallel_loop3A_551 {strides = array<i32>} : memref<128x256xf32, #tpu.memory_space<vmem>>, vector<1x16xf32>,
      %parallel_loop3A_552 = arith.index_cast %parallel_loop3A_485 : i32 to index
      %parallel_loop3A_553 = arith.constant 80 : index
      %parallel_loop3A_554 = tpu.vector_load %arg5[%parallel_loop3A_552, %parallel_loop3A_553] {strides = array<i32>} : memref<128x256xf32, #tpu.memory_space<vmem>>, vector<1x16xf32>,
      %parallel_loop3A_555 = vector.shape_cast %parallel_loop3A_554 : vector<1x16xf32> to vector<16xf32>
      %parallel_loop3A_556 = arith.addf %parallel_loop3A_555, %parallel_loop3A_491 : vector<16xf32>
      %parallel_loop3A_557 = arith.index_cast %parallel_loop3A_485 : i32 to index
      %parallel_loop3A_558 = arith.constant 80 : index
      %parallel_loop3A_559 = tpu.vector_load %arg7[%parallel_loop3A_557, %parallel_loop3A_558] {strides = array<i32>} : memref<128x256xf32, #tpu.memory_space<vmem>>, vector<1x16xf32>,
      %parallel_loop3A_560 = vector.shape_cast %parallel_loop3A_559 : vector<1x16xf32> to vector<16xf32>
      %parallel_loop3A_561 = vector.shape_cast %parallel_loop3A_556 : vector<16xf32> to vector<1x16xf32>
      tpu.vector_store %arg7[%parallel_loop3A_557, %parallel_loop3A_558], %parallel_loop3A_561 {strides = array<i32>} : memref<128x256xf32, #tpu.memory_space<vmem>>, vector<1x16xf32>,
      %parallel_loop3A_562 = arith.index_cast %parallel_loop3A_485 : i32 to index
      %parallel_loop3A_563 = arith.constant 96 : index
      %parallel_loop3A_564 = tpu.vector_load %arg5[%parallel_loop3A_562, %parallel_loop3A_563] {strides = array<i32>} : memref<128x256xf32, #tpu.memory_space<vmem>>, vector<1x16xf32>,
      %parallel_loop3A_565 = vector.shape_cast %parallel_loop3A_564 : vector<1x16xf32> to vector<16xf32>
      %parallel_loop3A_566 = arith.addf %parallel_loop3A_565, %parallel_loop3A_492 : vector<16xf32>
      %parallel_loop3A_567 = arith.index_cast %parallel_loop3A_485 : i32 to index
      %parallel_loop3A_568 = arith.constant 96 : index
      %parallel_loop3A_569 = tpu.vector_load %arg7[%parallel_loop3A_567, %parallel_loop3A_568] {strides = array<i32>} : memref<128x256xf32, #tpu.memory_space<vmem>>, vector<1x16xf32>,
      %parallel_loop3A_570 = vector.shape_cast %parallel_loop3A_569 : vector<1x16xf32> to vector<16xf32>
      %parallel_loop3A_571 = vector.shape_cast %parallel_loop3A_566 : vector<16xf32> to vector<1x16xf32>
      tpu.vector_store %arg7[%parallel_loop3A_567, %parallel_loop3A_568], %parallel_loop3A_571 {strides = array<i32>} : memref<128x256xf32, #tpu.memory_space<vmem>>, vector<1x16xf32>,
      %parallel_loop3A_572 = arith.index_cast %parallel_loop3A_485 : i32 to index
      %parallel_loop3A_573 = arith.constant 112 : index
      %parallel_loop3A_574 = tpu.vector_load %arg5[%parallel_loop3A_572, %parallel_loop3A_573] {strides = array<i32>} : memref<128x256xf32, #tpu.memory_space<vmem>>, vector<1x16xf32>,
      %parallel_loop3A_575 = vector.shape_cast %parallel_loop3A_574 : vector<1x16xf32> to vector<16xf32>
      %parallel_loop3A_576 = arith.addf %parallel_loop3A_575, %parallel_loop3A_493 : vector<16xf32>
      %parallel_loop3A_577 = arith.index_cast %parallel_loop3A_485 : i32 to index
      %parallel_loop3A_578 = arith.constant 112 : index
      %parallel_loop3A_579 = tpu.vector_load %arg7[%parallel_loop3A_577, %parallel_loop3A_578] {strides = array<i32>} : memref<128x256xf32, #tpu.memory_space<vmem>>, vector<1x16xf32>,
      %parallel_loop3A_580 = vector.shape_cast %parallel_loop3A_579 : vector<1x16xf32> to vector<16xf32>
      %parallel_loop3A_581 = vector.shape_cast %parallel_loop3A_576 : vector<16xf32> to vector<1x16xf32>
      tpu.vector_store %arg7[%parallel_loop3A_577, %parallel_loop3A_578], %parallel_loop3A_581 {strides = array<i32>} : memref<128x256xf32, #tpu.memory_space<vmem>>, vector<1x16xf32>,
      %parallel_loop3A_582 = arith.index_cast %parallel_loop3A_485 : i32 to index
      %parallel_loop3A_583 = arith.constant 128 : index
      %parallel_loop3A_584 = tpu.vector_load %arg5[%parallel_loop3A_582, %parallel_loop3A_583] {strides = array<i32>} : memref<128x256xf32, #tpu.memory_space<vmem>>, vector<1x16xf32>,
      %parallel_loop3A_585 = vector.shape_cast %parallel_loop3A_584 : vector<1x16xf32> to vector<16xf32>
      %parallel_loop3A_586 = arith.addf %parallel_loop3A_585, %parallel_loop3A_494 : vector<16xf32>
      %parallel_loop3A_587 = arith.index_cast %parallel_loop3A_485 : i32 to index
      %parallel_loop3A_588 = arith.constant 128 : index
      %parallel_loop3A_589 = tpu.vector_load %arg7[%parallel_loop3A_587, %parallel_loop3A_588] {strides = array<i32>} : memref<128x256xf32, #tpu.memory_space<vmem>>, vector<1x16xf32>,
      %parallel_loop3A_590 = vector.shape_cast %parallel_loop3A_589 : vector<1x16xf32> to vector<16xf32>
      %parallel_loop3A_591 = vector.shape_cast %parallel_loop3A_586 : vector<16xf32> to vector<1x16xf32>
      tpu.vector_store %arg7[%parallel_loop3A_587, %parallel_loop3A_588], %parallel_loop3A_591 {strides = array<i32>} : memref<128x256xf32, #tpu.memory_space<vmem>>, vector<1x16xf32>,
      %parallel_loop3A_592 = arith.index_cast %parallel_loop3A_485 : i32 to index
      %parallel_loop3A_593 = arith.constant 144 : index
      %parallel_loop3A_594 = tpu.vector_load %arg5[%parallel_loop3A_592, %parallel_loop3A_593] {strides = array<i32>} : memref<128x256xf32, #tpu.memory_space<vmem>>, vector<1x16xf32>,
      %parallel_loop3A_595 = vector.shape_cast %parallel_loop3A_594 : vector<1x16xf32> to vector<16xf32>
      %parallel_loop3A_596 = arith.addf %parallel_loop3A_595, %parallel_loop3A_495 : vector<16xf32>
      %parallel_loop3A_597 = arith.index_cast %parallel_loop3A_485 : i32 to index
      %parallel_loop3A_598 = arith.constant 144 : index
      %parallel_loop3A_599 = tpu.vector_load %arg7[%parallel_loop3A_597, %parallel_loop3A_598] {strides = array<i32>} : memref<128x256xf32, #tpu.memory_space<vmem>>, vector<1x16xf32>,
      %parallel_loop3A_600 = vector.shape_cast %parallel_loop3A_599 : vector<1x16xf32> to vector<16xf32>
      %parallel_loop3A_601 = vector.shape_cast %parallel_loop3A_596 : vector<16xf32> to vector<1x16xf32>
      tpu.vector_store %arg7[%parallel_loop3A_597, %parallel_loop3A_598], %parallel_loop3A_601 {strides = array<i32>} : memref<128x256xf32, #tpu.memory_space<vmem>>, vector<1x16xf32>,
      %parallel_loop3A_602 = arith.index_cast %parallel_loop3A_485 : i32 to index
      %parallel_loop3A_603 = arith.constant 160 : index
      %parallel_loop3A_604 = tpu.vector_load %arg5[%parallel_loop3A_602, %parallel_loop3A_603] {strides = array<i32>} : memref<128x256xf32, #tpu.memory_space<vmem>>, vector<1x16xf32>,
      %parallel_loop3A_605 = vector.shape_cast %parallel_loop3A_604 : vector<1x16xf32> to vector<16xf32>
      %parallel_loop3A_606 = arith.addf %parallel_loop3A_605, %parallel_loop3A_496 : vector<16xf32>
      %parallel_loop3A_607 = arith.index_cast %parallel_loop3A_485 : i32 to index
      %parallel_loop3A_608 = arith.constant 160 : index
      %parallel_loop3A_609 = tpu.vector_load %arg7[%parallel_loop3A_607, %parallel_loop3A_608] {strides = array<i32>} : memref<128x256xf32, #tpu.memory_space<vmem>>, vector<1x16xf32>,
      %parallel_loop3A_610 = vector.shape_cast %parallel_loop3A_609 : vector<1x16xf32> to vector<16xf32>
      %parallel_loop3A_611 = vector.shape_cast %parallel_loop3A_606 : vector<16xf32> to vector<1x16xf32>
      tpu.vector_store %arg7[%parallel_loop3A_607, %parallel_loop3A_608], %parallel_loop3A_611 {strides = array<i32>} : memref<128x256xf32, #tpu.memory_space<vmem>>, vector<1x16xf32>,
      %parallel_loop3A_612 = arith.index_cast %parallel_loop3A_485 : i32 to index
      %parallel_loop3A_613 = arith.constant 176 : index
      %parallel_loop3A_614 = tpu.vector_load %arg5[%parallel_loop3A_612, %parallel_loop3A_613] {strides = array<i32>} : memref<128x256xf32, #tpu.memory_space<vmem>>, vector<1x16xf32>,
      %parallel_loop3A_615 = vector.shape_cast %parallel_loop3A_614 : vector<1x16xf32> to vector<16xf32>
      %parallel_loop3A_616 = arith.addf %parallel_loop3A_615, %parallel_loop3A_497 : vector<16xf32>
      %parallel_loop3A_617 = arith.index_cast %parallel_loop3A_485 : i32 to index
      %parallel_loop3A_618 = arith.constant 176 : index
      %parallel_loop3A_619 = tpu.vector_load %arg7[%parallel_loop3A_617, %parallel_loop3A_618] {strides = array<i32>} : memref<128x256xf32, #tpu.memory_space<vmem>>, vector<1x16xf32>,
      %parallel_loop3A_620 = vector.shape_cast %parallel_loop3A_619 : vector<1x16xf32> to vector<16xf32>
      %parallel_loop3A_621 = vector.shape_cast %parallel_loop3A_616 : vector<16xf32> to vector<1x16xf32>
      tpu.vector_store %arg7[%parallel_loop3A_617, %parallel_loop3A_618], %parallel_loop3A_621 {strides = array<i32>} : memref<128x256xf32, #tpu.memory_space<vmem>>, vector<1x16xf32>,
      %parallel_loop3A_622 = arith.index_cast %parallel_loop3A_485 : i32 to index
      %parallel_loop3A_623 = arith.constant 192 : index
      %parallel_loop3A_624 = tpu.vector_load %arg5[%parallel_loop3A_622, %parallel_loop3A_623] {strides = array<i32>} : memref<128x256xf32, #tpu.memory_space<vmem>>, vector<1x16xf32>,
      %parallel_loop3A_625 = vector.shape_cast %parallel_loop3A_624 : vector<1x16xf32> to vector<16xf32>
      %parallel_loop3A_626 = arith.addf %parallel_loop3A_625, %parallel_loop3A_498 : vector<16xf32>
      %parallel_loop3A_627 = arith.index_cast %parallel_loop3A_485 : i32 to index
      %parallel_loop3A_628 = arith.constant 192 : index
      %parallel_loop3A_629 = tpu.vector_load %arg7[%parallel_loop3A_627, %parallel_loop3A_628] {strides = array<i32>} : memref<128x256xf32, #tpu.memory_space<vmem>>, vector<1x16xf32>,
      %parallel_loop3A_630 = vector.shape_cast %parallel_loop3A_629 : vector<1x16xf32> to vector<16xf32>
      %parallel_loop3A_631 = vector.shape_cast %parallel_loop3A_626 : vector<16xf32> to vector<1x16xf32>
      tpu.vector_store %arg7[%parallel_loop3A_627, %parallel_loop3A_628], %parallel_loop3A_631 {strides = array<i32>} : memref<128x256xf32, #tpu.memory_space<vmem>>, vector<1x16xf32>,
      %parallel_loop3A_632 = arith.index_cast %parallel_loop3A_485 : i32 to index
      %parallel_loop3A_633 = arith.constant 208 : index
      %parallel_loop3A_634 = tpu.vector_load %arg5[%parallel_loop3A_632, %parallel_loop3A_633] {strides = array<i32>} : memref<128x256xf32, #tpu.memory_space<vmem>>, vector<1x16xf32>,
      %parallel_loop3A_635 = vector.shape_cast %parallel_loop3A_634 : vector<1x16xf32> to vector<16xf32>
      %parallel_loop3A_636 = arith.addf %parallel_loop3A_635, %parallel_loop3A_499 : vector<16xf32>
      %parallel_loop3A_637 = arith.index_cast %parallel_loop3A_485 : i32 to index
      %parallel_loop3A_638 = arith.constant 208 : index
      %parallel_loop3A_639 = tpu.vector_load %arg7[%parallel_loop3A_637, %parallel_loop3A_638] {strides = array<i32>} : memref<128x256xf32, #tpu.memory_space<vmem>>, vector<1x16xf32>,
      %parallel_loop3A_640 = vector.shape_cast %parallel_loop3A_639 : vector<1x16xf32> to vector<16xf32>
      %parallel_loop3A_641 = vector.shape_cast %parallel_loop3A_636 : vector<16xf32> to vector<1x16xf32>
      tpu.vector_store %arg7[%parallel_loop3A_637, %parallel_loop3A_638], %parallel_loop3A_641 {strides = array<i32>} : memref<128x256xf32, #tpu.memory_space<vmem>>, vector<1x16xf32>,
      %parallel_loop3A_642 = arith.index_cast %parallel_loop3A_485 : i32 to index
      %parallel_loop3A_643 = arith.constant 224 : index
      %parallel_loop3A_644 = tpu.vector_load %arg5[%parallel_loop3A_642, %parallel_loop3A_643] {strides = array<i32>} : memref<128x256xf32, #tpu.memory_space<vmem>>, vector<1x16xf32>,
      %parallel_loop3A_645 = vector.shape_cast %parallel_loop3A_644 : vector<1x16xf32> to vector<16xf32>
      %parallel_loop3A_646 = arith.addf %parallel_loop3A_645, %parallel_loop3A_500 : vector<16xf32>
      %parallel_loop3A_647 = arith.index_cast %parallel_loop3A_485 : i32 to index
      %parallel_loop3A_648 = arith.constant 224 : index
      %parallel_loop3A_649 = tpu.vector_load %arg7[%parallel_loop3A_647, %parallel_loop3A_648] {strides = array<i32>} : memref<128x256xf32, #tpu.memory_space<vmem>>, vector<1x16xf32>,
      %parallel_loop3A_650 = vector.shape_cast %parallel_loop3A_649 : vector<1x16xf32> to vector<16xf32>
      %parallel_loop3A_651 = vector.shape_cast %parallel_loop3A_646 : vector<16xf32> to vector<1x16xf32>
      tpu.vector_store %arg7[%parallel_loop3A_647, %parallel_loop3A_648], %parallel_loop3A_651 {strides = array<i32>} : memref<128x256xf32, #tpu.memory_space<vmem>>, vector<1x16xf32>,
      %parallel_loop3A_652 = arith.index_cast %parallel_loop3A_485 : i32 to index
      %parallel_loop3A_653 = arith.constant 240 : index
      %parallel_loop3A_654 = tpu.vector_load %arg5[%parallel_loop3A_652, %parallel_loop3A_653] {strides = array<i32>} : memref<128x256xf32, #tpu.memory_space<vmem>>, vector<1x16xf32>,
      %parallel_loop3A_655 = vector.shape_cast %parallel_loop3A_654 : vector<1x16xf32> to vector<16xf32>
      %parallel_loop3A_656 = arith.addf %parallel_loop3A_655, %parallel_loop3A_501 : vector<16xf32>
      %parallel_loop3A_657 = arith.index_cast %parallel_loop3A_485 : i32 to index
      %parallel_loop3A_658 = arith.constant 240 : index
      %parallel_loop3A_659 = tpu.vector_load %arg7[%parallel_loop3A_657, %parallel_loop3A_658] {strides = array<i32>} : memref<128x256xf32, #tpu.memory_space<vmem>>, vector<1x16xf32>,
      %parallel_loop3A_660 = vector.shape_cast %parallel_loop3A_659 : vector<1x16xf32> to vector<16xf32>
      %parallel_loop3A_661 = vector.shape_cast %parallel_loop3A_656 : vector<16xf32> to vector<1x16xf32>
      tpu.vector_store %arg7[%parallel_loop3A_657, %parallel_loop3A_658], %parallel_loop3A_661 {strides = array<i32>} : memref<128x256xf32, #tpu.memory_space<vmem>>, vector<1x16xf32>,
      scf.yield %parallel_loop3A_486, %parallel_loop3A_487, %parallel_loop3A_488, %parallel_loop3A_489, %parallel_loop3A_490, %parallel_loop3A_491, %parallel_loop3A_492, %parallel_loop3A_493, %parallel_loop3A_494, %parallel_loop3A_495, %parallel_loop3A_496, %parallel_loop3A_497, %parallel_loop3A_498, %parallel_loop3A_499, %parallel_loop3A_500, %parallel_loop3A_501 : vector<16xf32>, vector<16xf32>, vector<16xf32>, vector<16xf32>, vector<16xf32>, vector<16xf32>, vector<16xf32>, vector<16xf32>, vector<16xf32>, vector<16xf32>, vector<16xf32>, vector<16xf32>, vector<16xf32>, vector<16xf32>, vector<16xf32>, vector<16xf32>
    } {sc.loop_unroll_factor = 2 : i64, sc.parallel_access}
    %add3A_135 = arith.constant 0 : i32
    %add3A_136 = arith.addi %mul3A_2, %add3A_135 : i32
    %mul3A_137 = arith.constant 128 : i32
    %mul3A_138 = arith.muli %add3A_136, %mul3A_137 : i32
    %add3A_139 = arith.constant 0 : i32
    %add3A_140 = arith.addi %mul3A_138, %add3A_139 : i32
    %dma_start3A_141 = arith.constant 0 : i32
    %dma_start3A_142 = tpu.memref_slice %arg4[%add3A_140, %dma_start3A_141] : memref<16384x256xf32, #tpu.memory_space<hbm>> -> memref<128x256xf32, #tpu.memory_space<hbm>>
    %dma_start3A_143 = arith.constant 0 : i32
    %dma_start3A_144 = tpu.memref_slice %arg4[%add3A_140, %dma_start3A_143] : memref<16384x256xf32, #tpu.memory_space<hbm>> -> memref<128x256xf32, #tpu.memory_space<hbm>>
    tpu.enqueue_dma source(%arg7 : memref<128x256xf32, #tpu.memory_space<vmem>>) target(%dma_start3A_144 : memref<128x256xf32, #tpu.memory_space<hbm>>) target_semaphore(%arg11 : memref<!tpu.dma_semaphore, #tpu.memory_space<semaphore_mem>>)
    %get3A_145 = arith.constant 1 : i32
    %get3A_146 = arith.index_cast %get3A_145 : i32 to index
    %get3A_147 = arith.constant 0 : index
    %get3A_148 = tpu.vector_load %arg6[%get3A_146, %get3A_147] {strides = array<i32>} : memref<4x256xf32, #tpu.memory_space<vmem>>, vector<1x16xf32>,
    %get3A_149 = vector.shape_cast %get3A_148 : vector<1x16xf32> to vector<16xf32>
    %get3A_150 = arith.constant 1 : i32
    %get3A_151 = arith.index_cast %get3A_150 : i32 to index
    %get3A_152 = arith.constant 16 : index
    %get3A_153 = tpu.vector_load %arg6[%get3A_151, %get3A_152] {strides = array<i32>} : memref<4x256xf32, #tpu.memory_space<vmem>>, vector<1x16xf32>,
    %get3A_154 = vector.shape_cast %get3A_153 : vector<1x16xf32> to vector<16xf32>
    %get3A_155 = arith.constant 1 : i32
    %get3A_156 = arith.index_cast %get3A_155 : i32 to index
    %get3A_157 = arith.constant 32 : index
    %get3A_158 = tpu.vector_load %arg6[%get3A_156, %get3A_157] {strides = array<i32>} : memref<4x256xf32, #tpu.memory_space<vmem>>, vector<1x16xf32>,
    %get3A_159 = vector.shape_cast %get3A_158 : vector<1x16xf32> to vector<16xf32>
    %get3A_160 = arith.constant 1 : i32
    %get3A_161 = arith.index_cast %get3A_160 : i32 to index
    %get3A_162 = arith.constant 48 : index
    %get3A_163 = tpu.vector_load %arg6[%get3A_161, %get3A_162] {strides = array<i32>} : memref<4x256xf32, #tpu.memory_space<vmem>>, vector<1x16xf32>,
    %get3A_164 = vector.shape_cast %get3A_163 : vector<1x16xf32> to vector<16xf32>
    %get3A_165 = arith.constant 1 : i32
    %get3A_166 = arith.index_cast %get3A_165 : i32 to index
    %get3A_167 = arith.constant 64 : index
    %get3A_168 = tpu.vector_load %arg6[%get3A_166, %get3A_167] {strides = array<i32>} : memref<4x256xf32, #tpu.memory_space<vmem>>, vector<1x16xf32>,
    %get3A_169 = vector.shape_cast %get3A_168 : vector<1x16xf32> to vector<16xf32>
    %get3A_170 = arith.constant 1 : i32
    %get3A_171 = arith.index_cast %get3A_170 : i32 to index
    %get3A_172 = arith.constant 80 : index
    %get3A_173 = tpu.vector_load %arg6[%get3A_171, %get3A_172] {strides = array<i32>} : memref<4x256xf32, #tpu.memory_space<vmem>>, vector<1x16xf32>,
    %get3A_174 = vector.shape_cast %get3A_173 : vector<1x16xf32> to vector<16xf32>
    %get3A_175 = arith.constant 1 : i32
    %get3A_176 = arith.index_cast %get3A_175 : i32 to index
    %get3A_177 = arith.constant 96 : index
    %get3A_178 = tpu.vector_load %arg6[%get3A_176, %get3A_177] {strides = array<i32>} : memref<4x256xf32, #tpu.memory_space<vmem>>, vector<1x16xf32>,
    %get3A_179 = vector.shape_cast %get3A_178 : vector<1x16xf32> to vector<16xf32>
    %get3A_180 = arith.constant 1 : i32
    %get3A_181 = arith.index_cast %get3A_180 : i32 to index
    %get3A_182 = arith.constant 112 : index
    %get3A_183 = tpu.vector_load %arg6[%get3A_181, %get3A_182] {strides = array<i32>} : memref<4x256xf32, #tpu.memory_space<vmem>>, vector<1x16xf32>,
    %get3A_184 = vector.shape_cast %get3A_183 : vector<1x16xf32> to vector<16xf32>
    %get3A_185 = arith.constant 1 : i32
    %get3A_186 = arith.index_cast %get3A_185 : i32 to index
    %get3A_187 = arith.constant 128 : index
    %get3A_188 = tpu.vector_load %arg6[%get3A_186, %get3A_187] {strides = array<i32>} : memref<4x256xf32, #tpu.memory_space<vmem>>, vector<1x16xf32>,
    %get3A_189 = vector.shape_cast %get3A_188 : vector<1x16xf32> to vector<16xf32>
    %get3A_190 = arith.constant 1 : i32
    %get3A_191 = arith.index_cast %get3A_190 : i32 to index
    %get3A_192 = arith.constant 144 : index
    %get3A_193 = tpu.vector_load %arg6[%get3A_191, %get3A_192] {strides = array<i32>} : memref<4x256xf32, #tpu.memory_space<vmem>>, vector<1x16xf32>,
    %get3A_194 = vector.shape_cast %get3A_193 : vector<1x16xf32> to vector<16xf32>
    %get3A_195 = arith.constant 1 : i32
    %get3A_196 = arith.index_cast %get3A_195 : i32 to index
    %get3A_197 = arith.constant 160 : index
    %get3A_198 = tpu.vector_load %arg6[%get3A_196, %get3A_197] {strides = array<i32>} : memref<4x256xf32, #tpu.memory_space<vmem>>, vector<1x16xf32>,
    %get3A_199 = vector.shape_cast %get3A_198 : vector<1x16xf32> to vector<16xf32>
    %get3A_200 = arith.constant 1 : i32
    %get3A_201 = arith.index_cast %get3A_200 : i32 to index
    %get3A_202 = arith.constant 176 : index
    %get3A_203 = tpu.vector_load %arg6[%get3A_201, %get3A_202] {strides = array<i32>} : memref<4x256xf32, #tpu.memory_space<vmem>>, vector<1x16xf32>,
    %get3A_204 = vector.shape_cast %get3A_203 : vector<1x16xf32> to vector<16xf32>
    %get3A_205 = arith.constant 1 : i32
    %get3A_206 = arith.index_cast %get3A_205 : i32 to index
    %get3A_207 = arith.constant 192 : index
    %get3A_208 = tpu.vector_load %arg6[%get3A_206, %get3A_207] {strides = array<i32>} : memref<4x256xf32, #tpu.memory_space<vmem>>, vector<1x16xf32>,
    %get3A_209 = vector.shape_cast %get3A_208 : vector<1x16xf32> to vector<16xf32>
    %get3A_210 = arith.constant 1 : i32
    %get3A_211 = arith.index_cast %get3A_210 : i32 to index
    %get3A_212 = arith.constant 208 : index
    %get3A_213 = tpu.vector_load %arg6[%get3A_211, %get3A_212] {strides = array<i32>} : memref<4x256xf32, #tpu.memory_space<vmem>>, vector<1x16xf32>,
    %get3A_214 = vector.shape_cast %get3A_213 : vector<1x16xf32> to vector<16xf32>
    %get3A_215 = arith.constant 1 : i32
    %get3A_216 = arith.index_cast %get3A_215 : i32 to index
    %get3A_217 = arith.constant 224 : index
    %get3A_218 = tpu.vector_load %arg6[%get3A_216, %get3A_217] {strides = array<i32>} : memref<4x256xf32, #tpu.memory_space<vmem>>, vector<1x16xf32>,
    %get3A_219 = vector.shape_cast %get3A_218 : vector<1x16xf32> to vector<16xf32>
    %get3A_220 = arith.constant 1 : i32
    %get3A_221 = arith.index_cast %get3A_220 : i32 to index
    %get3A_222 = arith.constant 240 : index
    %get3A_223 = tpu.vector_load %arg6[%get3A_221, %get3A_222] {strides = array<i32>} : memref<4x256xf32, #tpu.memory_space<vmem>>, vector<1x16xf32>,
    %get3A_224 = vector.shape_cast %get3A_223 : vector<1x16xf32> to vector<16xf32>
    %parallel_loop3A_225 = arith.constant 0 : i32
    %parallel_loop3A_226 = arith.constant 128 : i32
    %parallel_loop3A_227 = arith.constant 1 : i32
    %parallel_loop3A_228:16 = scf.for %parallel_loop3A_485 = %parallel_loop3A_225 to %parallel_loop3A_226 step %parallel_loop3A_227 iter_args(%parallel_loop3A_486 = %get3A_149, %parallel_loop3A_487 = %get3A_154, %parallel_loop3A_488 = %get3A_159, %parallel_loop3A_489 = %get3A_164, %parallel_loop3A_490 = %get3A_169, %parallel_loop3A_491 = %get3A_174, %parallel_loop3A_492 = %get3A_179, %parallel_loop3A_493 = %get3A_184, %parallel_loop3A_494 = %get3A_189, %parallel_loop3A_495 = %get3A_194, %parallel_loop3A_496 = %get3A_199, %parallel_loop3A_497 = %get3A_204, %parallel_loop3A_498 = %get3A_209, %parallel_loop3A_499 = %get3A_214, %parallel_loop3A_500 = %get3A_219, %parallel_loop3A_501 = %get3A_224) -> (vector<16xf32>, vector<16xf32>, vector<16xf32>, vector<16xf32>, vector<16xf32>, vector<16xf32>, vector<16xf32>, vector<16xf32>, vector<16xf32>, vector<16xf32>, vector<16xf32>, vector<16xf32>, vector<16xf32>, vector<16xf32>, vector<16xf32>, vector<16xf32>)  : i32 {
      %parallel_loop3A_502 = arith.index_cast %parallel_loop3A_485 : i32 to index
      %parallel_loop3A_503 = arith.constant 0 : index
      %parallel_loop3A_504 = tpu.vector_load %arg5[%parallel_loop3A_502, %parallel_loop3A_503] {strides = array<i32>} : memref<128x256xf32, #tpu.memory_space<vmem>>, vector<1x16xf32>,
      %parallel_loop3A_505 = vector.shape_cast %parallel_loop3A_504 : vector<1x16xf32> to vector<16xf32>
      %parallel_loop3A_506 = arith.addf %parallel_loop3A_505, %parallel_loop3A_486 : vector<16xf32>
      %parallel_loop3A_507 = arith.index_cast %parallel_loop3A_485 : i32 to index
      %parallel_loop3A_508 = arith.constant 0 : index
      %parallel_loop3A_509 = tpu.vector_load %arg8[%parallel_loop3A_507, %parallel_loop3A_508] {strides = array<i32>} : memref<128x256xf32, #tpu.memory_space<vmem>>, vector<1x16xf32>,
      %parallel_loop3A_510 = vector.shape_cast %parallel_loop3A_509 : vector<1x16xf32> to vector<16xf32>
      %parallel_loop3A_511 = vector.shape_cast %parallel_loop3A_506 : vector<16xf32> to vector<1x16xf32>
      tpu.vector_store %arg8[%parallel_loop3A_507, %parallel_loop3A_508], %parallel_loop3A_511 {strides = array<i32>} : memref<128x256xf32, #tpu.memory_space<vmem>>, vector<1x16xf32>,
      %parallel_loop3A_512 = arith.index_cast %parallel_loop3A_485 : i32 to index
      %parallel_loop3A_513 = arith.constant 16 : index
      %parallel_loop3A_514 = tpu.vector_load %arg5[%parallel_loop3A_512, %parallel_loop3A_513] {strides = array<i32>} : memref<128x256xf32, #tpu.memory_space<vmem>>, vector<1x16xf32>,
      %parallel_loop3A_515 = vector.shape_cast %parallel_loop3A_514 : vector<1x16xf32> to vector<16xf32>
      %parallel_loop3A_516 = arith.addf %parallel_loop3A_515, %parallel_loop3A_487 : vector<16xf32>
      %parallel_loop3A_517 = arith.index_cast %parallel_loop3A_485 : i32 to index
      %parallel_loop3A_518 = arith.constant 16 : index
      %parallel_loop3A_519 = tpu.vector_load %arg8[%parallel_loop3A_517, %parallel_loop3A_518] {strides = array<i32>} : memref<128x256xf32, #tpu.memory_space<vmem>>, vector<1x16xf32>,
      %parallel_loop3A_520 = vector.shape_cast %parallel_loop3A_519 : vector<1x16xf32> to vector<16xf32>
      %parallel_loop3A_521 = vector.shape_cast %parallel_loop3A_516 : vector<16xf32> to vector<1x16xf32>
      tpu.vector_store %arg8[%parallel_loop3A_517, %parallel_loop3A_518], %parallel_loop3A_521 {strides = array<i32>} : memref<128x256xf32, #tpu.memory_space<vmem>>, vector<1x16xf32>,
      %parallel_loop3A_522 = arith.index_cast %parallel_loop3A_485 : i32 to index
      %parallel_loop3A_523 = arith.constant 32 : index
      %parallel_loop3A_524 = tpu.vector_load %arg5[%parallel_loop3A_522, %parallel_loop3A_523] {strides = array<i32>} : memref<128x256xf32, #tpu.memory_space<vmem>>, vector<1x16xf32>,
      %parallel_loop3A_525 = vector.shape_cast %parallel_loop3A_524 : vector<1x16xf32> to vector<16xf32>
      %parallel_loop3A_526 = arith.addf %parallel_loop3A_525, %parallel_loop3A_488 : vector<16xf32>
      %parallel_loop3A_527 = arith.index_cast %parallel_loop3A_485 : i32 to index
      %parallel_loop3A_528 = arith.constant 32 : index
      %parallel_loop3A_529 = tpu.vector_load %arg8[%parallel_loop3A_527, %parallel_loop3A_528] {strides = array<i32>} : memref<128x256xf32, #tpu.memory_space<vmem>>, vector<1x16xf32>,
      %parallel_loop3A_530 = vector.shape_cast %parallel_loop3A_529 : vector<1x16xf32> to vector<16xf32>
      %parallel_loop3A_531 = vector.shape_cast %parallel_loop3A_526 : vector<16xf32> to vector<1x16xf32>
      tpu.vector_store %arg8[%parallel_loop3A_527, %parallel_loop3A_528], %parallel_loop3A_531 {strides = array<i32>} : memref<128x256xf32, #tpu.memory_space<vmem>>, vector<1x16xf32>,
      %parallel_loop3A_532 = arith.index_cast %parallel_loop3A_485 : i32 to index
      %parallel_loop3A_533 = arith.constant 48 : index
      %parallel_loop3A_534 = tpu.vector_load %arg5[%parallel_loop3A_532, %parallel_loop3A_533] {strides = array<i32>} : memref<128x256xf32, #tpu.memory_space<vmem>>, vector<1x16xf32>,
      %parallel_loop3A_535 = vector.shape_cast %parallel_loop3A_534 : vector<1x16xf32> to vector<16xf32>
      %parallel_loop3A_536 = arith.addf %parallel_loop3A_535, %parallel_loop3A_489 : vector<16xf32>
      %parallel_loop3A_537 = arith.index_cast %parallel_loop3A_485 : i32 to index
      %parallel_loop3A_538 = arith.constant 48 : index
      %parallel_loop3A_539 = tpu.vector_load %arg8[%parallel_loop3A_537, %parallel_loop3A_538] {strides = array<i32>} : memref<128x256xf32, #tpu.memory_space<vmem>>, vector<1x16xf32>,
      %parallel_loop3A_540 = vector.shape_cast %parallel_loop3A_539 : vector<1x16xf32> to vector<16xf32>
      %parallel_loop3A_541 = vector.shape_cast %parallel_loop3A_536 : vector<16xf32> to vector<1x16xf32>
      tpu.vector_store %arg8[%parallel_loop3A_537, %parallel_loop3A_538], %parallel_loop3A_541 {strides = array<i32>} : memref<128x256xf32, #tpu.memory_space<vmem>>, vector<1x16xf32>,
      %parallel_loop3A_542 = arith.index_cast %parallel_loop3A_485 : i32 to index
      %parallel_loop3A_543 = arith.constant 64 : index
      %parallel_loop3A_544 = tpu.vector_load %arg5[%parallel_loop3A_542, %parallel_loop3A_543] {strides = array<i32>} : memref<128x256xf32, #tpu.memory_space<vmem>>, vector<1x16xf32>,
      %parallel_loop3A_545 = vector.shape_cast %parallel_loop3A_544 : vector<1x16xf32> to vector<16xf32>
      %parallel_loop3A_546 = arith.addf %parallel_loop3A_545, %parallel_loop3A_490 : vector<16xf32>
      %parallel_loop3A_547 = arith.index_cast %parallel_loop3A_485 : i32 to index
      %parallel_loop3A_548 = arith.constant 64 : index
      %parallel_loop3A_549 = tpu.vector_load %arg8[%parallel_loop3A_547, %parallel_loop3A_548] {strides = array<i32>} : memref<128x256xf32, #tpu.memory_space<vmem>>, vector<1x16xf32>,
      %parallel_loop3A_550 = vector.shape_cast %parallel_loop3A_549 : vector<1x16xf32> to vector<16xf32>
      %parallel_loop3A_551 = vector.shape_cast %parallel_loop3A_546 : vector<16xf32> to vector<1x16xf32>
      tpu.vector_store %arg8[%parallel_loop3A_547, %parallel_loop3A_548], %parallel_loop3A_551 {strides = array<i32>} : memref<128x256xf32, #tpu.memory_space<vmem>>, vector<1x16xf32>,
      %parallel_loop3A_552 = arith.index_cast %parallel_loop3A_485 : i32 to index
      %parallel_loop3A_553 = arith.constant 80 : index
      %parallel_loop3A_554 = tpu.vector_load %arg5[%parallel_loop3A_552, %parallel_loop3A_553] {strides = array<i32>} : memref<128x256xf32, #tpu.memory_space<vmem>>, vector<1x16xf32>,
      %parallel_loop3A_555 = vector.shape_cast %parallel_loop3A_554 : vector<1x16xf32> to vector<16xf32>
      %parallel_loop3A_556 = arith.addf %parallel_loop3A_555, %parallel_loop3A_491 : vector<16xf32>
      %parallel_loop3A_557 = arith.index_cast %parallel_loop3A_485 : i32 to index
      %parallel_loop3A_558 = arith.constant 80 : index
      %parallel_loop3A_559 = tpu.vector_load %arg8[%parallel_loop3A_557, %parallel_loop3A_558] {strides = array<i32>} : memref<128x256xf32, #tpu.memory_space<vmem>>, vector<1x16xf32>,
      %parallel_loop3A_560 = vector.shape_cast %parallel_loop3A_559 : vector<1x16xf32> to vector<16xf32>
      %parallel_loop3A_561 = vector.shape_cast %parallel_loop3A_556 : vector<16xf32> to vector<1x16xf32>
      tpu.vector_store %arg8[%parallel_loop3A_557, %parallel_loop3A_558], %parallel_loop3A_561 {strides = array<i32>} : memref<128x256xf32, #tpu.memory_space<vmem>>, vector<1x16xf32>,
      %parallel_loop3A_562 = arith.index_cast %parallel_loop3A_485 : i32 to index
      %parallel_loop3A_563 = arith.constant 96 : index
      %parallel_loop3A_564 = tpu.vector_load %arg5[%parallel_loop3A_562, %parallel_loop3A_563] {strides = array<i32>} : memref<128x256xf32, #tpu.memory_space<vmem>>, vector<1x16xf32>,
      %parallel_loop3A_565 = vector.shape_cast %parallel_loop3A_564 : vector<1x16xf32> to vector<16xf32>
      %parallel_loop3A_566 = arith.addf %parallel_loop3A_565, %parallel_loop3A_492 : vector<16xf32>
      %parallel_loop3A_567 = arith.index_cast %parallel_loop3A_485 : i32 to index
      %parallel_loop3A_568 = arith.constant 96 : index
      %parallel_loop3A_569 = tpu.vector_load %arg8[%parallel_loop3A_567, %parallel_loop3A_568] {strides = array<i32>} : memref<128x256xf32, #tpu.memory_space<vmem>>, vector<1x16xf32>,
      %parallel_loop3A_570 = vector.shape_cast %parallel_loop3A_569 : vector<1x16xf32> to vector<16xf32>
      %parallel_loop3A_571 = vector.shape_cast %parallel_loop3A_566 : vector<16xf32> to vector<1x16xf32>
      tpu.vector_store %arg8[%parallel_loop3A_567, %parallel_loop3A_568], %parallel_loop3A_571 {strides = array<i32>} : memref<128x256xf32, #tpu.memory_space<vmem>>, vector<1x16xf32>,
      %parallel_loop3A_572 = arith.index_cast %parallel_loop3A_485 : i32 to index
      %parallel_loop3A_573 = arith.constant 112 : index
      %parallel_loop3A_574 = tpu.vector_load %arg5[%parallel_loop3A_572, %parallel_loop3A_573] {strides = array<i32>} : memref<128x256xf32, #tpu.memory_space<vmem>>, vector<1x16xf32>,
      %parallel_loop3A_575 = vector.shape_cast %parallel_loop3A_574 : vector<1x16xf32> to vector<16xf32>
      %parallel_loop3A_576 = arith.addf %parallel_loop3A_575, %parallel_loop3A_493 : vector<16xf32>
      %parallel_loop3A_577 = arith.index_cast %parallel_loop3A_485 : i32 to index
      %parallel_loop3A_578 = arith.constant 112 : index
      %parallel_loop3A_579 = tpu.vector_load %arg8[%parallel_loop3A_577, %parallel_loop3A_578] {strides = array<i32>} : memref<128x256xf32, #tpu.memory_space<vmem>>, vector<1x16xf32>,
      %parallel_loop3A_580 = vector.shape_cast %parallel_loop3A_579 : vector<1x16xf32> to vector<16xf32>
      %parallel_loop3A_581 = vector.shape_cast %parallel_loop3A_576 : vector<16xf32> to vector<1x16xf32>
      tpu.vector_store %arg8[%parallel_loop3A_577, %parallel_loop3A_578], %parallel_loop3A_581 {strides = array<i32>} : memref<128x256xf32, #tpu.memory_space<vmem>>, vector<1x16xf32>,
      %parallel_loop3A_582 = arith.index_cast %parallel_loop3A_485 : i32 to index
      %parallel_loop3A_583 = arith.constant 128 : index
      %parallel_loop3A_584 = tpu.vector_load %arg5[%parallel_loop3A_582, %parallel_loop3A_583] {strides = array<i32>} : memref<128x256xf32, #tpu.memory_space<vmem>>, vector<1x16xf32>,
      %parallel_loop3A_585 = vector.shape_cast %parallel_loop3A_584 : vector<1x16xf32> to vector<16xf32>
      %parallel_loop3A_586 = arith.addf %parallel_loop3A_585, %parallel_loop3A_494 : vector<16xf32>
      %parallel_loop3A_587 = arith.index_cast %parallel_loop3A_485 : i32 to index
      %parallel_loop3A_588 = arith.constant 128 : index
      %parallel_loop3A_589 = tpu.vector_load %arg8[%parallel_loop3A_587, %parallel_loop3A_588] {strides = array<i32>} : memref<128x256xf32, #tpu.memory_space<vmem>>, vector<1x16xf32>,
      %parallel_loop3A_590 = vector.shape_cast %parallel_loop3A_589 : vector<1x16xf32> to vector<16xf32>
      %parallel_loop3A_591 = vector.shape_cast %parallel_loop3A_586 : vector<16xf32> to vector<1x16xf32>
      tpu.vector_store %arg8[%parallel_loop3A_587, %parallel_loop3A_588], %parallel_loop3A_591 {strides = array<i32>} : memref<128x256xf32, #tpu.memory_space<vmem>>, vector<1x16xf32>,
      %parallel_loop3A_592 = arith.index_cast %parallel_loop3A_485 : i32 to index
      %parallel_loop3A_593 = arith.constant 144 : index
      %parallel_loop3A_594 = tpu.vector_load %arg5[%parallel_loop3A_592, %parallel_loop3A_593] {strides = array<i32>} : memref<128x256xf32, #tpu.memory_space<vmem>>, vector<1x16xf32>,
      %parallel_loop3A_595 = vector.shape_cast %parallel_loop3A_594 : vector<1x16xf32> to vector<16xf32>
      %parallel_loop3A_596 = arith.addf %parallel_loop3A_595, %parallel_loop3A_495 : vector<16xf32>
      %parallel_loop3A_597 = arith.index_cast %parallel_loop3A_485 : i32 to index
      %parallel_loop3A_598 = arith.constant 144 : index
      %parallel_loop3A_599 = tpu.vector_load %arg8[%parallel_loop3A_597, %parallel_loop3A_598] {strides = array<i32>} : memref<128x256xf32, #tpu.memory_space<vmem>>, vector<1x16xf32>,
      %parallel_loop3A_600 = vector.shape_cast %parallel_loop3A_599 : vector<1x16xf32> to vector<16xf32>
      %parallel_loop3A_601 = vector.shape_cast %parallel_loop3A_596 : vector<16xf32> to vector<1x16xf32>
      tpu.vector_store %arg8[%parallel_loop3A_597, %parallel_loop3A_598], %parallel_loop3A_601 {strides = array<i32>} : memref<128x256xf32, #tpu.memory_space<vmem>>, vector<1x16xf32>,
      %parallel_loop3A_602 = arith.index_cast %parallel_loop3A_485 : i32 to index
      %parallel_loop3A_603 = arith.constant 160 : index
      %parallel_loop3A_604 = tpu.vector_load %arg5[%parallel_loop3A_602, %parallel_loop3A_603] {strides = array<i32>} : memref<128x256xf32, #tpu.memory_space<vmem>>, vector<1x16xf32>,
      %parallel_loop3A_605 = vector.shape_cast %parallel_loop3A_604 : vector<1x16xf32> to vector<16xf32>
      %parallel_loop3A_606 = arith.addf %parallel_loop3A_605, %parallel_loop3A_496 : vector<16xf32>
      %parallel_loop3A_607 = arith.index_cast %parallel_loop3A_485 : i32 to index
      %parallel_loop3A_608 = arith.constant 160 : index
      %parallel_loop3A_609 = tpu.vector_load %arg8[%parallel_loop3A_607, %parallel_loop3A_608] {strides = array<i32>} : memref<128x256xf32, #tpu.memory_space<vmem>>, vector<1x16xf32>,
      %parallel_loop3A_610 = vector.shape_cast %parallel_loop3A_609 : vector<1x16xf32> to vector<16xf32>
      %parallel_loop3A_611 = vector.shape_cast %parallel_loop3A_606 : vector<16xf32> to vector<1x16xf32>
      tpu.vector_store %arg8[%parallel_loop3A_607, %parallel_loop3A_608], %parallel_loop3A_611 {strides = array<i32>} : memref<128x256xf32, #tpu.memory_space<vmem>>, vector<1x16xf32>,
      %parallel_loop3A_612 = arith.index_cast %parallel_loop3A_485 : i32 to index
      %parallel_loop3A_613 = arith.constant 176 : index
      %parallel_loop3A_614 = tpu.vector_load %arg5[%parallel_loop3A_612, %parallel_loop3A_613] {strides = array<i32>} : memref<128x256xf32, #tpu.memory_space<vmem>>, vector<1x16xf32>,
      %parallel_loop3A_615 = vector.shape_cast %parallel_loop3A_614 : vector<1x16xf32> to vector<16xf32>
      %parallel_loop3A_616 = arith.addf %parallel_loop3A_615, %parallel_loop3A_497 : vector<16xf32>
      %parallel_loop3A_617 = arith.index_cast %parallel_loop3A_485 : i32 to index
      %parallel_loop3A_618 = arith.constant 176 : index
      %parallel_loop3A_619 = tpu.vector_load %arg8[%parallel_loop3A_617, %parallel_loop3A_618] {strides = array<i32>} : memref<128x256xf32, #tpu.memory_space<vmem>>, vector<1x16xf32>,
      %parallel_loop3A_620 = vector.shape_cast %parallel_loop3A_619 : vector<1x16xf32> to vector<16xf32>
      %parallel_loop3A_621 = vector.shape_cast %parallel_loop3A_616 : vector<16xf32> to vector<1x16xf32>
      tpu.vector_store %arg8[%parallel_loop3A_617, %parallel_loop3A_618], %parallel_loop3A_621 {strides = array<i32>} : memref<128x256xf32, #tpu.memory_space<vmem>>, vector<1x16xf32>,
      %parallel_loop3A_622 = arith.index_cast %parallel_loop3A_485 : i32 to index
      %parallel_loop3A_623 = arith.constant 192 : index
      %parallel_loop3A_624 = tpu.vector_load %arg5[%parallel_loop3A_622, %parallel_loop3A_623] {strides = array<i32>} : memref<128x256xf32, #tpu.memory_space<vmem>>, vector<1x16xf32>,
      %parallel_loop3A_625 = vector.shape_cast %parallel_loop3A_624 : vector<1x16xf32> to vector<16xf32>
      %parallel_loop3A_626 = arith.addf %parallel_loop3A_625, %parallel_loop3A_498 : vector<16xf32>
      %parallel_loop3A_627 = arith.index_cast %parallel_loop3A_485 : i32 to index
      %parallel_loop3A_628 = arith.constant 192 : index
      %parallel_loop3A_629 = tpu.vector_load %arg8[%parallel_loop3A_627, %parallel_loop3A_628] {strides = array<i32>} : memref<128x256xf32, #tpu.memory_space<vmem>>, vector<1x16xf32>,
      %parallel_loop3A_630 = vector.shape_cast %parallel_loop3A_629 : vector<1x16xf32> to vector<16xf32>
      %parallel_loop3A_631 = vector.shape_cast %parallel_loop3A_626 : vector<16xf32> to vector<1x16xf32>
      tpu.vector_store %arg8[%parallel_loop3A_627, %parallel_loop3A_628], %parallel_loop3A_631 {strides = array<i32>} : memref<128x256xf32, #tpu.memory_space<vmem>>, vector<1x16xf32>,
      %parallel_loop3A_632 = arith.index_cast %parallel_loop3A_485 : i32 to index
      %parallel_loop3A_633 = arith.constant 208 : index
      %parallel_loop3A_634 = tpu.vector_load %arg5[%parallel_loop3A_632, %parallel_loop3A_633] {strides = array<i32>} : memref<128x256xf32, #tpu.memory_space<vmem>>, vector<1x16xf32>,
      %parallel_loop3A_635 = vector.shape_cast %parallel_loop3A_634 : vector<1x16xf32> to vector<16xf32>
      %parallel_loop3A_636 = arith.addf %parallel_loop3A_635, %parallel_loop3A_499 : vector<16xf32>
      %parallel_loop3A_637 = arith.index_cast %parallel_loop3A_485 : i32 to index
      %parallel_loop3A_638 = arith.constant 208 : index
      %parallel_loop3A_639 = tpu.vector_load %arg8[%parallel_loop3A_637, %parallel_loop3A_638] {strides = array<i32>} : memref<128x256xf32, #tpu.memory_space<vmem>>, vector<1x16xf32>,
      %parallel_loop3A_640 = vector.shape_cast %parallel_loop3A_639 : vector<1x16xf32> to vector<16xf32>
      %parallel_loop3A_641 = vector.shape_cast %parallel_loop3A_636 : vector<16xf32> to vector<1x16xf32>
      tpu.vector_store %arg8[%parallel_loop3A_637, %parallel_loop3A_638], %parallel_loop3A_641 {strides = array<i32>} : memref<128x256xf32, #tpu.memory_space<vmem>>, vector<1x16xf32>,
      %parallel_loop3A_642 = arith.index_cast %parallel_loop3A_485 : i32 to index
      %parallel_loop3A_643 = arith.constant 224 : index
      %parallel_loop3A_644 = tpu.vector_load %arg5[%parallel_loop3A_642, %parallel_loop3A_643] {strides = array<i32>} : memref<128x256xf32, #tpu.memory_space<vmem>>, vector<1x16xf32>,
      %parallel_loop3A_645 = vector.shape_cast %parallel_loop3A_644 : vector<1x16xf32> to vector<16xf32>
      %parallel_loop3A_646 = arith.addf %parallel_loop3A_645, %parallel_loop3A_500 : vector<16xf32>
      %parallel_loop3A_647 = arith.index_cast %parallel_loop3A_485 : i32 to index
      %parallel_loop3A_648 = arith.constant 224 : index
      %parallel_loop3A_649 = tpu.vector_load %arg8[%parallel_loop3A_647, %parallel_loop3A_648] {strides = array<i32>} : memref<128x256xf32, #tpu.memory_space<vmem>>, vector<1x16xf32>,
      %parallel_loop3A_650 = vector.shape_cast %parallel_loop3A_649 : vector<1x16xf32> to vector<16xf32>
      %parallel_loop3A_651 = vector.shape_cast %parallel_loop3A_646 : vector<16xf32> to vector<1x16xf32>
      tpu.vector_store %arg8[%parallel_loop3A_647, %parallel_loop3A_648], %parallel_loop3A_651 {strides = array<i32>} : memref<128x256xf32, #tpu.memory_space<vmem>>, vector<1x16xf32>,
      %parallel_loop3A_652 = arith.index_cast %parallel_loop3A_485 : i32 to index
      %parallel_loop3A_653 = arith.constant 240 : index
      %parallel_loop3A_654 = tpu.vector_load %arg5[%parallel_loop3A_652, %parallel_loop3A_653] {strides = array<i32>} : memref<128x256xf32, #tpu.memory_space<vmem>>, vector<1x16xf32>,
      %parallel_loop3A_655 = vector.shape_cast %parallel_loop3A_654 : vector<1x16xf32> to vector<16xf32>
      %parallel_loop3A_656 = arith.addf %parallel_loop3A_655, %parallel_loop3A_501 : vector<16xf32>
      %parallel_loop3A_657 = arith.index_cast %parallel_loop3A_485 : i32 to index
      %parallel_loop3A_658 = arith.constant 240 : index
      %parallel_loop3A_659 = tpu.vector_load %arg8[%parallel_loop3A_657, %parallel_loop3A_658] {strides = array<i32>} : memref<128x256xf32, #tpu.memory_space<vmem>>, vector<1x16xf32>,
      %parallel_loop3A_660 = vector.shape_cast %parallel_loop3A_659 : vector<1x16xf32> to vector<16xf32>
      %parallel_loop3A_661 = vector.shape_cast %parallel_loop3A_656 : vector<16xf32> to vector<1x16xf32>
      tpu.vector_store %arg8[%parallel_loop3A_657, %parallel_loop3A_658], %parallel_loop3A_661 {strides = array<i32>} : memref<128x256xf32, #tpu.memory_space<vmem>>, vector<1x16xf32>,
      scf.yield %parallel_loop3A_486, %parallel_loop3A_487, %parallel_loop3A_488, %parallel_loop3A_489, %parallel_loop3A_490, %parallel_loop3A_491, %parallel_loop3A_492, %parallel_loop3A_493, %parallel_loop3A_494, %parallel_loop3A_495, %parallel_loop3A_496, %parallel_loop3A_497, %parallel_loop3A_498, %parallel_loop3A_499, %parallel_loop3A_500, %parallel_loop3A_501 : vector<16xf32>, vector<16xf32>, vector<16xf32>, vector<16xf32>, vector<16xf32>, vector<16xf32>, vector<16xf32>, vector<16xf32>, vector<16xf32>, vector<16xf32>, vector<16xf32>, vector<16xf32>, vector<16xf32>, vector<16xf32>, vector<16xf32>, vector<16xf32>
    } {sc.loop_unroll_factor = 2 : i64, sc.parallel_access}
    %add3A_229 = arith.constant 1 : i32
    %add3A_230 = arith.addi %mul3A_2, %add3A_229 : i32
    %mul3A_231 = arith.constant 128 : i32
    %mul3A_232 = arith.muli %add3A_230, %mul3A_231 : i32
    %add3A_233 = arith.constant 0 : i32
    %add3A_234 = arith.addi %mul3A_232, %add3A_233 : i32
    %dma_start3A_235 = arith.constant 0 : i32
    %dma_start3A_236 = tpu.memref_slice %arg4[%add3A_234, %dma_start3A_235] : memref<16384x256xf32, #tpu.memory_space<hbm>> -> memref<128x256xf32, #tpu.memory_space<hbm>>
    %dma_start3A_237 = arith.constant 0 : i32
    %dma_start3A_238 = tpu.memref_slice %arg4[%add3A_234, %dma_start3A_237] : memref<16384x256xf32, #tpu.memory_space<hbm>> -> memref<128x256xf32, #tpu.memory_space<hbm>>
    tpu.enqueue_dma source(%arg8 : memref<128x256xf32, #tpu.memory_space<vmem>>) target(%dma_start3A_238 : memref<128x256xf32, #tpu.memory_space<hbm>>) target_semaphore(%arg12 : memref<!tpu.dma_semaphore, #tpu.memory_space<semaphore_mem>>)
    %dma_wait3A_239 = arith.constant 0 : i32
    %dma_wait3A_240 = tpu.memref_slice %arg4[%add3A_140, %dma_wait3A_239] : memref<16384x256xf32, #tpu.memory_space<hbm>> -> memref<128x256xf32, #tpu.memory_space<hbm>>
    %dma_wait3A_241 = arith.constant 0 : i32
    %dma_wait3A_242 = tpu.memref_slice %arg4[%add3A_140, %dma_wait3A_241] : memref<16384x256xf32, #tpu.memory_space<hbm>> -> memref<128x256xf32, #tpu.memory_space<hbm>>
    tpu.wait_dma2 semaphore(%arg11 : memref<!tpu.dma_semaphore, #tpu.memory_space<semaphore_mem>>) src(%arg7 : memref<128x256xf32, #tpu.memory_space<vmem>>) dst(%dma_wait3A_242 : memref<128x256xf32, #tpu.memory_space<hbm>>)
    %get3A_243 = arith.constant 2 : i32
    %get3A_244 = arith.index_cast %get3A_243 : i32 to index
    %get3A_245 = arith.constant 0 : index
    %get3A_246 = tpu.vector_load %arg6[%get3A_244, %get3A_245] {strides = array<i32>} : memref<4x256xf32, #tpu.memory_space<vmem>>, vector<1x16xf32>,
    %get3A_247 = vector.shape_cast %get3A_246 : vector<1x16xf32> to vector<16xf32>
    %get3A_248 = arith.constant 2 : i32
    %get3A_249 = arith.index_cast %get3A_248 : i32 to index
    %get3A_250 = arith.constant 16 : index
    %get3A_251 = tpu.vector_load %arg6[%get3A_249, %get3A_250] {strides = array<i32>} : memref<4x256xf32, #tpu.memory_space<vmem>>, vector<1x16xf32>,
    %get3A_252 = vector.shape_cast %get3A_251 : vector<1x16xf32> to vector<16xf32>
    %get3A_253 = arith.constant 2 : i32
    %get3A_254 = arith.index_cast %get3A_253 : i32 to index
    %get3A_255 = arith.constant 32 : index
    %get3A_256 = tpu.vector_load %arg6[%get3A_254, %get3A_255] {strides = array<i32>} : memref<4x256xf32, #tpu.memory_space<vmem>>, vector<1x16xf32>,
    %get3A_257 = vector.shape_cast %get3A_256 : vector<1x16xf32> to vector<16xf32>
    %get3A_258 = arith.constant 2 : i32
    %get3A_259 = arith.index_cast %get3A_258 : i32 to index
    %get3A_260 = arith.constant 48 : index
    %get3A_261 = tpu.vector_load %arg6[%get3A_259, %get3A_260] {strides = array<i32>} : memref<4x256xf32, #tpu.memory_space<vmem>>, vector<1x16xf32>,
    %get3A_262 = vector.shape_cast %get3A_261 : vector<1x16xf32> to vector<16xf32>
    %get3A_263 = arith.constant 2 : i32
    %get3A_264 = arith.index_cast %get3A_263 : i32 to index
    %get3A_265 = arith.constant 64 : index
    %get3A_266 = tpu.vector_load %arg6[%get3A_264, %get3A_265] {strides = array<i32>} : memref<4x256xf32, #tpu.memory_space<vmem>>, vector<1x16xf32>,
    %get3A_267 = vector.shape_cast %get3A_266 : vector<1x16xf32> to vector<16xf32>
    %get3A_268 = arith.constant 2 : i32
    %get3A_269 = arith.index_cast %get3A_268 : i32 to index
    %get3A_270 = arith.constant 80 : index
    %get3A_271 = tpu.vector_load %arg6[%get3A_269, %get3A_270] {strides = array<i32>} : memref<4x256xf32, #tpu.memory_space<vmem>>, vector<1x16xf32>,
    %get3A_272 = vector.shape_cast %get3A_271 : vector<1x16xf32> to vector<16xf32>
    %get3A_273 = arith.constant 2 : i32
    %get3A_274 = arith.index_cast %get3A_273 : i32 to index
    %get3A_275 = arith.constant 96 : index
    %get3A_276 = tpu.vector_load %arg6[%get3A_274, %get3A_275] {strides = array<i32>} : memref<4x256xf32, #tpu.memory_space<vmem>>, vector<1x16xf32>,
    %get3A_277 = vector.shape_cast %get3A_276 : vector<1x16xf32> to vector<16xf32>
    %get3A_278 = arith.constant 2 : i32
    %get3A_279 = arith.index_cast %get3A_278 : i32 to index
    %get3A_280 = arith.constant 112 : index
    %get3A_281 = tpu.vector_load %arg6[%get3A_279, %get3A_280] {strides = array<i32>} : memref<4x256xf32, #tpu.memory_space<vmem>>, vector<1x16xf32>,
    %get3A_282 = vector.shape_cast %get3A_281 : vector<1x16xf32> to vector<16xf32>
    %get3A_283 = arith.constant 2 : i32
    %get3A_284 = arith.index_cast %get3A_283 : i32 to index
    %get3A_285 = arith.constant 128 : index
    %get3A_286 = tpu.vector_load %arg6[%get3A_284, %get3A_285] {strides = array<i32>} : memref<4x256xf32, #tpu.memory_space<vmem>>, vector<1x16xf32>,
    %get3A_287 = vector.shape_cast %get3A_286 : vector<1x16xf32> to vector<16xf32>
    %get3A_288 = arith.constant 2 : i32
    %get3A_289 = arith.index_cast %get3A_288 : i32 to index
    %get3A_290 = arith.constant 144 : index
    %get3A_291 = tpu.vector_load %arg6[%get3A_289, %get3A_290] {strides = array<i32>} : memref<4x256xf32, #tpu.memory_space<vmem>>, vector<1x16xf32>,
    %get3A_292 = vector.shape_cast %get3A_291 : vector<1x16xf32> to vector<16xf32>
    %get3A_293 = arith.constant 2 : i32
    %get3A_294 = arith.index_cast %get3A_293 : i32 to index
    %get3A_295 = arith.constant 160 : index
    %get3A_296 = tpu.vector_load %arg6[%get3A_294, %get3A_295] {strides = array<i32>} : memref<4x256xf32, #tpu.memory_space<vmem>>, vector<1x16xf32>,
    %get3A_297 = vector.shape_cast %get3A_296 : vector<1x16xf32> to vector<16xf32>
    %get3A_298 = arith.constant 2 : i32
    %get3A_299 = arith.index_cast %get3A_298 : i32 to index
    %get3A_300 = arith.constant 176 : index
    %get3A_301 = tpu.vector_load %arg6[%get3A_299, %get3A_300] {strides = array<i32>} : memref<4x256xf32, #tpu.memory_space<vmem>>, vector<1x16xf32>,
    %get3A_302 = vector.shape_cast %get3A_301 : vector<1x16xf32> to vector<16xf32>
    %get3A_303 = arith.constant 2 : i32
    %get3A_304 = arith.index_cast %get3A_303 : i32 to index
    %get3A_305 = arith.constant 192 : index
    %get3A_306 = tpu.vector_load %arg6[%get3A_304, %get3A_305] {strides = array<i32>} : memref<4x256xf32, #tpu.memory_space<vmem>>, vector<1x16xf32>,
    %get3A_307 = vector.shape_cast %get3A_306 : vector<1x16xf32> to vector<16xf32>
    %get3A_308 = arith.constant 2 : i32
    %get3A_309 = arith.index_cast %get3A_308 : i32 to index
    %get3A_310 = arith.constant 208 : index
    %get3A_311 = tpu.vector_load %arg6[%get3A_309, %get3A_310] {strides = array<i32>} : memref<4x256xf32, #tpu.memory_space<vmem>>, vector<1x16xf32>,
    %get3A_312 = vector.shape_cast %get3A_311 : vector<1x16xf32> to vector<16xf32>
    %get3A_313 = arith.constant 2 : i32
    %get3A_314 = arith.index_cast %get3A_313 : i32 to index
    %get3A_315 = arith.constant 224 : index
    %get3A_316 = tpu.vector_load %arg6[%get3A_314, %get3A_315] {strides = array<i32>} : memref<4x256xf32, #tpu.memory_space<vmem>>, vector<1x16xf32>,
    %get3A_317 = vector.shape_cast %get3A_316 : vector<1x16xf32> to vector<16xf32>
    %get3A_318 = arith.constant 2 : i32
    %get3A_319 = arith.index_cast %get3A_318 : i32 to index
    %get3A_320 = arith.constant 240 : index
    %get3A_321 = tpu.vector_load %arg6[%get3A_319, %get3A_320] {strides = array<i32>} : memref<4x256xf32, #tpu.memory_space<vmem>>, vector<1x16xf32>,
    %get3A_322 = vector.shape_cast %get3A_321 : vector<1x16xf32> to vector<16xf32>
    %parallel_loop3A_323 = arith.constant 0 : i32
    %parallel_loop3A_324 = arith.constant 128 : i32
    %parallel_loop3A_325 = arith.constant 1 : i32
    %parallel_loop3A_326:16 = scf.for %parallel_loop3A_485 = %parallel_loop3A_323 to %parallel_loop3A_324 step %parallel_loop3A_325 iter_args(%parallel_loop3A_486 = %get3A_247, %parallel_loop3A_487 = %get3A_252, %parallel_loop3A_488 = %get3A_257, %parallel_loop3A_489 = %get3A_262, %parallel_loop3A_490 = %get3A_267, %parallel_loop3A_491 = %get3A_272, %parallel_loop3A_492 = %get3A_277, %parallel_loop3A_493 = %get3A_282, %parallel_loop3A_494 = %get3A_287, %parallel_loop3A_495 = %get3A_292, %parallel_loop3A_496 = %get3A_297, %parallel_loop3A_497 = %get3A_302, %parallel_loop3A_498 = %get3A_307, %parallel_loop3A_499 = %get3A_312, %parallel_loop3A_500 = %get3A_317, %parallel_loop3A_501 = %get3A_322) -> (vector<16xf32>, vector<16xf32>, vector<16xf32>, vector<16xf32>, vector<16xf32>, vector<16xf32>, vector<16xf32>, vector<16xf32>, vector<16xf32>, vector<16xf32>, vector<16xf32>, vector<16xf32>, vector<16xf32>, vector<16xf32>, vector<16xf32>, vector<16xf32>)  : i32 {
      %parallel_loop3A_502 = arith.index_cast %parallel_loop3A_485 : i32 to index
      %parallel_loop3A_503 = arith.constant 0 : index
      %parallel_loop3A_504 = tpu.vector_load %arg5[%parallel_loop3A_502, %parallel_loop3A_503] {strides = array<i32>} : memref<128x256xf32, #tpu.memory_space<vmem>>, vector<1x16xf32>,
      %parallel_loop3A_505 = vector.shape_cast %parallel_loop3A_504 : vector<1x16xf32> to vector<16xf32>
      %parallel_loop3A_506 = arith.addf %parallel_loop3A_505, %parallel_loop3A_486 : vector<16xf32>
      %parallel_loop3A_507 = arith.index_cast %parallel_loop3A_485 : i32 to index
      %parallel_loop3A_508 = arith.constant 0 : index
      %parallel_loop3A_509 = tpu.vector_load %arg7[%parallel_loop3A_507, %parallel_loop3A_508] {strides = array<i32>} : memref<128x256xf32, #tpu.memory_space<vmem>>, vector<1x16xf32>,
      %parallel_loop3A_510 = vector.shape_cast %parallel_loop3A_509 : vector<1x16xf32> to vector<16xf32>
      %parallel_loop3A_511 = vector.shape_cast %parallel_loop3A_506 : vector<16xf32> to vector<1x16xf32>
      tpu.vector_store %arg7[%parallel_loop3A_507, %parallel_loop3A_508], %parallel_loop3A_511 {strides = array<i32>} : memref<128x256xf32, #tpu.memory_space<vmem>>, vector<1x16xf32>,
      %parallel_loop3A_512 = arith.index_cast %parallel_loop3A_485 : i32 to index
      %parallel_loop3A_513 = arith.constant 16 : index
      %parallel_loop3A_514 = tpu.vector_load %arg5[%parallel_loop3A_512, %parallel_loop3A_513] {strides = array<i32>} : memref<128x256xf32, #tpu.memory_space<vmem>>, vector<1x16xf32>,
      %parallel_loop3A_515 = vector.shape_cast %parallel_loop3A_514 : vector<1x16xf32> to vector<16xf32>
      %parallel_loop3A_516 = arith.addf %parallel_loop3A_515, %parallel_loop3A_487 : vector<16xf32>
      %parallel_loop3A_517 = arith.index_cast %parallel_loop3A_485 : i32 to index
      %parallel_loop3A_518 = arith.constant 16 : index
      %parallel_loop3A_519 = tpu.vector_load %arg7[%parallel_loop3A_517, %parallel_loop3A_518] {strides = array<i32>} : memref<128x256xf32, #tpu.memory_space<vmem>>, vector<1x16xf32>,
      %parallel_loop3A_520 = vector.shape_cast %parallel_loop3A_519 : vector<1x16xf32> to vector<16xf32>
      %parallel_loop3A_521 = vector.shape_cast %parallel_loop3A_516 : vector<16xf32> to vector<1x16xf32>
      tpu.vector_store %arg7[%parallel_loop3A_517, %parallel_loop3A_518], %parallel_loop3A_521 {strides = array<i32>} : memref<128x256xf32, #tpu.memory_space<vmem>>, vector<1x16xf32>,
      %parallel_loop3A_522 = arith.index_cast %parallel_loop3A_485 : i32 to index
      %parallel_loop3A_523 = arith.constant 32 : index
      %parallel_loop3A_524 = tpu.vector_load %arg5[%parallel_loop3A_522, %parallel_loop3A_523] {strides = array<i32>} : memref<128x256xf32, #tpu.memory_space<vmem>>, vector<1x16xf32>,
      %parallel_loop3A_525 = vector.shape_cast %parallel_loop3A_524 : vector<1x16xf32> to vector<16xf32>
      %parallel_loop3A_526 = arith.addf %parallel_loop3A_525, %parallel_loop3A_488 : vector<16xf32>
      %parallel_loop3A_527 = arith.index_cast %parallel_loop3A_485 : i32 to index
      %parallel_loop3A_528 = arith.constant 32 : index
      %parallel_loop3A_529 = tpu.vector_load %arg7[%parallel_loop3A_527, %parallel_loop3A_528] {strides = array<i32>} : memref<128x256xf32, #tpu.memory_space<vmem>>, vector<1x16xf32>,
      %parallel_loop3A_530 = vector.shape_cast %parallel_loop3A_529 : vector<1x16xf32> to vector<16xf32>
      %parallel_loop3A_531 = vector.shape_cast %parallel_loop3A_526 : vector<16xf32> to vector<1x16xf32>
      tpu.vector_store %arg7[%parallel_loop3A_527, %parallel_loop3A_528], %parallel_loop3A_531 {strides = array<i32>} : memref<128x256xf32, #tpu.memory_space<vmem>>, vector<1x16xf32>,
      %parallel_loop3A_532 = arith.index_cast %parallel_loop3A_485 : i32 to index
      %parallel_loop3A_533 = arith.constant 48 : index
      %parallel_loop3A_534 = tpu.vector_load %arg5[%parallel_loop3A_532, %parallel_loop3A_533] {strides = array<i32>} : memref<128x256xf32, #tpu.memory_space<vmem>>, vector<1x16xf32>,
      %parallel_loop3A_535 = vector.shape_cast %parallel_loop3A_534 : vector<1x16xf32> to vector<16xf32>
      %parallel_loop3A_536 = arith.addf %parallel_loop3A_535, %parallel_loop3A_489 : vector<16xf32>
      %parallel_loop3A_537 = arith.index_cast %parallel_loop3A_485 : i32 to index
      %parallel_loop3A_538 = arith.constant 48 : index
      %parallel_loop3A_539 = tpu.vector_load %arg7[%parallel_loop3A_537, %parallel_loop3A_538] {strides = array<i32>} : memref<128x256xf32, #tpu.memory_space<vmem>>, vector<1x16xf32>,
      %parallel_loop3A_540 = vector.shape_cast %parallel_loop3A_539 : vector<1x16xf32> to vector<16xf32>
      %parallel_loop3A_541 = vector.shape_cast %parallel_loop3A_536 : vector<16xf32> to vector<1x16xf32>
      tpu.vector_store %arg7[%parallel_loop3A_537, %parallel_loop3A_538], %parallel_loop3A_541 {strides = array<i32>} : memref<128x256xf32, #tpu.memory_space<vmem>>, vector<1x16xf32>,
      %parallel_loop3A_542 = arith.index_cast %parallel_loop3A_485 : i32 to index
      %parallel_loop3A_543 = arith.constant 64 : index
      %parallel_loop3A_544 = tpu.vector_load %arg5[%parallel_loop3A_542, %parallel_loop3A_543] {strides = array<i32>} : memref<128x256xf32, #tpu.memory_space<vmem>>, vector<1x16xf32>,
      %parallel_loop3A_545 = vector.shape_cast %parallel_loop3A_544 : vector<1x16xf32> to vector<16xf32>
      %parallel_loop3A_546 = arith.addf %parallel_loop3A_545, %parallel_loop3A_490 : vector<16xf32>
      %parallel_loop3A_547 = arith.index_cast %parallel_loop3A_485 : i32 to index
      %parallel_loop3A_548 = arith.constant 64 : index
      %parallel_loop3A_549 = tpu.vector_load %arg7[%parallel_loop3A_547, %parallel_loop3A_548] {strides = array<i32>} : memref<128x256xf32, #tpu.memory_space<vmem>>, vector<1x16xf32>,
      %parallel_loop3A_550 = vector.shape_cast %parallel_loop3A_549 : vector<1x16xf32> to vector<16xf32>
      %parallel_loop3A_551 = vector.shape_cast %parallel_loop3A_546 : vector<16xf32> to vector<1x16xf32>
      tpu.vector_store %arg7[%parallel_loop3A_547, %parallel_loop3A_548], %parallel_loop3A_551 {strides = array<i32>} : memref<128x256xf32, #tpu.memory_space<vmem>>, vector<1x16xf32>,
      %parallel_loop3A_552 = arith.index_cast %parallel_loop3A_485 : i32 to index
      %parallel_loop3A_553 = arith.constant 80 : index
      %parallel_loop3A_554 = tpu.vector_load %arg5[%parallel_loop3A_552, %parallel_loop3A_553] {strides = array<i32>} : memref<128x256xf32, #tpu.memory_space<vmem>>, vector<1x16xf32>,
      %parallel_loop3A_555 = vector.shape_cast %parallel_loop3A_554 : vector<1x16xf32> to vector<16xf32>
      %parallel_loop3A_556 = arith.addf %parallel_loop3A_555, %parallel_loop3A_491 : vector<16xf32>
      %parallel_loop3A_557 = arith.index_cast %parallel_loop3A_485 : i32 to index
      %parallel_loop3A_558 = arith.constant 80 : index
      %parallel_loop3A_559 = tpu.vector_load %arg7[%parallel_loop3A_557, %parallel_loop3A_558] {strides = array<i32>} : memref<128x256xf32, #tpu.memory_space<vmem>>, vector<1x16xf32>,
      %parallel_loop3A_560 = vector.shape_cast %parallel_loop3A_559 : vector<1x16xf32> to vector<16xf32>
      %parallel_loop3A_561 = vector.shape_cast %parallel_loop3A_556 : vector<16xf32> to vector<1x16xf32>
      tpu.vector_store %arg7[%parallel_loop3A_557, %parallel_loop3A_558], %parallel_loop3A_561 {strides = array<i32>} : memref<128x256xf32, #tpu.memory_space<vmem>>, vector<1x16xf32>,
      %parallel_loop3A_562 = arith.index_cast %parallel_loop3A_485 : i32 to index
      %parallel_loop3A_563 = arith.constant 96 : index
      %parallel_loop3A_564 = tpu.vector_load %arg5[%parallel_loop3A_562, %parallel_loop3A_563] {strides = array<i32>} : memref<128x256xf32, #tpu.memory_space<vmem>>, vector<1x16xf32>,
      %parallel_loop3A_565 = vector.shape_cast %parallel_loop3A_564 : vector<1x16xf32> to vector<16xf32>
      %parallel_loop3A_566 = arith.addf %parallel_loop3A_565, %parallel_loop3A_492 : vector<16xf32>
      %parallel_loop3A_567 = arith.index_cast %parallel_loop3A_485 : i32 to index
      %parallel_loop3A_568 = arith.constant 96 : index
      %parallel_loop3A_569 = tpu.vector_load %arg7[%parallel_loop3A_567, %parallel_loop3A_568] {strides = array<i32>} : memref<128x256xf32, #tpu.memory_space<vmem>>, vector<1x16xf32>,
      %parallel_loop3A_570 = vector.shape_cast %parallel_loop3A_569 : vector<1x16xf32> to vector<16xf32>
      %parallel_loop3A_571 = vector.shape_cast %parallel_loop3A_566 : vector<16xf32> to vector<1x16xf32>
      tpu.vector_store %arg7[%parallel_loop3A_567, %parallel_loop3A_568], %parallel_loop3A_571 {strides = array<i32>} : memref<128x256xf32, #tpu.memory_space<vmem>>, vector<1x16xf32>,
      %parallel_loop3A_572 = arith.index_cast %parallel_loop3A_485 : i32 to index
      %parallel_loop3A_573 = arith.constant 112 : index
      %parallel_loop3A_574 = tpu.vector_load %arg5[%parallel_loop3A_572, %parallel_loop3A_573] {strides = array<i32>} : memref<128x256xf32, #tpu.memory_space<vmem>>, vector<1x16xf32>,
      %parallel_loop3A_575 = vector.shape_cast %parallel_loop3A_574 : vector<1x16xf32> to vector<16xf32>
      %parallel_loop3A_576 = arith.addf %parallel_loop3A_575, %parallel_loop3A_493 : vector<16xf32>
      %parallel_loop3A_577 = arith.index_cast %parallel_loop3A_485 : i32 to index
      %parallel_loop3A_578 = arith.constant 112 : index
      %parallel_loop3A_579 = tpu.vector_load %arg7[%parallel_loop3A_577, %parallel_loop3A_578] {strides = array<i32>} : memref<128x256xf32, #tpu.memory_space<vmem>>, vector<1x16xf32>,
      %parallel_loop3A_580 = vector.shape_cast %parallel_loop3A_579 : vector<1x16xf32> to vector<16xf32>
      %parallel_loop3A_581 = vector.shape_cast %parallel_loop3A_576 : vector<16xf32> to vector<1x16xf32>
      tpu.vector_store %arg7[%parallel_loop3A_577, %parallel_loop3A_578], %parallel_loop3A_581 {strides = array<i32>} : memref<128x256xf32, #tpu.memory_space<vmem>>, vector<1x16xf32>,
      %parallel_loop3A_582 = arith.index_cast %parallel_loop3A_485 : i32 to index
      %parallel_loop3A_583 = arith.constant 128 : index
      %parallel_loop3A_584 = tpu.vector_load %arg5[%parallel_loop3A_582, %parallel_loop3A_583] {strides = array<i32>} : memref<128x256xf32, #tpu.memory_space<vmem>>, vector<1x16xf32>,
      %parallel_loop3A_585 = vector.shape_cast %parallel_loop3A_584 : vector<1x16xf32> to vector<16xf32>
      %parallel_loop3A_586 = arith.addf %parallel_loop3A_585, %parallel_loop3A_494 : vector<16xf32>
      %parallel_loop3A_587 = arith.index_cast %parallel_loop3A_485 : i32 to index
      %parallel_loop3A_588 = arith.constant 128 : index
      %parallel_loop3A_589 = tpu.vector_load %arg7[%parallel_loop3A_587, %parallel_loop3A_588] {strides = array<i32>} : memref<128x256xf32, #tpu.memory_space<vmem>>, vector<1x16xf32>,
      %parallel_loop3A_590 = vector.shape_cast %parallel_loop3A_589 : vector<1x16xf32> to vector<16xf32>
      %parallel_loop3A_591 = vector.shape_cast %parallel_loop3A_586 : vector<16xf32> to vector<1x16xf32>
      tpu.vector_store %arg7[%parallel_loop3A_587, %parallel_loop3A_588], %parallel_loop3A_591 {strides = array<i32>} : memref<128x256xf32, #tpu.memory_space<vmem>>, vector<1x16xf32>,
      %parallel_loop3A_592 = arith.index_cast %parallel_loop3A_485 : i32 to index
      %parallel_loop3A_593 = arith.constant 144 : index
      %parallel_loop3A_594 = tpu.vector_load %arg5[%parallel_loop3A_592, %parallel_loop3A_593] {strides = array<i32>} : memref<128x256xf32, #tpu.memory_space<vmem>>, vector<1x16xf32>,
      %parallel_loop3A_595 = vector.shape_cast %parallel_loop3A_594 : vector<1x16xf32> to vector<16xf32>
      %parallel_loop3A_596 = arith.addf %parallel_loop3A_595, %parallel_loop3A_495 : vector<16xf32>
      %parallel_loop3A_597 = arith.index_cast %parallel_loop3A_485 : i32 to index
      %parallel_loop3A_598 = arith.constant 144 : index
      %parallel_loop3A_599 = tpu.vector_load %arg7[%parallel_loop3A_597, %parallel_loop3A_598] {strides = array<i32>} : memref<128x256xf32, #tpu.memory_space<vmem>>, vector<1x16xf32>,
      %parallel_loop3A_600 = vector.shape_cast %parallel_loop3A_599 : vector<1x16xf32> to vector<16xf32>
      %parallel_loop3A_601 = vector.shape_cast %parallel_loop3A_596 : vector<16xf32> to vector<1x16xf32>
      tpu.vector_store %arg7[%parallel_loop3A_597, %parallel_loop3A_598], %parallel_loop3A_601 {strides = array<i32>} : memref<128x256xf32, #tpu.memory_space<vmem>>, vector<1x16xf32>,
      %parallel_loop3A_602 = arith.index_cast %parallel_loop3A_485 : i32 to index
      %parallel_loop3A_603 = arith.constant 160 : index
      %parallel_loop3A_604 = tpu.vector_load %arg5[%parallel_loop3A_602, %parallel_loop3A_603] {strides = array<i32>} : memref<128x256xf32, #tpu.memory_space<vmem>>, vector<1x16xf32>,
      %parallel_loop3A_605 = vector.shape_cast %parallel_loop3A_604 : vector<1x16xf32> to vector<16xf32>
      %parallel_loop3A_606 = arith.addf %parallel_loop3A_605, %parallel_loop3A_496 : vector<16xf32>
      %parallel_loop3A_607 = arith.index_cast %parallel_loop3A_485 : i32 to index
      %parallel_loop3A_608 = arith.constant 160 : index
      %parallel_loop3A_609 = tpu.vector_load %arg7[%parallel_loop3A_607, %parallel_loop3A_608] {strides = array<i32>} : memref<128x256xf32, #tpu.memory_space<vmem>>, vector<1x16xf32>,
      %parallel_loop3A_610 = vector.shape_cast %parallel_loop3A_609 : vector<1x16xf32> to vector<16xf32>
      %parallel_loop3A_611 = vector.shape_cast %parallel_loop3A_606 : vector<16xf32> to vector<1x16xf32>
      tpu.vector_store %arg7[%parallel_loop3A_607, %parallel_loop3A_608], %parallel_loop3A_611 {strides = array<i32>} : memref<128x256xf32, #tpu.memory_space<vmem>>, vector<1x16xf32>,
      %parallel_loop3A_612 = arith.index_cast %parallel_loop3A_485 : i32 to index
      %parallel_loop3A_613 = arith.constant 176 : index
      %parallel_loop3A_614 = tpu.vector_load %arg5[%parallel_loop3A_612, %parallel_loop3A_613] {strides = array<i32>} : memref<128x256xf32, #tpu.memory_space<vmem>>, vector<1x16xf32>,
      %parallel_loop3A_615 = vector.shape_cast %parallel_loop3A_614 : vector<1x16xf32> to vector<16xf32>
      %parallel_loop3A_616 = arith.addf %parallel_loop3A_615, %parallel_loop3A_497 : vector<16xf32>
      %parallel_loop3A_617 = arith.index_cast %parallel_loop3A_485 : i32 to index
      %parallel_loop3A_618 = arith.constant 176 : index
      %parallel_loop3A_619 = tpu.vector_load %arg7[%parallel_loop3A_617, %parallel_loop3A_618] {strides = array<i32>} : memref<128x256xf32, #tpu.memory_space<vmem>>, vector<1x16xf32>,
      %parallel_loop3A_620 = vector.shape_cast %parallel_loop3A_619 : vector<1x16xf32> to vector<16xf32>
      %parallel_loop3A_621 = vector.shape_cast %parallel_loop3A_616 : vector<16xf32> to vector<1x16xf32>
      tpu.vector_store %arg7[%parallel_loop3A_617, %parallel_loop3A_618], %parallel_loop3A_621 {strides = array<i32>} : memref<128x256xf32, #tpu.memory_space<vmem>>, vector<1x16xf32>,
      %parallel_loop3A_622 = arith.index_cast %parallel_loop3A_485 : i32 to index
      %parallel_loop3A_623 = arith.constant 192 : index
      %parallel_loop3A_624 = tpu.vector_load %arg5[%parallel_loop3A_622, %parallel_loop3A_623] {strides = array<i32>} : memref<128x256xf32, #tpu.memory_space<vmem>>, vector<1x16xf32>,
      %parallel_loop3A_625 = vector.shape_cast %parallel_loop3A_624 : vector<1x16xf32> to vector<16xf32>
      %parallel_loop3A_626 = arith.addf %parallel_loop3A_625, %parallel_loop3A_498 : vector<16xf32>
      %parallel_loop3A_627 = arith.index_cast %parallel_loop3A_485 : i32 to index
      %parallel_loop3A_628 = arith.constant 192 : index
      %parallel_loop3A_629 = tpu.vector_load %arg7[%parallel_loop3A_627, %parallel_loop3A_628] {strides = array<i32>} : memref<128x256xf32, #tpu.memory_space<vmem>>, vector<1x16xf32>,
      %parallel_loop3A_630 = vector.shape_cast %parallel_loop3A_629 : vector<1x16xf32> to vector<16xf32>
      %parallel_loop3A_631 = vector.shape_cast %parallel_loop3A_626 : vector<16xf32> to vector<1x16xf32>
      tpu.vector_store %arg7[%parallel_loop3A_627, %parallel_loop3A_628], %parallel_loop3A_631 {strides = array<i32>} : memref<128x256xf32, #tpu.memory_space<vmem>>, vector<1x16xf32>,
      %parallel_loop3A_632 = arith.index_cast %parallel_loop3A_485 : i32 to index
      %parallel_loop3A_633 = arith.constant 208 : index
      %parallel_loop3A_634 = tpu.vector_load %arg5[%parallel_loop3A_632, %parallel_loop3A_633] {strides = array<i32>} : memref<128x256xf32, #tpu.memory_space<vmem>>, vector<1x16xf32>,
      %parallel_loop3A_635 = vector.shape_cast %parallel_loop3A_634 : vector<1x16xf32> to vector<16xf32>
      %parallel_loop3A_636 = arith.addf %parallel_loop3A_635, %parallel_loop3A_499 : vector<16xf32>
      %parallel_loop3A_637 = arith.index_cast %parallel_loop3A_485 : i32 to index
      %parallel_loop3A_638 = arith.constant 208 : index
      %parallel_loop3A_639 = tpu.vector_load %arg7[%parallel_loop3A_637, %parallel_loop3A_638] {strides = array<i32>} : memref<128x256xf32, #tpu.memory_space<vmem>>, vector<1x16xf32>,
      %parallel_loop3A_640 = vector.shape_cast %parallel_loop3A_639 : vector<1x16xf32> to vector<16xf32>
      %parallel_loop3A_641 = vector.shape_cast %parallel_loop3A_636 : vector<16xf32> to vector<1x16xf32>
      tpu.vector_store %arg7[%parallel_loop3A_637, %parallel_loop3A_638], %parallel_loop3A_641 {strides = array<i32>} : memref<128x256xf32, #tpu.memory_space<vmem>>, vector<1x16xf32>,
      %parallel_loop3A_642 = arith.index_cast %parallel_loop3A_485 : i32 to index
      %parallel_loop3A_643 = arith.constant 224 : index
      %parallel_loop3A_644 = tpu.vector_load %arg5[%parallel_loop3A_642, %parallel_loop3A_643] {strides = array<i32>} : memref<128x256xf32, #tpu.memory_space<vmem>>, vector<1x16xf32>,
      %parallel_loop3A_645 = vector.shape_cast %parallel_loop3A_644 : vector<1x16xf32> to vector<16xf32>
      %parallel_loop3A_646 = arith.addf %parallel_loop3A_645, %parallel_loop3A_500 : vector<16xf32>
      %parallel_loop3A_647 = arith.index_cast %parallel_loop3A_485 : i32 to index
      %parallel_loop3A_648 = arith.constant 224 : index
      %parallel_loop3A_649 = tpu.vector_load %arg7[%parallel_loop3A_647, %parallel_loop3A_648] {strides = array<i32>} : memref<128x256xf32, #tpu.memory_space<vmem>>, vector<1x16xf32>,
      %parallel_loop3A_650 = vector.shape_cast %parallel_loop3A_649 : vector<1x16xf32> to vector<16xf32>
      %parallel_loop3A_651 = vector.shape_cast %parallel_loop3A_646 : vector<16xf32> to vector<1x16xf32>
      tpu.vector_store %arg7[%parallel_loop3A_647, %parallel_loop3A_648], %parallel_loop3A_651 {strides = array<i32>} : memref<128x256xf32, #tpu.memory_space<vmem>>, vector<1x16xf32>,
      %parallel_loop3A_652 = arith.index_cast %parallel_loop3A_485 : i32 to index
      %parallel_loop3A_653 = arith.constant 240 : index
      %parallel_loop3A_654 = tpu.vector_load %arg5[%parallel_loop3A_652, %parallel_loop3A_653] {strides = array<i32>} : memref<128x256xf32, #tpu.memory_space<vmem>>, vector<1x16xf32>,
      %parallel_loop3A_655 = vector.shape_cast %parallel_loop3A_654 : vector<1x16xf32> to vector<16xf32>
      %parallel_loop3A_656 = arith.addf %parallel_loop3A_655, %parallel_loop3A_501 : vector<16xf32>
      %parallel_loop3A_657 = arith.index_cast %parallel_loop3A_485 : i32 to index
      %parallel_loop3A_658 = arith.constant 240 : index
      %parallel_loop3A_659 = tpu.vector_load %arg7[%parallel_loop3A_657, %parallel_loop3A_658] {strides = array<i32>} : memref<128x256xf32, #tpu.memory_space<vmem>>, vector<1x16xf32>,
      %parallel_loop3A_660 = vector.shape_cast %parallel_loop3A_659 : vector<1x16xf32> to vector<16xf32>
      %parallel_loop3A_661 = vector.shape_cast %parallel_loop3A_656 : vector<16xf32> to vector<1x16xf32>
      tpu.vector_store %arg7[%parallel_loop3A_657, %parallel_loop3A_658], %parallel_loop3A_661 {strides = array<i32>} : memref<128x256xf32, #tpu.memory_space<vmem>>, vector<1x16xf32>,
      scf.yield %parallel_loop3A_486, %parallel_loop3A_487, %parallel_loop3A_488, %parallel_loop3A_489, %parallel_loop3A_490, %parallel_loop3A_491, %parallel_loop3A_492, %parallel_loop3A_493, %parallel_loop3A_494, %parallel_loop3A_495, %parallel_loop3A_496, %parallel_loop3A_497, %parallel_loop3A_498, %parallel_loop3A_499, %parallel_loop3A_500, %parallel_loop3A_501 : vector<16xf32>, vector<16xf32>, vector<16xf32>, vector<16xf32>, vector<16xf32>, vector<16xf32>, vector<16xf32>, vector<16xf32>, vector<16xf32>, vector<16xf32>, vector<16xf32>, vector<16xf32>, vector<16xf32>, vector<16xf32>, vector<16xf32>, vector<16xf32>
    } {sc.loop_unroll_factor = 2 : i64, sc.parallel_access}
    %add3A_327 = arith.constant 2 : i32
    %add3A_328 = arith.addi %mul3A_2, %add3A_327 : i32
    %mul3A_329 = arith.constant 128 : i32
    %mul3A_330 = arith.muli %add3A_328, %mul3A_329 : i32
    %add3A_331 = arith.constant 0 : i32
    %add3A_332 = arith.addi %mul3A_330, %add3A_331 : i32
    %dma_start3A_333 = arith.constant 0 : i32
    %dma_start3A_334 = tpu.memref_slice %arg4[%add3A_332, %dma_start3A_333] : memref<16384x256xf32, #tpu.memory_space<hbm>> -> memref<128x256xf32, #tpu.memory_space<hbm>>
    %dma_start3A_335 = arith.constant 0 : i32
    %dma_start3A_336 = tpu.memref_slice %arg4[%add3A_332, %dma_start3A_335] : memref<16384x256xf32, #tpu.memory_space<hbm>> -> memref<128x256xf32, #tpu.memory_space<hbm>>
    tpu.enqueue_dma source(%arg7 : memref<128x256xf32, #tpu.memory_space<vmem>>) target(%dma_start3A_336 : memref<128x256xf32, #tpu.memory_space<hbm>>) target_semaphore(%arg11 : memref<!tpu.dma_semaphore, #tpu.memory_space<semaphore_mem>>)
    %dma_wait3A_337 = arith.constant 0 : i32
    %dma_wait3A_338 = tpu.memref_slice %arg4[%add3A_234, %dma_wait3A_337] : memref<16384x256xf32, #tpu.memory_space<hbm>> -> memref<128x256xf32, #tpu.memory_space<hbm>>
    %dma_wait3A_339 = arith.constant 0 : i32
    %dma_wait3A_340 = tpu.memref_slice %arg4[%add3A_234, %dma_wait3A_339] : memref<16384x256xf32, #tpu.memory_space<hbm>> -> memref<128x256xf32, #tpu.memory_space<hbm>>
    tpu.wait_dma2 semaphore(%arg12 : memref<!tpu.dma_semaphore, #tpu.memory_space<semaphore_mem>>) src(%arg8 : memref<128x256xf32, #tpu.memory_space<vmem>>) dst(%dma_wait3A_340 : memref<128x256xf32, #tpu.memory_space<hbm>>)
    %get3A_341 = arith.constant 3 : i32
    %get3A_342 = arith.index_cast %get3A_341 : i32 to index
    %get3A_343 = arith.constant 0 : index
    %get3A_344 = tpu.vector_load %arg6[%get3A_342, %get3A_343] {strides = array<i32>} : memref<4x256xf32, #tpu.memory_space<vmem>>, vector<1x16xf32>,
    %get3A_345 = vector.shape_cast %get3A_344 : vector<1x16xf32> to vector<16xf32>
    %get3A_346 = arith.constant 3 : i32
    %get3A_347 = arith.index_cast %get3A_346 : i32 to index
    %get3A_348 = arith.constant 16 : index
    %get3A_349 = tpu.vector_load %arg6[%get3A_347, %get3A_348] {strides = array<i32>} : memref<4x256xf32, #tpu.memory_space<vmem>>, vector<1x16xf32>,
    %get3A_350 = vector.shape_cast %get3A_349 : vector<1x16xf32> to vector<16xf32>
    %get3A_351 = arith.constant 3 : i32
    %get3A_352 = arith.index_cast %get3A_351 : i32 to index
    %get3A_353 = arith.constant 32 : index
    %get3A_354 = tpu.vector_load %arg6[%get3A_352, %get3A_353] {strides = array<i32>} : memref<4x256xf32, #tpu.memory_space<vmem>>, vector<1x16xf32>,
    %get3A_355 = vector.shape_cast %get3A_354 : vector<1x16xf32> to vector<16xf32>
    %get3A_356 = arith.constant 3 : i32
    %get3A_357 = arith.index_cast %get3A_356 : i32 to index
    %get3A_358 = arith.constant 48 : index
    %get3A_359 = tpu.vector_load %arg6[%get3A_357, %get3A_358] {strides = array<i32>} : memref<4x256xf32, #tpu.memory_space<vmem>>, vector<1x16xf32>,
    %get3A_360 = vector.shape_cast %get3A_359 : vector<1x16xf32> to vector<16xf32>
    %get3A_361 = arith.constant 3 : i32
    %get3A_362 = arith.index_cast %get3A_361 : i32 to index
    %get3A_363 = arith.constant 64 : index
    %get3A_364 = tpu.vector_load %arg6[%get3A_362, %get3A_363] {strides = array<i32>} : memref<4x256xf32, #tpu.memory_space<vmem>>, vector<1x16xf32>,
    %get3A_365 = vector.shape_cast %get3A_364 : vector<1x16xf32> to vector<16xf32>
    %get3A_366 = arith.constant 3 : i32
    %get3A_367 = arith.index_cast %get3A_366 : i32 to index
    %get3A_368 = arith.constant 80 : index
    %get3A_369 = tpu.vector_load %arg6[%get3A_367, %get3A_368] {strides = array<i32>} : memref<4x256xf32, #tpu.memory_space<vmem>>, vector<1x16xf32>,
    %get3A_370 = vector.shape_cast %get3A_369 : vector<1x16xf32> to vector<16xf32>
    %get3A_371 = arith.constant 3 : i32
    %get3A_372 = arith.index_cast %get3A_371 : i32 to index
    %get3A_373 = arith.constant 96 : index
    %get3A_374 = tpu.vector_load %arg6[%get3A_372, %get3A_373] {strides = array<i32>} : memref<4x256xf32, #tpu.memory_space<vmem>>, vector<1x16xf32>,
    %get3A_375 = vector.shape_cast %get3A_374 : vector<1x16xf32> to vector<16xf32>
    %get3A_376 = arith.constant 3 : i32
    %get3A_377 = arith.index_cast %get3A_376 : i32 to index
    %get3A_378 = arith.constant 112 : index
    %get3A_379 = tpu.vector_load %arg6[%get3A_377, %get3A_378] {strides = array<i32>} : memref<4x256xf32, #tpu.memory_space<vmem>>, vector<1x16xf32>,
    %get3A_380 = vector.shape_cast %get3A_379 : vector<1x16xf32> to vector<16xf32>
    %get3A_381 = arith.constant 3 : i32
    %get3A_382 = arith.index_cast %get3A_381 : i32 to index
    %get3A_383 = arith.constant 128 : index
    %get3A_384 = tpu.vector_load %arg6[%get3A_382, %get3A_383] {strides = array<i32>} : memref<4x256xf32, #tpu.memory_space<vmem>>, vector<1x16xf32>,
    %get3A_385 = vector.shape_cast %get3A_384 : vector<1x16xf32> to vector<16xf32>
    %get3A_386 = arith.constant 3 : i32
    %get3A_387 = arith.index_cast %get3A_386 : i32 to index
    %get3A_388 = arith.constant 144 : index
    %get3A_389 = tpu.vector_load %arg6[%get3A_387, %get3A_388] {strides = array<i32>} : memref<4x256xf32, #tpu.memory_space<vmem>>, vector<1x16xf32>,
    %get3A_390 = vector.shape_cast %get3A_389 : vector<1x16xf32> to vector<16xf32>
    %get3A_391 = arith.constant 3 : i32
    %get3A_392 = arith.index_cast %get3A_391 : i32 to index
    %get3A_393 = arith.constant 160 : index
    %get3A_394 = tpu.vector_load %arg6[%get3A_392, %get3A_393] {strides = array<i32>} : memref<4x256xf32, #tpu.memory_space<vmem>>, vector<1x16xf32>,
    %get3A_395 = vector.shape_cast %get3A_394 : vector<1x16xf32> to vector<16xf32>
    %get3A_396 = arith.constant 3 : i32
    %get3A_397 = arith.index_cast %get3A_396 : i32 to index
    %get3A_398 = arith.constant 176 : index
    %get3A_399 = tpu.vector_load %arg6[%get3A_397, %get3A_398] {strides = array<i32>} : memref<4x256xf32, #tpu.memory_space<vmem>>, vector<1x16xf32>,
    %get3A_400 = vector.shape_cast %get3A_399 : vector<1x16xf32> to vector<16xf32>
    %get3A_401 = arith.constant 3 : i32
    %get3A_402 = arith.index_cast %get3A_401 : i32 to index
    %get3A_403 = arith.constant 192 : index
    %get3A_404 = tpu.vector_load %arg6[%get3A_402, %get3A_403] {strides = array<i32>} : memref<4x256xf32, #tpu.memory_space<vmem>>, vector<1x16xf32>,
    %get3A_405 = vector.shape_cast %get3A_404 : vector<1x16xf32> to vector<16xf32>
    %get3A_406 = arith.constant 3 : i32
    %get3A_407 = arith.index_cast %get3A_406 : i32 to index
    %get3A_408 = arith.constant 208 : index
    %get3A_409 = tpu.vector_load %arg6[%get3A_407, %get3A_408] {strides = array<i32>} : memref<4x256xf32, #tpu.memory_space<vmem>>, vector<1x16xf32>,
    %get3A_410 = vector.shape_cast %get3A_409 : vector<1x16xf32> to vector<16xf32>
    %get3A_411 = arith.constant 3 : i32
    %get3A_412 = arith.index_cast %get3A_411 : i32 to index
    %get3A_413 = arith.constant 224 : index
    %get3A_414 = tpu.vector_load %arg6[%get3A_412, %get3A_413] {strides = array<i32>} : memref<4x256xf32, #tpu.memory_space<vmem>>, vector<1x16xf32>,
    %get3A_415 = vector.shape_cast %get3A_414 : vector<1x16xf32> to vector<16xf32>
    %get3A_416 = arith.constant 3 : i32
    %get3A_417 = arith.index_cast %get3A_416 : i32 to index
    %get3A_418 = arith.constant 240 : index
    %get3A_419 = tpu.vector_load %arg6[%get3A_417, %get3A_418] {strides = array<i32>} : memref<4x256xf32, #tpu.memory_space<vmem>>, vector<1x16xf32>,
    %get3A_420 = vector.shape_cast %get3A_419 : vector<1x16xf32> to vector<16xf32>
    %parallel_loop3A_421 = arith.constant 0 : i32
    %parallel_loop3A_422 = arith.constant 64 : i32
    %parallel_loop3A_423 = arith.constant 1 : i32
    %parallel_loop3A_424:16 = scf.for %parallel_loop3A_485 = %parallel_loop3A_421 to %parallel_loop3A_422 step %parallel_loop3A_423 iter_args(%parallel_loop3A_486 = %get3A_345, %parallel_loop3A_487 = %get3A_350, %parallel_loop3A_488 = %get3A_355, %parallel_loop3A_489 = %get3A_360, %parallel_loop3A_490 = %get3A_365, %parallel_loop3A_491 = %get3A_370, %parallel_loop3A_492 = %get3A_375, %parallel_loop3A_493 = %get3A_380, %parallel_loop3A_494 = %get3A_385, %parallel_loop3A_495 = %get3A_390, %parallel_loop3A_496 = %get3A_395, %parallel_loop3A_497 = %get3A_400, %parallel_loop3A_498 = %get3A_405, %parallel_loop3A_499 = %get3A_410, %parallel_loop3A_500 = %get3A_415, %parallel_loop3A_501 = %get3A_420) -> (vector<16xf32>, vector<16xf32>, vector<16xf32>, vector<16xf32>, vector<16xf32>, vector<16xf32>, vector<16xf32>, vector<16xf32>, vector<16xf32>, vector<16xf32>, vector<16xf32>, vector<16xf32>, vector<16xf32>, vector<16xf32>, vector<16xf32>, vector<16xf32>)  : i32 {
      %parallel_loop3A_502 = arith.index_cast %parallel_loop3A_485 : i32 to index
      %parallel_loop3A_503 = arith.constant 0 : index
      %parallel_loop3A_504 = tpu.vector_load %arg5[%parallel_loop3A_502, %parallel_loop3A_503] {strides = array<i32>} : memref<128x256xf32, #tpu.memory_space<vmem>>, vector<1x16xf32>,
      %parallel_loop3A_505 = vector.shape_cast %parallel_loop3A_504 : vector<1x16xf32> to vector<16xf32>
      %parallel_loop3A_506 = arith.addf %parallel_loop3A_505, %parallel_loop3A_486 : vector<16xf32>
      %parallel_loop3A_507 = arith.index_cast %parallel_loop3A_485 : i32 to index
      %parallel_loop3A_508 = arith.constant 0 : index
      %parallel_loop3A_509 = tpu.vector_load %arg8[%parallel_loop3A_507, %parallel_loop3A_508] {strides = array<i32>} : memref<128x256xf32, #tpu.memory_space<vmem>>, vector<1x16xf32>,
      %parallel_loop3A_510 = vector.shape_cast %parallel_loop3A_509 : vector<1x16xf32> to vector<16xf32>
      %parallel_loop3A_511 = vector.shape_cast %parallel_loop3A_506 : vector<16xf32> to vector<1x16xf32>
      tpu.vector_store %arg8[%parallel_loop3A_507, %parallel_loop3A_508], %parallel_loop3A_511 {strides = array<i32>} : memref<128x256xf32, #tpu.memory_space<vmem>>, vector<1x16xf32>,
      %parallel_loop3A_512 = arith.index_cast %parallel_loop3A_485 : i32 to index
      %parallel_loop3A_513 = arith.constant 16 : index
      %parallel_loop3A_514 = tpu.vector_load %arg5[%parallel_loop3A_512, %parallel_loop3A_513] {strides = array<i32>} : memref<128x256xf32, #tpu.memory_space<vmem>>, vector<1x16xf32>,
      %parallel_loop3A_515 = vector.shape_cast %parallel_loop3A_514 : vector<1x16xf32> to vector<16xf32>
      %parallel_loop3A_516 = arith.addf %parallel_loop3A_515, %parallel_loop3A_487 : vector<16xf32>
      %parallel_loop3A_517 = arith.index_cast %parallel_loop3A_485 : i32 to index
      %parallel_loop3A_518 = arith.constant 16 : index
      %parallel_loop3A_519 = tpu.vector_load %arg8[%parallel_loop3A_517, %parallel_loop3A_518] {strides = array<i32>} : memref<128x256xf32, #tpu.memory_space<vmem>>, vector<1x16xf32>,
      %parallel_loop3A_520 = vector.shape_cast %parallel_loop3A_519 : vector<1x16xf32> to vector<16xf32>
      %parallel_loop3A_521 = vector.shape_cast %parallel_loop3A_516 : vector<16xf32> to vector<1x16xf32>
      tpu.vector_store %arg8[%parallel_loop3A_517, %parallel_loop3A_518], %parallel_loop3A_521 {strides = array<i32>} : memref<128x256xf32, #tpu.memory_space<vmem>>, vector<1x16xf32>,
      %parallel_loop3A_522 = arith.index_cast %parallel_loop3A_485 : i32 to index
      %parallel_loop3A_523 = arith.constant 32 : index
      %parallel_loop3A_524 = tpu.vector_load %arg5[%parallel_loop3A_522, %parallel_loop3A_523] {strides = array<i32>} : memref<128x256xf32, #tpu.memory_space<vmem>>, vector<1x16xf32>,
      %parallel_loop3A_525 = vector.shape_cast %parallel_loop3A_524 : vector<1x16xf32> to vector<16xf32>
      %parallel_loop3A_526 = arith.addf %parallel_loop3A_525, %parallel_loop3A_488 : vector<16xf32>
      %parallel_loop3A_527 = arith.index_cast %parallel_loop3A_485 : i32 to index
      %parallel_loop3A_528 = arith.constant 32 : index
      %parallel_loop3A_529 = tpu.vector_load %arg8[%parallel_loop3A_527, %parallel_loop3A_528] {strides = array<i32>} : memref<128x256xf32, #tpu.memory_space<vmem>>, vector<1x16xf32>,
      %parallel_loop3A_530 = vector.shape_cast %parallel_loop3A_529 : vector<1x16xf32> to vector<16xf32>
      %parallel_loop3A_531 = vector.shape_cast %parallel_loop3A_526 : vector<16xf32> to vector<1x16xf32>
      tpu.vector_store %arg8[%parallel_loop3A_527, %parallel_loop3A_528], %parallel_loop3A_531 {strides = array<i32>} : memref<128x256xf32, #tpu.memory_space<vmem>>, vector<1x16xf32>,
      %parallel_loop3A_532 = arith.index_cast %parallel_loop3A_485 : i32 to index
      %parallel_loop3A_533 = arith.constant 48 : index
      %parallel_loop3A_534 = tpu.vector_load %arg5[%parallel_loop3A_532, %parallel_loop3A_533] {strides = array<i32>} : memref<128x256xf32, #tpu.memory_space<vmem>>, vector<1x16xf32>,
      %parallel_loop3A_535 = vector.shape_cast %parallel_loop3A_534 : vector<1x16xf32> to vector<16xf32>
      %parallel_loop3A_536 = arith.addf %parallel_loop3A_535, %parallel_loop3A_489 : vector<16xf32>
      %parallel_loop3A_537 = arith.index_cast %parallel_loop3A_485 : i32 to index
      %parallel_loop3A_538 = arith.constant 48 : index
      %parallel_loop3A_539 = tpu.vector_load %arg8[%parallel_loop3A_537, %parallel_loop3A_538] {strides = array<i32>} : memref<128x256xf32, #tpu.memory_space<vmem>>, vector<1x16xf32>,
      %parallel_loop3A_540 = vector.shape_cast %parallel_loop3A_539 : vector<1x16xf32> to vector<16xf32>
      %parallel_loop3A_541 = vector.shape_cast %parallel_loop3A_536 : vector<16xf32> to vector<1x16xf32>
      tpu.vector_store %arg8[%parallel_loop3A_537, %parallel_loop3A_538], %parallel_loop3A_541 {strides = array<i32>} : memref<128x256xf32, #tpu.memory_space<vmem>>, vector<1x16xf32>,
      %parallel_loop3A_542 = arith.index_cast %parallel_loop3A_485 : i32 to index
      %parallel_loop3A_543 = arith.constant 64 : index
      %parallel_loop3A_544 = tpu.vector_load %arg5[%parallel_loop3A_542, %parallel_loop3A_543] {strides = array<i32>} : memref<128x256xf32, #tpu.memory_space<vmem>>, vector<1x16xf32>,
      %parallel_loop3A_545 = vector.shape_cast %parallel_loop3A_544 : vector<1x16xf32> to vector<16xf32>
      %parallel_loop3A_546 = arith.addf %parallel_loop3A_545, %parallel_loop3A_490 : vector<16xf32>
      %parallel_loop3A_547 = arith.index_cast %parallel_loop3A_485 : i32 to index
      %parallel_loop3A_548 = arith.constant 64 : index
      %parallel_loop3A_549 = tpu.vector_load %arg8[%parallel_loop3A_547, %parallel_loop3A_548] {strides = array<i32>} : memref<128x256xf32, #tpu.memory_space<vmem>>, vector<1x16xf32>,
      %parallel_loop3A_550 = vector.shape_cast %parallel_loop3A_549 : vector<1x16xf32> to vector<16xf32>
      %parallel_loop3A_551 = vector.shape_cast %parallel_loop3A_546 : vector<16xf32> to vector<1x16xf32>
      tpu.vector_store %arg8[%parallel_loop3A_547, %parallel_loop3A_548], %parallel_loop3A_551 {strides = array<i32>} : memref<128x256xf32, #tpu.memory_space<vmem>>, vector<1x16xf32>,
      %parallel_loop3A_552 = arith.index_cast %parallel_loop3A_485 : i32 to index
      %parallel_loop3A_553 = arith.constant 80 : index
      %parallel_loop3A_554 = tpu.vector_load %arg5[%parallel_loop3A_552, %parallel_loop3A_553] {strides = array<i32>} : memref<128x256xf32, #tpu.memory_space<vmem>>, vector<1x16xf32>,
      %parallel_loop3A_555 = vector.shape_cast %parallel_loop3A_554 : vector<1x16xf32> to vector<16xf32>
      %parallel_loop3A_556 = arith.addf %parallel_loop3A_555, %parallel_loop3A_491 : vector<16xf32>
      %parallel_loop3A_557 = arith.index_cast %parallel_loop3A_485 : i32 to index
      %parallel_loop3A_558 = arith.constant 80 : index
      %parallel_loop3A_559 = tpu.vector_load %arg8[%parallel_loop3A_557, %parallel_loop3A_558] {strides = array<i32>} : memref<128x256xf32, #tpu.memory_space<vmem>>, vector<1x16xf32>,
      %parallel_loop3A_560 = vector.shape_cast %parallel_loop3A_559 : vector<1x16xf32> to vector<16xf32>
      %parallel_loop3A_561 = vector.shape_cast %parallel_loop3A_556 : vector<16xf32> to vector<1x16xf32>
      tpu.vector_store %arg8[%parallel_loop3A_557, %parallel_loop3A_558], %parallel_loop3A_561 {strides = array<i32>} : memref<128x256xf32, #tpu.memory_space<vmem>>, vector<1x16xf32>,
      %parallel_loop3A_562 = arith.index_cast %parallel_loop3A_485 : i32 to index
      %parallel_loop3A_563 = arith.constant 96 : index
      %parallel_loop3A_564 = tpu.vector_load %arg5[%parallel_loop3A_562, %parallel_loop3A_563] {strides = array<i32>} : memref<128x256xf32, #tpu.memory_space<vmem>>, vector<1x16xf32>,
      %parallel_loop3A_565 = vector.shape_cast %parallel_loop3A_564 : vector<1x16xf32> to vector<16xf32>
      %parallel_loop3A_566 = arith.addf %parallel_loop3A_565, %parallel_loop3A_492 : vector<16xf32>
      %parallel_loop3A_567 = arith.index_cast %parallel_loop3A_485 : i32 to index
      %parallel_loop3A_568 = arith.constant 96 : index
      %parallel_loop3A_569 = tpu.vector_load %arg8[%parallel_loop3A_567, %parallel_loop3A_568] {strides = array<i32>} : memref<128x256xf32, #tpu.memory_space<vmem>>, vector<1x16xf32>,
      %parallel_loop3A_570 = vector.shape_cast %parallel_loop3A_569 : vector<1x16xf32> to vector<16xf32>
      %parallel_loop3A_571 = vector.shape_cast %parallel_loop3A_566 : vector<16xf32> to vector<1x16xf32>
      tpu.vector_store %arg8[%parallel_loop3A_567, %parallel_loop3A_568], %parallel_loop3A_571 {strides = array<i32>} : memref<128x256xf32, #tpu.memory_space<vmem>>, vector<1x16xf32>,
      %parallel_loop3A_572 = arith.index_cast %parallel_loop3A_485 : i32 to index
      %parallel_loop3A_573 = arith.constant 112 : index
      %parallel_loop3A_574 = tpu.vector_load %arg5[%parallel_loop3A_572, %parallel_loop3A_573] {strides = array<i32>} : memref<128x256xf32, #tpu.memory_space<vmem>>, vector<1x16xf32>,
      %parallel_loop3A_575 = vector.shape_cast %parallel_loop3A_574 : vector<1x16xf32> to vector<16xf32>
      %parallel_loop3A_576 = arith.addf %parallel_loop3A_575, %parallel_loop3A_493 : vector<16xf32>
      %parallel_loop3A_577 = arith.index_cast %parallel_loop3A_485 : i32 to index
      %parallel_loop3A_578 = arith.constant 112 : index
      %parallel_loop3A_579 = tpu.vector_load %arg8[%parallel_loop3A_577, %parallel_loop3A_578] {strides = array<i32>} : memref<128x256xf32, #tpu.memory_space<vmem>>, vector<1x16xf32>,
      %parallel_loop3A_580 = vector.shape_cast %parallel_loop3A_579 : vector<1x16xf32> to vector<16xf32>
      %parallel_loop3A_581 = vector.shape_cast %parallel_loop3A_576 : vector<16xf32> to vector<1x16xf32>
      tpu.vector_store %arg8[%parallel_loop3A_577, %parallel_loop3A_578], %parallel_loop3A_581 {strides = array<i32>} : memref<128x256xf32, #tpu.memory_space<vmem>>, vector<1x16xf32>,
      %parallel_loop3A_582 = arith.index_cast %parallel_loop3A_485 : i32 to index
      %parallel_loop3A_583 = arith.constant 128 : index
      %parallel_loop3A_584 = tpu.vector_load %arg5[%parallel_loop3A_582, %parallel_loop3A_583] {strides = array<i32>} : memref<128x256xf32, #tpu.memory_space<vmem>>, vector<1x16xf32>,
      %parallel_loop3A_585 = vector.shape_cast %parallel_loop3A_584 : vector<1x16xf32> to vector<16xf32>
      %parallel_loop3A_586 = arith.addf %parallel_loop3A_585, %parallel_loop3A_494 : vector<16xf32>
      %parallel_loop3A_587 = arith.index_cast %parallel_loop3A_485 : i32 to index
      %parallel_loop3A_588 = arith.constant 128 : index
      %parallel_loop3A_589 = tpu.vector_load %arg8[%parallel_loop3A_587, %parallel_loop3A_588] {strides = array<i32>} : memref<128x256xf32, #tpu.memory_space<vmem>>, vector<1x16xf32>,
      %parallel_loop3A_590 = vector.shape_cast %parallel_loop3A_589 : vector<1x16xf32> to vector<16xf32>
      %parallel_loop3A_591 = vector.shape_cast %parallel_loop3A_586 : vector<16xf32> to vector<1x16xf32>
      tpu.vector_store %arg8[%parallel_loop3A_587, %parallel_loop3A_588], %parallel_loop3A_591 {strides = array<i32>} : memref<128x256xf32, #tpu.memory_space<vmem>>, vector<1x16xf32>,
      %parallel_loop3A_592 = arith.index_cast %parallel_loop3A_485 : i32 to index
      %parallel_loop3A_593 = arith.constant 144 : index
      %parallel_loop3A_594 = tpu.vector_load %arg5[%parallel_loop3A_592, %parallel_loop3A_593] {strides = array<i32>} : memref<128x256xf32, #tpu.memory_space<vmem>>, vector<1x16xf32>,
      %parallel_loop3A_595 = vector.shape_cast %parallel_loop3A_594 : vector<1x16xf32> to vector<16xf32>
      %parallel_loop3A_596 = arith.addf %parallel_loop3A_595, %parallel_loop3A_495 : vector<16xf32>
      %parallel_loop3A_597 = arith.index_cast %parallel_loop3A_485 : i32 to index
      %parallel_loop3A_598 = arith.constant 144 : index
      %parallel_loop3A_599 = tpu.vector_load %arg8[%parallel_loop3A_597, %parallel_loop3A_598] {strides = array<i32>} : memref<128x256xf32, #tpu.memory_space<vmem>>, vector<1x16xf32>,
      %parallel_loop3A_600 = vector.shape_cast %parallel_loop3A_599 : vector<1x16xf32> to vector<16xf32>
      %parallel_loop3A_601 = vector.shape_cast %parallel_loop3A_596 : vector<16xf32> to vector<1x16xf32>
      tpu.vector_store %arg8[%parallel_loop3A_597, %parallel_loop3A_598], %parallel_loop3A_601 {strides = array<i32>} : memref<128x256xf32, #tpu.memory_space<vmem>>, vector<1x16xf32>,
      %parallel_loop3A_602 = arith.index_cast %parallel_loop3A_485 : i32 to index
      %parallel_loop3A_603 = arith.constant 160 : index
      %parallel_loop3A_604 = tpu.vector_load %arg5[%parallel_loop3A_602, %parallel_loop3A_603] {strides = array<i32>} : memref<128x256xf32, #tpu.memory_space<vmem>>, vector<1x16xf32>,
      %parallel_loop3A_605 = vector.shape_cast %parallel_loop3A_604 : vector<1x16xf32> to vector<16xf32>
      %parallel_loop3A_606 = arith.addf %parallel_loop3A_605, %parallel_loop3A_496 : vector<16xf32>
      %parallel_loop3A_607 = arith.index_cast %parallel_loop3A_485 : i32 to index
      %parallel_loop3A_608 = arith.constant 160 : index
      %parallel_loop3A_609 = tpu.vector_load %arg8[%parallel_loop3A_607, %parallel_loop3A_608] {strides = array<i32>} : memref<128x256xf32, #tpu.memory_space<vmem>>, vector<1x16xf32>,
      %parallel_loop3A_610 = vector.shape_cast %parallel_loop3A_609 : vector<1x16xf32> to vector<16xf32>
      %parallel_loop3A_611 = vector.shape_cast %parallel_loop3A_606 : vector<16xf32> to vector<1x16xf32>
      tpu.vector_store %arg8[%parallel_loop3A_607, %parallel_loop3A_608], %parallel_loop3A_611 {strides = array<i32>} : memref<128x256xf32, #tpu.memory_space<vmem>>, vector<1x16xf32>,
      %parallel_loop3A_612 = arith.index_cast %parallel_loop3A_485 : i32 to index
      %parallel_loop3A_613 = arith.constant 176 : index
      %parallel_loop3A_614 = tpu.vector_load %arg5[%parallel_loop3A_612, %parallel_loop3A_613] {strides = array<i32>} : memref<128x256xf32, #tpu.memory_space<vmem>>, vector<1x16xf32>,
      %parallel_loop3A_615 = vector.shape_cast %parallel_loop3A_614 : vector<1x16xf32> to vector<16xf32>
      %parallel_loop3A_616 = arith.addf %parallel_loop3A_615, %parallel_loop3A_497 : vector<16xf32>
      %parallel_loop3A_617 = arith.index_cast %parallel_loop3A_485 : i32 to index
      %parallel_loop3A_618 = arith.constant 176 : index
      %parallel_loop3A_619 = tpu.vector_load %arg8[%parallel_loop3A_617, %parallel_loop3A_618] {strides = array<i32>} : memref<128x256xf32, #tpu.memory_space<vmem>>, vector<1x16xf32>,
      %parallel_loop3A_620 = vector.shape_cast %parallel_loop3A_619 : vector<1x16xf32> to vector<16xf32>
      %parallel_loop3A_621 = vector.shape_cast %parallel_loop3A_616 : vector<16xf32> to vector<1x16xf32>
      tpu.vector_store %arg8[%parallel_loop3A_617, %parallel_loop3A_618], %parallel_loop3A_621 {strides = array<i32>} : memref<128x256xf32, #tpu.memory_space<vmem>>, vector<1x16xf32>,
      %parallel_loop3A_622 = arith.index_cast %parallel_loop3A_485 : i32 to index
      %parallel_loop3A_623 = arith.constant 192 : index
      %parallel_loop3A_624 = tpu.vector_load %arg5[%parallel_loop3A_622, %parallel_loop3A_623] {strides = array<i32>} : memref<128x256xf32, #tpu.memory_space<vmem>>, vector<1x16xf32>,
      %parallel_loop3A_625 = vector.shape_cast %parallel_loop3A_624 : vector<1x16xf32> to vector<16xf32>
      %parallel_loop3A_626 = arith.addf %parallel_loop3A_625, %parallel_loop3A_498 : vector<16xf32>
      %parallel_loop3A_627 = arith.index_cast %parallel_loop3A_485 : i32 to index
      %parallel_loop3A_628 = arith.constant 192 : index
      %parallel_loop3A_629 = tpu.vector_load %arg8[%parallel_loop3A_627, %parallel_loop3A_628] {strides = array<i32>} : memref<128x256xf32, #tpu.memory_space<vmem>>, vector<1x16xf32>,
      %parallel_loop3A_630 = vector.shape_cast %parallel_loop3A_629 : vector<1x16xf32> to vector<16xf32>
      %parallel_loop3A_631 = vector.shape_cast %parallel_loop3A_626 : vector<16xf32> to vector<1x16xf32>
      tpu.vector_store %arg8[%parallel_loop3A_627, %parallel_loop3A_628], %parallel_loop3A_631 {strides = array<i32>} : memref<128x256xf32, #tpu.memory_space<vmem>>, vector<1x16xf32>,
      %parallel_loop3A_632 = arith.index_cast %parallel_loop3A_485 : i32 to index
      %parallel_loop3A_633 = arith.constant 208 : index
      %parallel_loop3A_634 = tpu.vector_load %arg5[%parallel_loop3A_632, %parallel_loop3A_633] {strides = array<i32>} : memref<128x256xf32, #tpu.memory_space<vmem>>, vector<1x16xf32>,
      %parallel_loop3A_635 = vector.shape_cast %parallel_loop3A_634 : vector<1x16xf32> to vector<16xf32>
      %parallel_loop3A_636 = arith.addf %parallel_loop3A_635, %parallel_loop3A_499 : vector<16xf32>
      %parallel_loop3A_637 = arith.index_cast %parallel_loop3A_485 : i32 to index
      %parallel_loop3A_638 = arith.constant 208 : index
      %parallel_loop3A_639 = tpu.vector_load %arg8[%parallel_loop3A_637, %parallel_loop3A_638] {strides = array<i32>} : memref<128x256xf32, #tpu.memory_space<vmem>>, vector<1x16xf32>,
      %parallel_loop3A_640 = vector.shape_cast %parallel_loop3A_639 : vector<1x16xf32> to vector<16xf32>
      %parallel_loop3A_641 = vector.shape_cast %parallel_loop3A_636 : vector<16xf32> to vector<1x16xf32>
      tpu.vector_store %arg8[%parallel_loop3A_637, %parallel_loop3A_638], %parallel_loop3A_641 {strides = array<i32>} : memref<128x256xf32, #tpu.memory_space<vmem>>, vector<1x16xf32>,
      %parallel_loop3A_642 = arith.index_cast %parallel_loop3A_485 : i32 to index
      %parallel_loop3A_643 = arith.constant 224 : index
      %parallel_loop3A_644 = tpu.vector_load %arg5[%parallel_loop3A_642, %parallel_loop3A_643] {strides = array<i32>} : memref<128x256xf32, #tpu.memory_space<vmem>>, vector<1x16xf32>,
      %parallel_loop3A_645 = vector.shape_cast %parallel_loop3A_644 : vector<1x16xf32> to vector<16xf32>
      %parallel_loop3A_646 = arith.addf %parallel_loop3A_645, %parallel_loop3A_500 : vector<16xf32>
      %parallel_loop3A_647 = arith.index_cast %parallel_loop3A_485 : i32 to index
      %parallel_loop3A_648 = arith.constant 224 : index
      %parallel_loop3A_649 = tpu.vector_load %arg8[%parallel_loop3A_647, %parallel_loop3A_648] {strides = array<i32>} : memref<128x256xf32, #tpu.memory_space<vmem>>, vector<1x16xf32>,
      %parallel_loop3A_650 = vector.shape_cast %parallel_loop3A_649 : vector<1x16xf32> to vector<16xf32>
      %parallel_loop3A_651 = vector.shape_cast %parallel_loop3A_646 : vector<16xf32> to vector<1x16xf32>
      tpu.vector_store %arg8[%parallel_loop3A_647, %parallel_loop3A_648], %parallel_loop3A_651 {strides = array<i32>} : memref<128x256xf32, #tpu.memory_space<vmem>>, vector<1x16xf32>,
      %parallel_loop3A_652 = arith.index_cast %parallel_loop3A_485 : i32 to index
      %parallel_loop3A_653 = arith.constant 240 : index
      %parallel_loop3A_654 = tpu.vector_load %arg5[%parallel_loop3A_652, %parallel_loop3A_653] {strides = array<i32>} : memref<128x256xf32, #tpu.memory_space<vmem>>, vector<1x16xf32>,
      %parallel_loop3A_655 = vector.shape_cast %parallel_loop3A_654 : vector<1x16xf32> to vector<16xf32>
      %parallel_loop3A_656 = arith.addf %parallel_loop3A_655, %parallel_loop3A_501 : vector<16xf32>
      %parallel_loop3A_657 = arith.index_cast %parallel_loop3A_485 : i32 to index
      %parallel_loop3A_658 = arith.constant 240 : index
      %parallel_loop3A_659 = tpu.vector_load %arg8[%parallel_loop3A_657, %parallel_loop3A_658] {strides = array<i32>} : memref<128x256xf32, #tpu.memory_space<vmem>>, vector<1x16xf32>,
      %parallel_loop3A_660 = vector.shape_cast %parallel_loop3A_659 : vector<1x16xf32> to vector<16xf32>
      %parallel_loop3A_661 = vector.shape_cast %parallel_loop3A_656 : vector<16xf32> to vector<1x16xf32>
      tpu.vector_store %arg8[%parallel_loop3A_657, %parallel_loop3A_658], %parallel_loop3A_661 {strides = array<i32>} : memref<128x256xf32, #tpu.memory_space<vmem>>, vector<1x16xf32>,
      scf.yield %parallel_loop3A_486, %parallel_loop3A_487, %parallel_loop3A_488, %parallel_loop3A_489, %parallel_loop3A_490, %parallel_loop3A_491, %parallel_loop3A_492, %parallel_loop3A_493, %parallel_loop3A_494, %parallel_loop3A_495, %parallel_loop3A_496, %parallel_loop3A_497, %parallel_loop3A_498, %parallel_loop3A_499, %parallel_loop3A_500, %parallel_loop3A_501 : vector<16xf32>, vector<16xf32>, vector<16xf32>, vector<16xf32>, vector<16xf32>, vector<16xf32>, vector<16xf32>, vector<16xf32>, vector<16xf32>, vector<16xf32>, vector<16xf32>, vector<16xf32>, vector<16xf32>, vector<16xf32>, vector<16xf32>, vector<16xf32>
    } {sc.loop_unroll_factor = 2 : i64, sc.parallel_access}
    %add3A_425 = arith.constant 3 : i32
    %add3A_426 = arith.addi %mul3A_2, %add3A_425 : i32
    %mul3A_427 = arith.constant 128 : i32
    %mul3A_428 = arith.muli %add3A_426, %mul3A_427 : i32
    %add3A_429 = arith.constant 0 : i32
    %add3A_430 = arith.addi %mul3A_428, %add3A_429 : i32
    %dma_start3A_431 = arith.constant 0 : i32
    %dma_start3A_432 = arith.constant 0 : i32
    %dma_start3A_433 = tpu.memref_slice %arg8[%dma_start3A_431, %dma_start3A_432] : memref<128x256xf32, #tpu.memory_space<vmem>> -> memref<64x256xf32, #tpu.memory_space<vmem>>
    %dma_start3A_434 = arith.constant 0 : i32
    %dma_start3A_435 = tpu.memref_slice %arg4[%add3A_430, %dma_start3A_434] : memref<16384x256xf32, #tpu.memory_space<hbm>> -> memref<64x256xf32, #tpu.memory_space<hbm>>
    %dma_start3A_436 = arith.constant 0 : i32
    %dma_start3A_437 = tpu.memref_slice %arg4[%add3A_430, %dma_start3A_436] : memref<16384x256xf32, #tpu.memory_space<hbm>> -> memref<64x256xf32, #tpu.memory_space<hbm>>
    %dma_start3A_438 = arith.constant 0 : i32
    %dma_start3A_439 = arith.constant 0 : i32
    %dma_start3A_440 = tpu.memref_slice %arg8[%dma_start3A_438, %dma_start3A_439] : memref<128x256xf32, #tpu.memory_space<vmem>> -> memref<64x256xf32, #tpu.memory_space<vmem>>
    tpu.enqueue_dma source(%dma_start3A_440 : memref<64x256xf32, #tpu.memory_space<vmem>>) target(%dma_start3A_437 : memref<64x256xf32, #tpu.memory_space<hbm>>) target_semaphore(%arg9 : memref<!tpu.dma_semaphore, #tpu.memory_space<semaphore_mem>>)
    %parallel_loop3A_441 = arith.constant 64 : i32
    %parallel_loop3A_442 = arith.constant 128 : i32
    %parallel_loop3A_443 = arith.constant 1 : i32
    %parallel_loop3A_444:16 = scf.for %parallel_loop3A_485 = %parallel_loop3A_441 to %parallel_loop3A_442 step %parallel_loop3A_443 iter_args(%parallel_loop3A_486 = %get3A_345, %parallel_loop3A_487 = %get3A_350, %parallel_loop3A_488 = %get3A_355, %parallel_loop3A_489 = %get3A_360, %parallel_loop3A_490 = %get3A_365, %parallel_loop3A_491 = %get3A_370, %parallel_loop3A_492 = %get3A_375, %parallel_loop3A_493 = %get3A_380, %parallel_loop3A_494 = %get3A_385, %parallel_loop3A_495 = %get3A_390, %parallel_loop3A_496 = %get3A_395, %parallel_loop3A_497 = %get3A_400, %parallel_loop3A_498 = %get3A_405, %parallel_loop3A_499 = %get3A_410, %parallel_loop3A_500 = %get3A_415, %parallel_loop3A_501 = %get3A_420) -> (vector<16xf32>, vector<16xf32>, vector<16xf32>, vector<16xf32>, vector<16xf32>, vector<16xf32>, vector<16xf32>, vector<16xf32>, vector<16xf32>, vector<16xf32>, vector<16xf32>, vector<16xf32>, vector<16xf32>, vector<16xf32>, vector<16xf32>, vector<16xf32>)  : i32 {
      %parallel_loop3A_502 = arith.index_cast %parallel_loop3A_485 : i32 to index
      %parallel_loop3A_503 = arith.constant 0 : index
      %parallel_loop3A_504 = tpu.vector_load %arg5[%parallel_loop3A_502, %parallel_loop3A_503] {strides = array<i32>} : memref<128x256xf32, #tpu.memory_space<vmem>>, vector<1x16xf32>,
      %parallel_loop3A_505 = vector.shape_cast %parallel_loop3A_504 : vector<1x16xf32> to vector<16xf32>
      %parallel_loop3A_506 = arith.addf %parallel_loop3A_505, %parallel_loop3A_486 : vector<16xf32>
      %parallel_loop3A_507 = arith.index_cast %parallel_loop3A_485 : i32 to index
      %parallel_loop3A_508 = arith.constant 0 : index
      %parallel_loop3A_509 = tpu.vector_load %arg8[%parallel_loop3A_507, %parallel_loop3A_508] {strides = array<i32>} : memref<128x256xf32, #tpu.memory_space<vmem>>, vector<1x16xf32>,
      %parallel_loop3A_510 = vector.shape_cast %parallel_loop3A_509 : vector<1x16xf32> to vector<16xf32>
      %parallel_loop3A_511 = vector.shape_cast %parallel_loop3A_506 : vector<16xf32> to vector<1x16xf32>
      tpu.vector_store %arg8[%parallel_loop3A_507, %parallel_loop3A_508], %parallel_loop3A_511 {strides = array<i32>} : memref<128x256xf32, #tpu.memory_space<vmem>>, vector<1x16xf32>,
      %parallel_loop3A_512 = arith.index_cast %parallel_loop3A_485 : i32 to index
      %parallel_loop3A_513 = arith.constant 16 : index
      %parallel_loop3A_514 = tpu.vector_load %arg5[%parallel_loop3A_512, %parallel_loop3A_513] {strides = array<i32>} : memref<128x256xf32, #tpu.memory_space<vmem>>, vector<1x16xf32>,
      %parallel_loop3A_515 = vector.shape_cast %parallel_loop3A_514 : vector<1x16xf32> to vector<16xf32>
      %parallel_loop3A_516 = arith.addf %parallel_loop3A_515, %parallel_loop3A_487 : vector<16xf32>
      %parallel_loop3A_517 = arith.index_cast %parallel_loop3A_485 : i32 to index
      %parallel_loop3A_518 = arith.constant 16 : index
      %parallel_loop3A_519 = tpu.vector_load %arg8[%parallel_loop3A_517, %parallel_loop3A_518] {strides = array<i32>} : memref<128x256xf32, #tpu.memory_space<vmem>>, vector<1x16xf32>,
      %parallel_loop3A_520 = vector.shape_cast %parallel_loop3A_519 : vector<1x16xf32> to vector<16xf32>
      %parallel_loop3A_521 = vector.shape_cast %parallel_loop3A_516 : vector<16xf32> to vector<1x16xf32>
      tpu.vector_store %arg8[%parallel_loop3A_517, %parallel_loop3A_518], %parallel_loop3A_521 {strides = array<i32>} : memref<128x256xf32, #tpu.memory_space<vmem>>, vector<1x16xf32>,
      %parallel_loop3A_522 = arith.index_cast %parallel_loop3A_485 : i32 to index
      %parallel_loop3A_523 = arith.constant 32 : index
      %parallel_loop3A_524 = tpu.vector_load %arg5[%parallel_loop3A_522, %parallel_loop3A_523] {strides = array<i32>} : memref<128x256xf32, #tpu.memory_space<vmem>>, vector<1x16xf32>,
      %parallel_loop3A_525 = vector.shape_cast %parallel_loop3A_524 : vector<1x16xf32> to vector<16xf32>
      %parallel_loop3A_526 = arith.addf %parallel_loop3A_525, %parallel_loop3A_488 : vector<16xf32>
      %parallel_loop3A_527 = arith.index_cast %parallel_loop3A_485 : i32 to index
      %parallel_loop3A_528 = arith.constant 32 : index
      %parallel_loop3A_529 = tpu.vector_load %arg8[%parallel_loop3A_527, %parallel_loop3A_528] {strides = array<i32>} : memref<128x256xf32, #tpu.memory_space<vmem>>, vector<1x16xf32>,
      %parallel_loop3A_530 = vector.shape_cast %parallel_loop3A_529 : vector<1x16xf32> to vector<16xf32>
      %parallel_loop3A_531 = vector.shape_cast %parallel_loop3A_526 : vector<16xf32> to vector<1x16xf32>
      tpu.vector_store %arg8[%parallel_loop3A_527, %parallel_loop3A_528], %parallel_loop3A_531 {strides = array<i32>} : memref<128x256xf32, #tpu.memory_space<vmem>>, vector<1x16xf32>,
      %parallel_loop3A_532 = arith.index_cast %parallel_loop3A_485 : i32 to index
      %parallel_loop3A_533 = arith.constant 48 : index
      %parallel_loop3A_534 = tpu.vector_load %arg5[%parallel_loop3A_532, %parallel_loop3A_533] {strides = array<i32>} : memref<128x256xf32, #tpu.memory_space<vmem>>, vector<1x16xf32>,
      %parallel_loop3A_535 = vector.shape_cast %parallel_loop3A_534 : vector<1x16xf32> to vector<16xf32>
      %parallel_loop3A_536 = arith.addf %parallel_loop3A_535, %parallel_loop3A_489 : vector<16xf32>
      %parallel_loop3A_537 = arith.index_cast %parallel_loop3A_485 : i32 to index
      %parallel_loop3A_538 = arith.constant 48 : index
      %parallel_loop3A_539 = tpu.vector_load %arg8[%parallel_loop3A_537, %parallel_loop3A_538] {strides = array<i32>} : memref<128x256xf32, #tpu.memory_space<vmem>>, vector<1x16xf32>,
      %parallel_loop3A_540 = vector.shape_cast %parallel_loop3A_539 : vector<1x16xf32> to vector<16xf32>
      %parallel_loop3A_541 = vector.shape_cast %parallel_loop3A_536 : vector<16xf32> to vector<1x16xf32>
      tpu.vector_store %arg8[%parallel_loop3A_537, %parallel_loop3A_538], %parallel_loop3A_541 {strides = array<i32>} : memref<128x256xf32, #tpu.memory_space<vmem>>, vector<1x16xf32>,
      %parallel_loop3A_542 = arith.index_cast %parallel_loop3A_485 : i32 to index
      %parallel_loop3A_543 = arith.constant 64 : index
      %parallel_loop3A_544 = tpu.vector_load %arg5[%parallel_loop3A_542, %parallel_loop3A_543] {strides = array<i32>} : memref<128x256xf32, #tpu.memory_space<vmem>>, vector<1x16xf32>,
      %parallel_loop3A_545 = vector.shape_cast %parallel_loop3A_544 : vector<1x16xf32> to vector<16xf32>
      %parallel_loop3A_546 = arith.addf %parallel_loop3A_545, %parallel_loop3A_490 : vector<16xf32>
      %parallel_loop3A_547 = arith.index_cast %parallel_loop3A_485 : i32 to index
      %parallel_loop3A_548 = arith.constant 64 : index
      %parallel_loop3A_549 = tpu.vector_load %arg8[%parallel_loop3A_547, %parallel_loop3A_548] {strides = array<i32>} : memref<128x256xf32, #tpu.memory_space<vmem>>, vector<1x16xf32>,
      %parallel_loop3A_550 = vector.shape_cast %parallel_loop3A_549 : vector<1x16xf32> to vector<16xf32>
      %parallel_loop3A_551 = vector.shape_cast %parallel_loop3A_546 : vector<16xf32> to vector<1x16xf32>
      tpu.vector_store %arg8[%parallel_loop3A_547, %parallel_loop3A_548], %parallel_loop3A_551 {strides = array<i32>} : memref<128x256xf32, #tpu.memory_space<vmem>>, vector<1x16xf32>,
      %parallel_loop3A_552 = arith.index_cast %parallel_loop3A_485 : i32 to index
      %parallel_loop3A_553 = arith.constant 80 : index
      %parallel_loop3A_554 = tpu.vector_load %arg5[%parallel_loop3A_552, %parallel_loop3A_553] {strides = array<i32>} : memref<128x256xf32, #tpu.memory_space<vmem>>, vector<1x16xf32>,
      %parallel_loop3A_555 = vector.shape_cast %parallel_loop3A_554 : vector<1x16xf32> to vector<16xf32>
      %parallel_loop3A_556 = arith.addf %parallel_loop3A_555, %parallel_loop3A_491 : vector<16xf32>
      %parallel_loop3A_557 = arith.index_cast %parallel_loop3A_485 : i32 to index
      %parallel_loop3A_558 = arith.constant 80 : index
      %parallel_loop3A_559 = tpu.vector_load %arg8[%parallel_loop3A_557, %parallel_loop3A_558] {strides = array<i32>} : memref<128x256xf32, #tpu.memory_space<vmem>>, vector<1x16xf32>,
      %parallel_loop3A_560 = vector.shape_cast %parallel_loop3A_559 : vector<1x16xf32> to vector<16xf32>
      %parallel_loop3A_561 = vector.shape_cast %parallel_loop3A_556 : vector<16xf32> to vector<1x16xf32>
      tpu.vector_store %arg8[%parallel_loop3A_557, %parallel_loop3A_558], %parallel_loop3A_561 {strides = array<i32>} : memref<128x256xf32, #tpu.memory_space<vmem>>, vector<1x16xf32>,
      %parallel_loop3A_562 = arith.index_cast %parallel_loop3A_485 : i32 to index
      %parallel_loop3A_563 = arith.constant 96 : index
      %parallel_loop3A_564 = tpu.vector_load %arg5[%parallel_loop3A_562, %parallel_loop3A_563] {strides = array<i32>} : memref<128x256xf32, #tpu.memory_space<vmem>>, vector<1x16xf32>,
      %parallel_loop3A_565 = vector.shape_cast %parallel_loop3A_564 : vector<1x16xf32> to vector<16xf32>
      %parallel_loop3A_566 = arith.addf %parallel_loop3A_565, %parallel_loop3A_492 : vector<16xf32>
      %parallel_loop3A_567 = arith.index_cast %parallel_loop3A_485 : i32 to index
      %parallel_loop3A_568 = arith.constant 96 : index
      %parallel_loop3A_569 = tpu.vector_load %arg8[%parallel_loop3A_567, %parallel_loop3A_568] {strides = array<i32>} : memref<128x256xf32, #tpu.memory_space<vmem>>, vector<1x16xf32>,
      %parallel_loop3A_570 = vector.shape_cast %parallel_loop3A_569 : vector<1x16xf32> to vector<16xf32>
      %parallel_loop3A_571 = vector.shape_cast %parallel_loop3A_566 : vector<16xf32> to vector<1x16xf32>
      tpu.vector_store %arg8[%parallel_loop3A_567, %parallel_loop3A_568], %parallel_loop3A_571 {strides = array<i32>} : memref<128x256xf32, #tpu.memory_space<vmem>>, vector<1x16xf32>,
      %parallel_loop3A_572 = arith.index_cast %parallel_loop3A_485 : i32 to index
      %parallel_loop3A_573 = arith.constant 112 : index
      %parallel_loop3A_574 = tpu.vector_load %arg5[%parallel_loop3A_572, %parallel_loop3A_573] {strides = array<i32>} : memref<128x256xf32, #tpu.memory_space<vmem>>, vector<1x16xf32>,
      %parallel_loop3A_575 = vector.shape_cast %parallel_loop3A_574 : vector<1x16xf32> to vector<16xf32>
      %parallel_loop3A_576 = arith.addf %parallel_loop3A_575, %parallel_loop3A_493 : vector<16xf32>
      %parallel_loop3A_577 = arith.index_cast %parallel_loop3A_485 : i32 to index
      %parallel_loop3A_578 = arith.constant 112 : index
      %parallel_loop3A_579 = tpu.vector_load %arg8[%parallel_loop3A_577, %parallel_loop3A_578] {strides = array<i32>} : memref<128x256xf32, #tpu.memory_space<vmem>>, vector<1x16xf32>,
      %parallel_loop3A_580 = vector.shape_cast %parallel_loop3A_579 : vector<1x16xf32> to vector<16xf32>
      %parallel_loop3A_581 = vector.shape_cast %parallel_loop3A_576 : vector<16xf32> to vector<1x16xf32>
      tpu.vector_store %arg8[%parallel_loop3A_577, %parallel_loop3A_578], %parallel_loop3A_581 {strides = array<i32>} : memref<128x256xf32, #tpu.memory_space<vmem>>, vector<1x16xf32>,
      %parallel_loop3A_582 = arith.index_cast %parallel_loop3A_485 : i32 to index
      %parallel_loop3A_583 = arith.constant 128 : index
      %parallel_loop3A_584 = tpu.vector_load %arg5[%parallel_loop3A_582, %parallel_loop3A_583] {strides = array<i32>} : memref<128x256xf32, #tpu.memory_space<vmem>>, vector<1x16xf32>,
      %parallel_loop3A_585 = vector.shape_cast %parallel_loop3A_584 : vector<1x16xf32> to vector<16xf32>
      %parallel_loop3A_586 = arith.addf %parallel_loop3A_585, %parallel_loop3A_494 : vector<16xf32>
      %parallel_loop3A_587 = arith.index_cast %parallel_loop3A_485 : i32 to index
      %parallel_loop3A_588 = arith.constant 128 : index
      %parallel_loop3A_589 = tpu.vector_load %arg8[%parallel_loop3A_587, %parallel_loop3A_588] {strides = array<i32>} : memref<128x256xf32, #tpu.memory_space<vmem>>, vector<1x16xf32>,
      %parallel_loop3A_590 = vector.shape_cast %parallel_loop3A_589 : vector<1x16xf32> to vector<16xf32>
      %parallel_loop3A_591 = vector.shape_cast %parallel_loop3A_586 : vector<16xf32> to vector<1x16xf32>
      tpu.vector_store %arg8[%parallel_loop3A_587, %parallel_loop3A_588], %parallel_loop3A_591 {strides = array<i32>} : memref<128x256xf32, #tpu.memory_space<vmem>>, vector<1x16xf32>,
      %parallel_loop3A_592 = arith.index_cast %parallel_loop3A_485 : i32 to index
      %parallel_loop3A_593 = arith.constant 144 : index
      %parallel_loop3A_594 = tpu.vector_load %arg5[%parallel_loop3A_592, %parallel_loop3A_593] {strides = array<i32>} : memref<128x256xf32, #tpu.memory_space<vmem>>, vector<1x16xf32>,
      %parallel_loop3A_595 = vector.shape_cast %parallel_loop3A_594 : vector<1x16xf32> to vector<16xf32>
      %parallel_loop3A_596 = arith.addf %parallel_loop3A_595, %parallel_loop3A_495 : vector<16xf32>
      %parallel_loop3A_597 = arith.index_cast %parallel_loop3A_485 : i32 to index
      %parallel_loop3A_598 = arith.constant 144 : index
      %parallel_loop3A_599 = tpu.vector_load %arg8[%parallel_loop3A_597, %parallel_loop3A_598] {strides = array<i32>} : memref<128x256xf32, #tpu.memory_space<vmem>>, vector<1x16xf32>,
      %parallel_loop3A_600 = vector.shape_cast %parallel_loop3A_599 : vector<1x16xf32> to vector<16xf32>
      %parallel_loop3A_601 = vector.shape_cast %parallel_loop3A_596 : vector<16xf32> to vector<1x16xf32>
      tpu.vector_store %arg8[%parallel_loop3A_597, %parallel_loop3A_598], %parallel_loop3A_601 {strides = array<i32>} : memref<128x256xf32, #tpu.memory_space<vmem>>, vector<1x16xf32>,
      %parallel_loop3A_602 = arith.index_cast %parallel_loop3A_485 : i32 to index
      %parallel_loop3A_603 = arith.constant 160 : index
      %parallel_loop3A_604 = tpu.vector_load %arg5[%parallel_loop3A_602, %parallel_loop3A_603] {strides = array<i32>} : memref<128x256xf32, #tpu.memory_space<vmem>>, vector<1x16xf32>,
      %parallel_loop3A_605 = vector.shape_cast %parallel_loop3A_604 : vector<1x16xf32> to vector<16xf32>
      %parallel_loop3A_606 = arith.addf %parallel_loop3A_605, %parallel_loop3A_496 : vector<16xf32>
      %parallel_loop3A_607 = arith.index_cast %parallel_loop3A_485 : i32 to index
      %parallel_loop3A_608 = arith.constant 160 : index
      %parallel_loop3A_609 = tpu.vector_load %arg8[%parallel_loop3A_607, %parallel_loop3A_608] {strides = array<i32>} : memref<128x256xf32, #tpu.memory_space<vmem>>, vector<1x16xf32>,
      %parallel_loop3A_610 = vector.shape_cast %parallel_loop3A_609 : vector<1x16xf32> to vector<16xf32>
      %parallel_loop3A_611 = vector.shape_cast %parallel_loop3A_606 : vector<16xf32> to vector<1x16xf32>
      tpu.vector_store %arg8[%parallel_loop3A_607, %parallel_loop3A_608], %parallel_loop3A_611 {strides = array<i32>} : memref<128x256xf32, #tpu.memory_space<vmem>>, vector<1x16xf32>,
      %parallel_loop3A_612 = arith.index_cast %parallel_loop3A_485 : i32 to index
      %parallel_loop3A_613 = arith.constant 176 : index
      %parallel_loop3A_614 = tpu.vector_load %arg5[%parallel_loop3A_612, %parallel_loop3A_613] {strides = array<i32>} : memref<128x256xf32, #tpu.memory_space<vmem>>, vector<1x16xf32>,
      %parallel_loop3A_615 = vector.shape_cast %parallel_loop3A_614 : vector<1x16xf32> to vector<16xf32>
      %parallel_loop3A_616 = arith.addf %parallel_loop3A_615, %parallel_loop3A_497 : vector<16xf32>
      %parallel_loop3A_617 = arith.index_cast %parallel_loop3A_485 : i32 to index
      %parallel_loop3A_618 = arith.constant 176 : index
      %parallel_loop3A_619 = tpu.vector_load %arg8[%parallel_loop3A_617, %parallel_loop3A_618] {strides = array<i32>} : memref<128x256xf32, #tpu.memory_space<vmem>>, vector<1x16xf32>,
      %parallel_loop3A_620 = vector.shape_cast %parallel_loop3A_619 : vector<1x16xf32> to vector<16xf32>
      %parallel_loop3A_621 = vector.shape_cast %parallel_loop3A_616 : vector<16xf32> to vector<1x16xf32>
      tpu.vector_store %arg8[%parallel_loop3A_617, %parallel_loop3A_618], %parallel_loop3A_621 {strides = array<i32>} : memref<128x256xf32, #tpu.memory_space<vmem>>, vector<1x16xf32>,
      %parallel_loop3A_622 = arith.index_cast %parallel_loop3A_485 : i32 to index
      %parallel_loop3A_623 = arith.constant 192 : index
      %parallel_loop3A_624 = tpu.vector_load %arg5[%parallel_loop3A_622, %parallel_loop3A_623] {strides = array<i32>} : memref<128x256xf32, #tpu.memory_space<vmem>>, vector<1x16xf32>,
      %parallel_loop3A_625 = vector.shape_cast %parallel_loop3A_624 : vector<1x16xf32> to vector<16xf32>
      %parallel_loop3A_626 = arith.addf %parallel_loop3A_625, %parallel_loop3A_498 : vector<16xf32>
      %parallel_loop3A_627 = arith.index_cast %parallel_loop3A_485 : i32 to index
      %parallel_loop3A_628 = arith.constant 192 : index
      %parallel_loop3A_629 = tpu.vector_load %arg8[%parallel_loop3A_627, %parallel_loop3A_628] {strides = array<i32>} : memref<128x256xf32, #tpu.memory_space<vmem>>, vector<1x16xf32>,
      %parallel_loop3A_630 = vector.shape_cast %parallel_loop3A_629 : vector<1x16xf32> to vector<16xf32>
      %parallel_loop3A_631 = vector.shape_cast %parallel_loop3A_626 : vector<16xf32> to vector<1x16xf32>
      tpu.vector_store %arg8[%parallel_loop3A_627, %parallel_loop3A_628], %parallel_loop3A_631 {strides = array<i32>} : memref<128x256xf32, #tpu.memory_space<vmem>>, vector<1x16xf32>,
      %parallel_loop3A_632 = arith.index_cast %parallel_loop3A_485 : i32 to index
      %parallel_loop3A_633 = arith.constant 208 : index
      %parallel_loop3A_634 = tpu.vector_load %arg5[%parallel_loop3A_632, %parallel_loop3A_633] {strides = array<i32>} : memref<128x256xf32, #tpu.memory_space<vmem>>, vector<1x16xf32>,
      %parallel_loop3A_635 = vector.shape_cast %parallel_loop3A_634 : vector<1x16xf32> to vector<16xf32>
      %parallel_loop3A_636 = arith.addf %parallel_loop3A_635, %parallel_loop3A_499 : vector<16xf32>
      %parallel_loop3A_637 = arith.index_cast %parallel_loop3A_485 : i32 to index
      %parallel_loop3A_638 = arith.constant 208 : index
      %parallel_loop3A_639 = tpu.vector_load %arg8[%parallel_loop3A_637, %parallel_loop3A_638] {strides = array<i32>} : memref<128x256xf32, #tpu.memory_space<vmem>>, vector<1x16xf32>,
      %parallel_loop3A_640 = vector.shape_cast %parallel_loop3A_639 : vector<1x16xf32> to vector<16xf32>
      %parallel_loop3A_641 = vector.shape_cast %parallel_loop3A_636 : vector<16xf32> to vector<1x16xf32>
      tpu.vector_store %arg8[%parallel_loop3A_637, %parallel_loop3A_638], %parallel_loop3A_641 {strides = array<i32>} : memref<128x256xf32, #tpu.memory_space<vmem>>, vector<1x16xf32>,
      %parallel_loop3A_642 = arith.index_cast %parallel_loop3A_485 : i32 to index
      %parallel_loop3A_643 = arith.constant 224 : index
      %parallel_loop3A_644 = tpu.vector_load %arg5[%parallel_loop3A_642, %parallel_loop3A_643] {strides = array<i32>} : memref<128x256xf32, #tpu.memory_space<vmem>>, vector<1x16xf32>,
      %parallel_loop3A_645 = vector.shape_cast %parallel_loop3A_644 : vector<1x16xf32> to vector<16xf32>
      %parallel_loop3A_646 = arith.addf %parallel_loop3A_645, %parallel_loop3A_500 : vector<16xf32>
      %parallel_loop3A_647 = arith.index_cast %parallel_loop3A_485 : i32 to index
      %parallel_loop3A_648 = arith.constant 224 : index
      %parallel_loop3A_649 = tpu.vector_load %arg8[%parallel_loop3A_647, %parallel_loop3A_648] {strides = array<i32>} : memref<128x256xf32, #tpu.memory_space<vmem>>, vector<1x16xf32>,
      %parallel_loop3A_650 = vector.shape_cast %parallel_loop3A_649 : vector<1x16xf32> to vector<16xf32>
      %parallel_loop3A_651 = vector.shape_cast %parallel_loop3A_646 : vector<16xf32> to vector<1x16xf32>
      tpu.vector_store %arg8[%parallel_loop3A_647, %parallel_loop3A_648], %parallel_loop3A_651 {strides = array<i32>} : memref<128x256xf32, #tpu.memory_space<vmem>>, vector<1x16xf32>,
      %parallel_loop3A_652 = arith.index_cast %parallel_loop3A_485 : i32 to index
      %parallel_loop3A_653 = arith.constant 240 : index
      %parallel_loop3A_654 = tpu.vector_load %arg5[%parallel_loop3A_652, %parallel_loop3A_653] {strides = array<i32>} : memref<128x256xf32, #tpu.memory_space<vmem>>, vector<1x16xf32>,
      %parallel_loop3A_655 = vector.shape_cast %parallel_loop3A_654 : vector<1x16xf32> to vector<16xf32>
      %parallel_loop3A_656 = arith.addf %parallel_loop3A_655, %parallel_loop3A_501 : vector<16xf32>
      %parallel_loop3A_657 = arith.index_cast %parallel_loop3A_485 : i32 to index
      %parallel_loop3A_658 = arith.constant 240 : index
      %parallel_loop3A_659 = tpu.vector_load %arg8[%parallel_loop3A_657, %parallel_loop3A_658] {strides = array<i32>} : memref<128x256xf32, #tpu.memory_space<vmem>>, vector<1x16xf32>,
      %parallel_loop3A_660 = vector.shape_cast %parallel_loop3A_659 : vector<1x16xf32> to vector<16xf32>
      %parallel_loop3A_661 = vector.shape_cast %parallel_loop3A_656 : vector<16xf32> to vector<1x16xf32>
      tpu.vector_store %arg8[%parallel_loop3A_657, %parallel_loop3A_658], %parallel_loop3A_661 {strides = array<i32>} : memref<128x256xf32, #tpu.memory_space<vmem>>, vector<1x16xf32>,
      scf.yield %parallel_loop3A_486, %parallel_loop3A_487, %parallel_loop3A_488, %parallel_loop3A_489, %parallel_loop3A_490, %parallel_loop3A_491, %parallel_loop3A_492, %parallel_loop3A_493, %parallel_loop3A_494, %parallel_loop3A_495, %parallel_loop3A_496, %parallel_loop3A_497, %parallel_loop3A_498, %parallel_loop3A_499, %parallel_loop3A_500, %parallel_loop3A_501 : vector<16xf32>, vector<16xf32>, vector<16xf32>, vector<16xf32>, vector<16xf32>, vector<16xf32>, vector<16xf32>, vector<16xf32>, vector<16xf32>, vector<16xf32>, vector<16xf32>, vector<16xf32>, vector<16xf32>, vector<16xf32>, vector<16xf32>, vector<16xf32>
    } {sc.loop_unroll_factor = 2 : i64, sc.parallel_access}
    %add3A_445 = arith.constant 3 : i32
    %add3A_446 = arith.addi %mul3A_2, %add3A_445 : i32
    %mul3A_447 = arith.constant 128 : i32
    %mul3A_448 = arith.muli %add3A_446, %mul3A_447 : i32
    %add3A_449 = arith.constant 64 : i32
    %add3A_450 = arith.addi %mul3A_448, %add3A_449 : i32
    %dma_start3A_451 = arith.constant 64 : i32
    %dma_start3A_452 = arith.constant 0 : i32
    %dma_start3A_453 = tpu.memref_slice %arg8[%dma_start3A_451, %dma_start3A_452] : memref<128x256xf32, #tpu.memory_space<vmem>> -> memref<64x256xf32, #tpu.memory_space<vmem>>
    %dma_start3A_454 = arith.constant 0 : i32
    %dma_start3A_455 = tpu.memref_slice %arg4[%add3A_450, %dma_start3A_454] : memref<16384x256xf32, #tpu.memory_space<hbm>> -> memref<64x256xf32, #tpu.memory_space<hbm>>
    %dma_start3A_456 = arith.constant 0 : i32
    %dma_start3A_457 = tpu.memref_slice %arg4[%add3A_450, %dma_start3A_456] : memref<16384x256xf32, #tpu.memory_space<hbm>> -> memref<64x256xf32, #tpu.memory_space<hbm>>
    %dma_start3A_458 = arith.constant 64 : i32
    %dma_start3A_459 = arith.constant 0 : i32
    %dma_start3A_460 = tpu.memref_slice %arg8[%dma_start3A_458, %dma_start3A_459] : memref<128x256xf32, #tpu.memory_space<vmem>> -> memref<64x256xf32, #tpu.memory_space<vmem>>
    tpu.enqueue_dma source(%dma_start3A_460 : memref<64x256xf32, #tpu.memory_space<vmem>>) target(%dma_start3A_457 : memref<64x256xf32, #tpu.memory_space<hbm>>) target_semaphore(%arg10 : memref<!tpu.dma_semaphore, #tpu.memory_space<semaphore_mem>>)
    %dma_wait3A_461 = arith.constant 0 : i32
    %dma_wait3A_462 = tpu.memref_slice %arg4[%add3A_332, %dma_wait3A_461] : memref<16384x256xf32, #tpu.memory_space<hbm>> -> memref<128x256xf32, #tpu.memory_space<hbm>>
    %dma_wait3A_463 = arith.constant 0 : i32
    %dma_wait3A_464 = tpu.memref_slice %arg4[%add3A_332, %dma_wait3A_463] : memref<16384x256xf32, #tpu.memory_space<hbm>> -> memref<128x256xf32, #tpu.memory_space<hbm>>
    tpu.wait_dma2 semaphore(%arg11 : memref<!tpu.dma_semaphore, #tpu.memory_space<semaphore_mem>>) src(%arg7 : memref<128x256xf32, #tpu.memory_space<vmem>>) dst(%dma_wait3A_464 : memref<128x256xf32, #tpu.memory_space<hbm>>)
    %dma_wait3A_465 = arith.constant 0 : i32
    %dma_wait3A_466 = arith.constant 0 : i32
    %dma_wait3A_467 = tpu.memref_slice %arg8[%dma_wait3A_465, %dma_wait3A_466] : memref<128x256xf32, #tpu.memory_space<vmem>> -> memref<64x256xf32, #tpu.memory_space<vmem>>
    %dma_wait3A_468 = arith.constant 0 : i32
    %dma_wait3A_469 = tpu.memref_slice %arg4[%add3A_430, %dma_wait3A_468] : memref<16384x256xf32, #tpu.memory_space<hbm>> -> memref<64x256xf32, #tpu.memory_space<hbm>>
    %dma_wait3A_470 = arith.constant 0 : i32
    %dma_wait3A_471 = tpu.memref_slice %arg4[%add3A_430, %dma_wait3A_470] : memref<16384x256xf32, #tpu.memory_space<hbm>> -> memref<64x256xf32, #tpu.memory_space<hbm>>
    %dma_wait3A_472 = arith.constant 0 : i32
    %dma_wait3A_473 = arith.constant 0 : i32
    %dma_wait3A_474 = tpu.memref_slice %arg8[%dma_wait3A_472, %dma_wait3A_473] : memref<128x256xf32, #tpu.memory_space<vmem>> -> memref<64x256xf32, #tpu.memory_space<vmem>>
    tpu.wait_dma2 semaphore(%arg9 : memref<!tpu.dma_semaphore, #tpu.memory_space<semaphore_mem>>) src(%dma_wait3A_474 : memref<64x256xf32, #tpu.memory_space<vmem>>) dst(%dma_wait3A_471 : memref<64x256xf32, #tpu.memory_space<hbm>>)
    %dma_wait3A_475 = arith.constant 64 : i32
    %dma_wait3A_476 = arith.constant 0 : i32
    %dma_wait3A_477 = tpu.memref_slice %arg8[%dma_wait3A_475, %dma_wait3A_476] : memref<128x256xf32, #tpu.memory_space<vmem>> -> memref<64x256xf32, #tpu.memory_space<vmem>>
    %dma_wait3A_478 = arith.constant 0 : i32
    %dma_wait3A_479 = tpu.memref_slice %arg4[%add3A_450, %dma_wait3A_478] : memref<16384x256xf32, #tpu.memory_space<hbm>> -> memref<64x256xf32, #tpu.memory_space<hbm>>
    %dma_wait3A_480 = arith.constant 0 : i32
    %dma_wait3A_481 = tpu.memref_slice %arg4[%add3A_450, %dma_wait3A_480] : memref<16384x256xf32, #tpu.memory_space<hbm>> -> memref<64x256xf32, #tpu.memory_space<hbm>>
    %dma_wait3A_482 = arith.constant 64 : i32
    %dma_wait3A_483 = arith.constant 0 : i32
    %dma_wait3A_484 = tpu.memref_slice %arg8[%dma_wait3A_482, %dma_wait3A_483] : memref<128x256xf32, #tpu.memory_space<vmem>> -> memref<64x256xf32, #tpu.memory_space<vmem>>
    tpu.wait_dma2 semaphore(%arg10 : memref<!tpu.dma_semaphore, #tpu.memory_space<semaphore_mem>>) src(%dma_wait3A_484 : memref<64x256xf32, #tpu.memory_space<vmem>>) dst(%dma_wait3A_481 : memref<64x256xf32, #tpu.memory_space<hbm>>)
    return
  }
}

</mosaic_0001>

<sc_bundles>
// kernel: kernel.3.cloned.1.call-start
scs
__scs_entry_jumppad:
0x0: {  	(pc) =	sbr.rel $0x88, $3  }
0x1: {  	(tag) =	ssettag $0x0;
	lr =	simm.s32 $0x1  }
0x2: {  	[smem:$0x3F9F] =	sst lr;
	_ =	strace $0xD0000000  }
0x3: {  	_ = 	snop  }
0x4: {  	_ = 	snop  }
0x5: {  	_ = 	snop  }
0x6: {  	_ = 	snop  }
0x7: {  	_ = 	snop  }
__scs_overlays_trampoline_lowered:
0x8: {  	[smem:$0x3FAE] =	sst s0  }
0x9: {  	[smem:$0x3FAF] =	sst s1  }
0xa: {  	[smem:$0x3FB0] =	sst s2  }
0xb: {  	[smem:$0x3FB1] =	sst s3  }
0xc: {  	[smem:$0x3FB2] =	sst s4  }
0xd: {  	[smem:$0x3FB3] =	sst s5  }
0xe: {  	[smem:$0x3FB4] =	sst s6  }
0xf: {  	[smem:$0x3FB5] =	sst s7  }
0x10: {  	[smem:$0x3FB6] =	sst s8  }
0x11: {  	[smem:$0x3FB7] =	sst s9;
	s0 =	simm.s32 @!p0 $0x0  }
0x12: {  	s1 =	sld [smem:$0x3F9D];
	s0 =	simm.s32 @p0 $0x1  }
0x13: {  	[smem:$0x3FB8] =	sst s0;
	s0 =	simm.s32 @!p1 $0x0  }
0x14: {  	s2 =	sld [smem:$0x3F9C];
	s0 =	simm.s32 @p1 $0x1  }
0x15: {  	[smem:$0x3FB9] =	sst s0;
	s0 =	simm.s32 @!p2 $0x0  }
0x16: {  	s3 =	sld [smem:$0x3FDB];
	s0 =	simm.s32 @p2 $0x1  }
0x17: {  	s4 =	simm.s32 $0x1BF5;
	[smem:$0x3FBB] =	sst s0  }
0x18: {  	s0 =	sld [smem:$0x3F9E];
	_ =	swait.ge [sflag:s4], $0x0  }
0x19: {  	s7 =	sld [smem:$0x3F9F]  }
0x1a: {  	s8 =	sadd.s32 $0xFFFFE003, lr  }
0x1b: {  	s9 =	sadd.s32 $0xFFFFFEF7, lr;
	s5 =	simm.s32 $0xFFFFFFFF;
	p2 =	slt.u32 s8, $0xFFFFF086  }
0x1c: {  	p1 =	slt.u32 s9, $0xF7A;
	s5 =	simm.s32 @!p2 $0x0  }
0x1d: {  	s5 =	simm.s32 @p1 $0x1;
	p0 =	seq.s32 s7, s2  }
0x1e: {  	s7 =	smul.u32 @!p0 $0xF7A, s2;
	p2 =	seq.s32 @!p0 s5, $0x0  }
0x1f: {  	s9 =	smul.u32 $0xF7A, s1;
	s8 =	simm.s32 @!p0 $0x1BF5;
	p2 =	por !p2, p0  }
0x20: {  	[sflag:s8] =	ssyncset.s32 @!p0 $0xFFFFF086;
	s6 =	sadd.s32 @!p0 s3, s7;
	s7 =	simm.s32 @!p0 $0x108  }
0x21: {  	s3 =	sadd.s32 s3, s9;
	s6 =	sadd.s32 @!p0 $0x88, s6;
	s7 =	simm.s32 @p2 $0x1082  }
0x22: {  	[simem:s7], [sflag:s8] =	dma.local @!p0 [hbm:s6], $0xF7A  }
0x23: {  	s9 =	sor.u32 $0xD0000000, s2;
	s6 =	simm.s32 $0x108;
	_ =	swait.ge @!p0 [sflag:s8], $0x0  }
0x24: {  	s3 =	sadd.s32 $0x88, s3;
	s6 =	simm.s32 @!p1 $0x1082;
	[sflag:s4] =	ssyncset.s32 $0xFFFFF086  }
0x25: {  	[simem:s6], [sflag:s4] =	dma.local [hbm:s3], $0xF7A  }
0x26: {  	[smem:$0x3F9F] =	sst s1;
	(tag) =	ssettag s2;
	_ =	strace s9  }
0x27: {  	s1 =	sld [smem:$0x3FAF]  }
0x28: {  	s2 =	sld [smem:$0x3FB0]  }
0x29: {  	s4 =	sld [smem:$0x3FB2]  }
0x2a: {  	p0 =	seq.s32 s5, $0x0;
	s5 =	sld [smem:$0x3FB3]  }
0x2b: {  	s6 =	sld [smem:$0x3FB4]  }
0x2c: {  	s7 =	sld [smem:$0x3FB5]  }
0x2d: {  	s3 =	simm.s32 $0x108;
	s8 =	sld [smem:$0x3FB6]  }
0x2e: {  	s3 =	simm.s32 @!p0 $0x1082;
	s9 =	sld [smem:$0x3FB7]  }
0x2f: {  	lr =	sadd.s32 s0, s3;
	s0 =	sld [smem:$0x3FAE]  }
0x30: {  	s3 =	sld [smem:$0x3FB1]  }
0x31: {  	[smem:$0x3FBA] =	sst s10  }
0x32: {  	s10 =	sld [smem:$0x3FB8];
	_ =	sdelay $0x3  }
0x33: {  	p0 =	seq.s32 s10, $0x1;
	s10 =	sld [smem:$0x3FBA];
	_ =	sdelay $0x3  }
0x34: {  	[smem:$0x3FBA] =	sst s10  }
0x35: {  	s10 =	sld [smem:$0x3FB9];
	_ =	sdelay $0x3  }
0x36: {  	p1 =	seq.s32 s10, $0x1;
	s10 =	sld [smem:$0x3FBA];
	_ =	sdelay $0x3  }
0x37: {  	[smem:$0x3FBA] =	sst s10  }
0x38: {  	s10 =	sld [smem:$0x3FBB]  }
0x39: {  	_ = 	snop;
	(pc) =	sbr.ind lr, $3  }
0x3a: {  	_ = 	snop  }
0x3b: {  	_ = 	snop  }
0x3c: {  	p2 =	seq.s32 s10, $0x1;
	s10 =	sld [smem:$0x3FBA]  }
0x3d: {  	_ =	shalt  }
0x3e: {  	_ =	shalt  }
0x3f: {  	_ =	shalt  }
0x40: {  	_ =	shalt  }
0x41: {  	_ =	shalt  }
0x42: {  	_ =	shalt  }
0x43: {  	_ =	shalt  }
0x44: {  	_ =	shalt  }
0x45: {  	_ =	shalt  }
0x46: {  	_ =	shalt  }
0x47: {  	_ =	shalt  }
0x48: {  	_ =	shalt  }
0x49: {  	_ =	shalt  }
0x4a: {  	_ =	shalt  }
0x4b: {  	_ =	shalt  }
0x4c: {  	_ =	shalt  }
0x4d: {  	_ =	shalt  }
0x4e: {  	_ =	shalt  }
0x4f: {  	_ =	shalt  }
0x50: {  	_ =	shalt  }
0x51: {  	_ =	shalt  }
0x52: {  	_ =	shalt  }
0x53: {  	_ =	shalt  }
0x54: {  	_ =	shalt  }
0x55: {  	_ =	shalt  }
0x56: {  	_ =	shalt  }
0x57: {  	_ =	shalt  }
0x58: {  	_ =	shalt  }
0x59: {  	_ =	shalt  }
0x5a: {  	_ =	shalt  }
0x5b: {  	_ =	shalt  }
0x5c: {  	_ =	shalt  }
0x5d: {  	_ =	shalt  }
0x5e: {  	_ =	shalt  }
0x5f: {  	_ =	shalt  }
0x60: {  	_ =	shalt  }
0x61: {  	_ =	shalt  }
0x62: {  	_ =	shalt  }
0x63: {  	_ =	shalt  }
0x64: {  	_ =	shalt  }
0x65: {  	_ =	shalt  }
0x66: {  	_ =	shalt  }
0x67: {  	_ =	shalt  }
0x68: {  	_ =	shalt  }
0x69: {  	_ =	shalt  }
0x6a: {  	_ =	shalt  }
0x6b: {  	_ =	shalt  }
0x6c: {  	_ =	shalt  }
0x6d: {  	_ =	shalt  }
0x6e: {  	_ =	shalt  }
0x6f: {  	_ =	shalt  }
0x70: {  	_ =	shalt  }
0x71: {  	_ =	shalt  }
0x72: {  	_ =	shalt  }
0x73: {  	_ =	shalt  }
0x74: {  	_ =	shalt  }
0x75: {  	_ =	shalt  }
0x76: {  	_ =	shalt  }
0x77: {  	_ =	shalt  }
0x78: {  	_ =	shalt  }
0x79: {  	_ =	shalt  }
0x7a: {  	_ =	shalt  }
0x7b: {  	_ =	shalt  }
0x7c: {  	_ =	shalt  }
0x7d: {  	_ =	shalt  }
0x7e: {  	_ =	shalt  }
0x7f: {  	_ =	shalt  }
0x80: {  	_ =	shalt  }
0x81: {  	_ =	shalt  }
0x82: {  	_ =	shalt  }
0x83: {  	_ =	shalt  }
0x84: {  	_ =	shalt  }
0x85: {  	_ =	shalt  }
0x86: {  	_ =	shalt  }
0x87: {  	_ =	shalt  }
.Lfunc_end0:
.L_simem_size_0:
called_computation_lowered:
.L_overlay_start_0:
0x88: {  	s2 =	sld [smem:$0x3FD9]  }
0x89: {  	s3 =	sld [smem:$0x3FFE];
	_ =	sdelay $0x1  }
0x8a: {  	s1 =	srdreg.scid  }
0x8b: {  	s0 =	sand.u32 $0x1, s1  }
0x8c: {  	s18 =	sshll.u32 s0, $0xA;
	s2 =	sadd.s32 s3, s2  }
0x8d: {  	s2 =	sadd.s32 s2, s18  }
0x8e: {  	[smem:$0x3FC6] =	sst s2  }
0x8f: {  	_ = 	snop  }
0x90: {  	s2 =	sld [smem:$0x3FC9]  }
0x91: {  	s19 =	sld [smem:$0x3FC8]  }
0x92: {  	s4 =	sld [smem:$0x3FD0];
	(tm) =	ssettm $0x1  }
0x93: {  	s5 =	sld [smem:$0x3FFB];
	_ =	sdelay $0x3  }
0x94: {  	_ =	strace s5  }
0x95: {  	s5 =	sld [smem:$0x3FFC];
	_ =	sdelay $0x3  }
0x96: {  	_ =	strace s5  }
0x97: {  	s5 =	sld [smem:$0x3FFD];
	_ =	sdelay $0x3  }
0x98: {  	_ =	strace s5  }
0x99: {  	_ =	strace $0x8FFFFFFF  }
0x9a: {  	s20 =	sld [smem:$0x3FDB];
	_ =	sdelay $0x1  }
0x9b: {  	s6 =	simm.s32 $_scs_section_size  }
0x9c: {  	s7 =	simm.s32 $_size__tile_overlayer_lowered;
	s8 =	simm.s32 $_tile_overlayer_lowered  }
0x9d: {  	s23 =	simm.s32 $0x1BFF;
	s22 =	sshll.u32 s8, $0x1;
	s5 =	sadd.s32 s6, s20  }
0x9e: {  	s9 =	simm.s32 $0x0;
	s21 =	sshll.u32 s7, $0x1;
	s7 =	sadd.s32 s22, s5  }
0x9f: {  	[timem:s9], [sflag:s23] =	dma.local [hbm:s7], s21  }
0xa0: {  	_ =	swait.ge [sflag:s23], s21  }
0xa1: {  	s6 =	ssub.s32 $0x0, s21;
	[sflag:s23] =	ssyncset.done $0x0  }
0xa2: {  	[sflag:s23] =	ssyncadd.s32 s6;
	_ =	sdelay $0x1  }
0xa3: {  	s24 =	simm.s32 $0x1B8B  }
0xa4: {  	_ =	swait.ge [sflag:s24], $0x1  }
0xa5: {  	[sflag:s24] =	ssyncset.done $0x0  }
0xa6: {  	s25 =	simm.s32 $0x1B8E;
	[sflag:s24] =	ssyncadd.s32 $0xFFFFFFFF  }
0xa7: {  	s26 =	simm.s32 $execute0_lowered;
	[smem:$0x3FD2] =	sst s25  }
0xa8: {  	s6 =	sshll.u32 s26, $0x1;
	_ =	strace $0x80000046;
	[dreg:$0x1] =	wrdreg $0xFFFFFFFF  }
0xa9: {  	s28 =	simm.s32 $_size_execute0_lowered;
	s5 =	sadd.s32 s5, s6;
	[dreg:$0x0] =	wrdreg $0x0  }
0xaa: {  	s6 =	sshll.u32 s28, $0x1;
	[dreg:$0x2] =	wrdreg s5  }
0xab: {  	[dreg:$0x3] =	wrdreg s6  }
0xac: {  	[dreg:$0x4] =	wrdreg $0xC0  }
0xad: {  	_ =	task [dreg:s9], $0x5FFFF  }
0xae: {  	[dreg:$0x1] =	wrdreg $0xFFFFFFFF  }
0xaf: {  	[dreg:$0x0] =	wrdreg $0x60  }
0xb0: {  	[dreg:$0x2] =	wrdreg s2  }
0xb1: {  	[dreg:$0x3] =	wrdreg s19  }
0xb2: {  	[dreg:$0x4] =	wrdreg s4  }
0xb3: {  	[dreg:$0x5] =	wrdreg $0x9  }
0xb4: {  	_ =	task.clear_ibuf [dreg:s9], $0x6FFFF;
	_ =	strace $0x90000046  }
0xb5: {  	s29 =	simm.s32 $0x9;
	_ =	strace $0x80000048  }
0xb6: {  	_ =	swait.ge [sflag:s29], $0x1  }
0xb7: {  	[sflag:s29] =	ssyncadd.s32 $0xFFFFFFFF  }
0xb8: {  	_ =	strace $0x90000048  }
0xb9: {  	_ =	sfence  }
0xba: {  	s30 =	sld [smem:$0x0];
	_ =	sdelay $0x2  }
0xbb: {  	s31 =	sshll.u32 s1, $0xD;
	s1 =	sshrl.u32 s1, $0x2  }
0xbc: {  	s3 =	sand.u32 $0x4000, s31;
	s1 =	sadd.s32 s1, s30  }
0xbd: {  	s0 =	sor.u32 s3, s0;
	s1 =	sshll.u32 s1, $0x11  }
0xbe: {  	s0 =	sor.u32 s1, s0  }
0xbf: {  	s0 =	sadd.s32 $0x8F2B, s0  }
0xc0: {  	[sflag:s0] =	ssyncadd.remote.s32 $0x1  }
0xc1: {  	_ =	sfence.sel $0xFFFF  }
0xc2: {  	[dreg:$0x0] =	wrdreg $0xFFFFFFFF;
	(pc) =	sbr.abs _section_cstart, $3  }
0xc3: {  	[dreg:$0x1] =	wrdreg $0xFFFFFFFF  }
0xc4: {  	_ =	task.clear_ibuf [dreg:s9], $0x2FFFF;
	_ =	strace $0x9FFFFFFF  }
0xc5: {  	(tm) =	ssettm $0x7FFFFFFF  }
tec
execute0_lowered:
.L_overlay_start_1:
0x0: {  	(tag) =	ssettag $0x1  }
0x1: {  	s4 =	rddreg [dreg:$0x0]  }
0x2: {  	s1 =	rddreg [dreg:$0x1]  }
0x3: {  	s0 =	srdreg.scid;
	s6 =	rddreg [dreg:$0x2]  }
0x4: {  	s2 =	simm.s32 $0x0;
	s3 =	stileid.u32;
	s12 =	simm.s32 $0x4000  }
0x5: {  	s13 =	simm.s32 $0x200;
	s14 =	simm.s32 $0x400;
	s15 =	simm.s32 $0x8000  }
0x6: {  	s16 =	simm.s32 $0x5;
	s17 =	simm.s32 $0x1;
	s18 =	simm.s32 $0x2  }
0x7: {  	s19 =	simm.s32 $0x8400;
	s20 =	simm.s32 $0x10400;
	s21 =	simm.s32 $0x3  }
0x8: {  	s22 =	simm.s32 $0x4;
	s5 =	sand.u32 $0x1, s0;
	s0 =	rddreg [dreg:$0x3]  }
0x9: {  	s23 =	simm.s32 $0x14400;
	s24 =	simm.s32 $0x0;
	[smem:$0x7FF] =	sst s2  }
0xa: {  	s31 =	sshll.u32 s3, $0xF;
	s9 =	sshll.u32 s3, $0x8;
	s7 =	ssub.s32 $0x2, s5  }
0xb: {  	s30 =	sshll.u32 s5, $0x6;
	s5 =	sshll.u32 s5, $0xE;
	s8 =	sshrl.u32 s7, $0x1  }
0xc: {  	_ =	strace $0x80000047;
	s11 =	ssub.s32 s7, s8;
	s8 =	sor.u32 s5, s31  }
0xd: {  	s7 =	sadd.s32 s4, s30;
	s4 =	sadd.s32 $0x800, s1;
	s6 =	sadd.s32 s6, s8  }
0xe: {  	s5 =	sadd.s32 s9, s7;
	s11 =	smax.u32 s11, $0x1;
	s7 =	sadd.s32 $0x1000, s6  }
0xf: {  	s8 =	sadd.s32 $0x2000, s6;
	s9 =	sadd.s32 $0x3000, s6;
	s10 =	sadd.s32 $0x3800, s6  }
.LBB2_1:
0x10: {  	[tilespmem:s2], [sflag:$0x1] =	stream.linear.gather [hbm4b:s1+s2], $0x4000, $0x38;
	[tilespmem:$0x18400] =	vst v63  }
0x11: {  	_ = 	snop  }
0x12: {  	[tilespmem:s12], [sflag:$0x2] =	stream.linear.gather [hbm4b:s4+s2], $0x4000, $0x38;
	[tilespmem:$0x18400] =	vst v63  }
0x13: {  	_ = 	snop  }
0x14: {  	[tilespmem:s15], [sflag:$0x5] =	stream.strided.gather [hbm4b:s5+s13], $0x400, s14, s13, $0x38;
	[tilespmem:$0x18400] =	vst v63  }
0x15: {  	_ =	swait.ge [sflag:s16], $0x400  }
0x16: {  	[sflag:s16] =	ssyncset.done $0x0  }
0x17: {  	[sflag:s16] =	ssyncadd.s32 $0xFFFFFC00  }
0x18: {  	v3 =	vld [tilespmem:$0x8000]  }
0x19: {  	v5 =	vld [tilespmem:$0x8010]  }
0x1a: {  	v7 =	vld [tilespmem:$0x8020]  }
0x1b: {  	v8 =	vld [tilespmem:$0x8030]  }
0x1c: {  	v10 =	vld [tilespmem:$0x8040]  }
0x1d: {  	v12 =	vld [tilespmem:$0x8050]  }
0x1e: {  	v13 =	vld [tilespmem:$0x8060]  }
0x1f: {  	v14 =	vld [tilespmem:$0x8070]  }
0x20: {  	v11 =	vld [tilespmem:$0x8200]  }
0x21: {  	v9 =	vld [tilespmem:$0x8210]  }
0x22: {  	v6 =	vld [tilespmem:$0x8220]  }
0x23: {  	v4 =	vld [tilespmem:$0x8230]  }
0x24: {  	v2 =	vld [tilespmem:$0x8240]  }
0x25: {  	v1 =	vld [tilespmem:$0x8250]  }
0x26: {  	v0 =	vld [tilespmem:$0x8260]  }
0x27: {  	v15 =	vld [tilespmem:$0x8270];
	_ =	swait.ge [sflag:s17], $0x4000  }
0x28: {  	s25 =	sand.u32 $0x3800, s2;
	s26 =	sand.u32 $0x300, s2;
	[sflag:s17] =	ssyncset.done $0x0  }
0x29: {  	s25 =	sor.u32 s26, s25;
	[sflag:s17] =	ssyncadd.s32 $0xFFFFC000  }
0x2a: {  	v16 =	vld [tilespmem:s25+$0x0]  }
0x2b: {  	v17 =	vld [tilespmem:s25+$0x10]  }
0x2c: {  	v18 =	vld [tilespmem:s25+$0x20]  }
0x2d: {  	v19 =	vld [tilespmem:s25+$0x30]  }
0x2e: {  	v20 =	vld [tilespmem:s25+$0x40]  }
0x2f: {  	v21 =	vld [tilespmem:s25+$0x50];
	v16 =	vadd.f32 v16, v3  }
0x30: {  	v22 =	vld [tilespmem:s25+$0x60];
	v17 =	vadd.f32 v17, v5  }
0x31: {  	v18 =	vadd.f32 v18, v7;
	[tilespmem:s25+$0x8400] =	vst v16;
	v16 =	vld [tilespmem:s25+$0x70]  }
0x32: {  	v19 =	vadd.f32 v19, v8;
	[tilespmem:s25+$0x8410] =	vst v17;
	v17 =	vld [tilespmem:s25+$0x400]  }
0x33: {  	v23 =	vld [tilespmem:s25+$0x4F0];
	v20 =	vadd.f32 v20, v10;
	[tilespmem:s25+$0x8420] =	vst v18  }
0x34: {  	v21 =	vadd.f32 v21, v12;
	v18 =	vld [tilespmem:s25+$0x410];
	[tilespmem:s25+$0x8430] =	vst v19  }
0x35: {  	v22 =	vadd.f32 v22, v13;
	v19 =	vld [tilespmem:s25+$0x420];
	[tilespmem:s25+$0x8440] =	vst v20  }
0x36: {  	v25 =	vld [tilespmem:s25+$0xA0];
	[tilespmem:s25+$0x8450] =	vst v21;
	v16 =	vadd.f32 v16, v14  }
0x37: {  	v21 =	vld [tilespmem:s25+$0x440];
	[tilespmem:s25+$0x8460] =	vst v22;
	v17 =	vadd.f32 v17, v11  }
0x38: {  	v22 =	vld [tilespmem:s25+$0x450];
	[tilespmem:s25+$0x8470] =	vst v16;
	v16 =	vadd.f32 v23, v15  }
0x39: {  	v26 =	vld [tilespmem:s25+$0xB0];
	v18 =	vadd.f32 v18, v9;
	[tilespmem:s25+$0x8800] =	vst v17  }
0x3a: {  	v19 =	vadd.f32 v19, v6;
	[tilespmem:s25+$0x88F0] =	vst v16;
	v16 =	vld [tilespmem:s25+$0x80]  }
0x3b: {  	v27 =	vld [tilespmem:s25+$0xC0];
	[tilespmem:s25+$0x8810] =	vst v18;
	v18 =	vadd.f32 v25, v7  }
0x3c: {  	v17 =	vld [tilespmem:s25+$0x90];
	[tilespmem:s25+$0x8820] =	vst v19;
	v19 =	vadd.f32 v21, v2  }
0x3d: {  	v20 =	vld [tilespmem:s25+$0x430];
	v21 =	vadd.f32 v22, v1;
	[tilespmem:s25+$0x84A0] =	vst v18  }
0x3e: {  	v28 =	vld [tilespmem:s25+$0xD0];
	v18 =	vadd.f32 v26, v8;
	[tilespmem:s25+$0x8840] =	vst v19  }
0x3f: {  	v23 =	vld [tilespmem:s25+$0x460];
	[tilespmem:s25+$0x8850] =	vst v21;
	v16 =	vadd.f32 v16, v3  }
0x40: {  	v24 =	vld [tilespmem:s25+$0x470];
	v19 =	vadd.f32 v27, v10;
	[tilespmem:s25+$0x84B0] =	vst v18  }
0x41: {  	v29 =	vld [tilespmem:s25+$0xE0];
	[tilespmem:s25+$0x8480] =	vst v16;
	v16 =	vadd.f32 v17, v5  }
0x42: {  	[tilespmem:s25+$0x84C0] =	vst v19;
	v17 =	vadd.f32 v20, v4;
	v20 =	vld [tilespmem:s25+$0xF0]  }
0x43: {  	v21 =	vadd.f32 v28, v12;
	[tilespmem:s25+$0x8490] =	vst v16;
	v16 =	vld [tilespmem:s25+$0x480]  }
0x44: {  	v22 =	vadd.f32 v23, v0;
	[tilespmem:s25+$0x8830] =	vst v17;
	v17 =	vld [tilespmem:s25+$0x490]  }
0x45: {  	v18 =	vld [tilespmem:s25+$0x4A0];
	[tilespmem:s25+$0x84D0] =	vst v21;
	v23 =	vadd.f32 v24, v15  }
0x46: {  	v19 =	vld [tilespmem:s25+$0x4B0];
	[tilespmem:s25+$0x8860] =	vst v22;
	v22 =	vadd.f32 v29, v13  }
0x47: {  	s28 =	simm.s32 $0x100;
	s29 =	simm.s32 $0x200;
	s26 =	simm.s32 $0x0;
	[tilespmem:s25+$0x8870] =	vst v23;
	v21 =	vadd.f32 v20, v14;
	v20 =	vld [tilespmem:s25+$0x4C0]  }
.LBB2_2:
0x48: {  	s30 =	sand.u32 $0x3800, s29;
	s31 =	sand.u32 $0x300, s28;
	s26 =	sadd.s32 $0x2, s26;
	[tilespmem:s25+$0x84E0] =	vst v22;
	v16 =	vadd.f32 v16, v11;
	v22 =	vld [tilespmem:s25+$0x4D0]  }
0x49: {  	s30 =	sor.u32 s31, s30;
	p0 =	slt.u32 s26, $0x3E;
	[tilespmem:s25+$0x84F0] =	vst v21;
	v17 =	vadd.f32 v17, v9;
	v21 =	vld [tilespmem:s25+$0x4E0]  }
0x4a: {  	v23 =	vld [tilespmem:s30+$0x4F0];
	[tilespmem:s25+$0x8880] =	vst v16;
	v16 =	vadd.f32 v18, v6  }
0x4b: {  	v18 =	vld [tilespmem:s30+$0x0];
	[tilespmem:s25+$0x8890] =	vst v17;
	v17 =	vadd.f32 v19, v4  }
0x4c: {  	v19 =	vld [tilespmem:s30+$0x10];
	[tilespmem:s25+$0x88A0] =	vst v16;
	v16 =	vadd.f32 v20, v2  }
0x4d: {  	v20 =	vld [tilespmem:s30+$0x20];
	[tilespmem:s25+$0x88B0] =	vst v17;
	v17 =	vadd.f32 v22, v1  }
0x4e: {  	v22 =	vld [tilespmem:s30+$0x30];
	[tilespmem:s25+$0x88C0] =	vst v16;
	v16 =	vadd.f32 v21, v0  }
0x4f: {  	v21 =	vld [tilespmem:s30+$0x40];
	v23 =	vadd.f32 v23, v15;
	[tilespmem:s25+$0x88D0] =	vst v17  }
0x50: {  	v17 =	vadd.f32 v18, v3;
	v18 =	vld [tilespmem:s30+$0x50];
	[tilespmem:s25+$0x88E0] =	vst v16;
	s25 =	smov.u32 s30  }
0x51: {  	v16 =	vadd.f32 v19, v5;
	v19 =	vld [tilespmem:s25+$0x60];
	[tilespmem:s25+$0x88F0] =	vst v23  }
0x52: {  	[tilespmem:s25+$0x8400] =	vst v17;
	v17 =	vadd.f32 v20, v7;
	v20 =	vld [tilespmem:s25+$0x70]  }
0x53: {  	[tilespmem:s25+$0x8410] =	vst v16;
	v16 =	vadd.f32 v22, v8;
	v22 =	vld [tilespmem:s25+$0x400]  }
0x54: {  	[tilespmem:s25+$0x8420] =	vst v17;
	v17 =	vadd.f32 v21, v10;
	v21 =	vld [tilespmem:s25+$0x410]  }
0x55: {  	[tilespmem:s25+$0x8430] =	vst v16;
	v16 =	vadd.f32 v18, v12;
	v18 =	vld [tilespmem:s25+$0x420]  }
0x56: {  	[tilespmem:s25+$0x8440] =	vst v17;
	v17 =	vadd.f32 v19, v13;
	v19 =	vld [tilespmem:s25+$0x430]  }
0x57: {  	[tilespmem:s25+$0x8450] =	vst v16;
	v16 =	vadd.f32 v20, v14;
	v20 =	vld [tilespmem:s25+$0x440]  }
0x58: {  	[tilespmem:s25+$0x8460] =	vst v17;
	v17 =	vadd.f32 v22, v11;
	v22 =	vld [tilespmem:s25+$0x450]  }
0x59: {  	[tilespmem:s25+$0x8470] =	vst v16;
	v16 =	vadd.f32 v21, v9;
	v21 =	vld [tilespmem:s25+$0x460]  }
0x5a: {  	[tilespmem:s25+$0x8800] =	vst v17;
	v17 =	vadd.f32 v18, v6;
	v18 =	vld [tilespmem:s25+$0x470]  }
0x5b: {  	[tilespmem:s25+$0x8810] =	vst v16;
	v16 =	vadd.f32 v19, v4;
	v19 =	vld [tilespmem:s25+$0x80]  }
0x5c: {  	[tilespmem:s25+$0x8820] =	vst v17;
	v17 =	vadd.f32 v20, v2;
	v20 =	vld [tilespmem:s25+$0x90]  }
0x5d: {  	[tilespmem:s25+$0x8830] =	vst v16;
	v16 =	vadd.f32 v22, v1;
	v22 =	vld [tilespmem:s25+$0xA0]  }
0x5e: {  	[tilespmem:s25+$0x8840] =	vst v17;
	v17 =	vadd.f32 v21, v0;
	v21 =	vld [tilespmem:s25+$0xB0]  }
0x5f: {  	[tilespmem:s25+$0x8850] =	vst v16;
	v16 =	vadd.f32 v18, v15;
	v18 =	vld [tilespmem:s25+$0xC0]  }
0x60: {  	[tilespmem:s25+$0x8860] =	vst v17;
	v17 =	vadd.f32 v19, v3;
	v19 =	vld [tilespmem:s25+$0xD0]  }
0x61: {  	[tilespmem:s25+$0x8870] =	vst v16;
	v16 =	vadd.f32 v20, v5;
	v20 =	vld [tilespmem:s25+$0xE0]  }
0x62: {  	[tilespmem:s25+$0x8480] =	vst v17;
	v17 =	vadd.f32 v22, v7;
	v23 =	vld [tilespmem:s25+$0xF0]  }
.Ltmp0:
0x63: {  	[tilespmem:s25+$0x8490] =	vst v16;
	v21 =	vadd.f32 v21, v8;
	v16 =	vld [tilespmem:s25+$0x480];
	(pc) =	sbr.rel @p0 .LBB2_2-.Ltmp0, $4  }
0x64: {  	[tilespmem:s25+$0x84A0] =	vst v17;
	v22 =	vadd.f32 v18, v10;
	v17 =	vld [tilespmem:s25+$0x490]  }
0x65: {  	[tilespmem:s25+$0x84B0] =	vst v21;
	v21 =	vadd.f32 v19, v12;
	v18 =	vld [tilespmem:s25+$0x4A0]  }
0x66: {  	[tilespmem:s25+$0x84C0] =	vst v22;
	v22 =	vadd.f32 v20, v13;
	v19 =	vld [tilespmem:s25+$0x4B0]  }
0x67: {  	s28 =	sadd.s32 $0x100, s28;
	s29 =	sadd.s32 $0x200, s29;
	[tilespmem:s25+$0x84D0] =	vst v21;
	v21 =	vadd.f32 v23, v14;
	v20 =	vld [tilespmem:s25+$0x4C0]  }
0x68: {  	[tilespmem:s25+$0x84E0] =	vst v22;
	v22 =	vld [tilespmem:s25+$0x4D0];
	v16 =	vadd.f32 v16, v11  }
0x69: {  	[tilespmem:s25+$0x84F0] =	vst v21;
	v17 =	vadd.f32 v17, v9;
	v21 =	vld [tilespmem:s25+$0x4E0]  }
0x6a: {  	[tilespmem:s25+$0x8880] =	vst v16;
	v16 =	vadd.f32 v18, v6  }
0x6b: {  	[tilespmem:s25+$0x8890] =	vst v17;
	v17 =	vadd.f32 v19, v4  }
0x6c: {  	[tilespmem:s25+$0x88A0] =	vst v16;
	v16 =	vadd.f32 v20, v2  }
0x6d: {  	[tilespmem:s25+$0x88B0] =	vst v17;
	v17 =	vadd.f32 v22, v1  }
0x6e: {  	[tilespmem:s25+$0x88C0] =	vst v16;
	v16 =	vadd.f32 v21, v0  }
0x6f: {  	[tilespmem:s25+$0x88D0] =	vst v17  }
0x70: {  	[tilespmem:s25+$0x88E0] =	vst v16  }
0x71: {  	s31 =	simm.s32 $0x2000;
	s26 =	simm.s32 $0x4000;
	_ =	swait.ge [sflag:s18], $0x4000  }
0x72: {  	s26 =	sand.u32 $0x7800, s26;
	s25 =	sand.u32 $0x300, s31;
	[sflag:s18] =	ssyncset.done $0x0  }
0x73: {  	s25 =	sor.u32 s25, s26;
	[sflag:s18] =	ssyncadd.s32 $0xFFFFC000  }
0x74: {  	v16 =	vld [tilespmem:s25+$0x0]  }
0x75: {  	v17 =	vld [tilespmem:s25+$0x10]  }
0x76: {  	v18 =	vld [tilespmem:s25+$0x20]  }
0x77: {  	v19 =	vld [tilespmem:s25+$0x30]  }
0x78: {  	v20 =	vld [tilespmem:s25+$0x40]  }
0x79: {  	v21 =	vld [tilespmem:s25+$0x50];
	v16 =	vadd.f32 v16, v3  }
0x7a: {  	v22 =	vld [tilespmem:s25+$0x60];
	v17 =	vadd.f32 v17, v5  }
0x7b: {  	v18 =	vadd.f32 v18, v7;
	[tilespmem:s25+$0x8400] =	vst v16;
	v16 =	vld [tilespmem:s25+$0x70]  }
0x7c: {  	v19 =	vadd.f32 v19, v8;
	[tilespmem:s25+$0x8410] =	vst v17;
	v17 =	vld [tilespmem:s25+$0x400]  }
0x7d: {  	v23 =	vld [tilespmem:s25+$0x4F0];
	v20 =	vadd.f32 v20, v10;
	[tilespmem:s25+$0x8420] =	vst v18  }
0x7e: {  	v21 =	vadd.f32 v21, v12;
	v18 =	vld [tilespmem:s25+$0x410];
	[tilespmem:s25+$0x8430] =	vst v19  }
0x7f: {  	v22 =	vadd.f32 v22, v13;
	v19 =	vld [tilespmem:s25+$0x420];
	[tilespmem:s25+$0x8440] =	vst v20  }
0x80: {  	v25 =	vld [tilespmem:s25+$0xA0];
	[tilespmem:s25+$0x8450] =	vst v21;
	v16 =	vadd.f32 v16, v14  }
0x81: {  	v21 =	vld [tilespmem:s25+$0x440];
	[tilespmem:s25+$0x8460] =	vst v22;
	v17 =	vadd.f32 v17, v11  }
0x82: {  	v22 =	vld [tilespmem:s25+$0x450];
	[tilespmem:s25+$0x8470] =	vst v16;
	v16 =	vadd.f32 v23, v15  }
0x83: {  	v26 =	vld [tilespmem:s25+$0xB0];
	v18 =	vadd.f32 v18, v9;
	[tilespmem:s25+$0x8800] =	vst v17  }
0x84: {  	v19 =	vadd.f32 v19, v6;
	[tilespmem:s25+$0x88F0] =	vst v16;
	v16 =	vld [tilespmem:s25+$0x80]  }
0x85: {  	v27 =	vld [tilespmem:s25+$0xC0];
	[tilespmem:s25+$0x8810] =	vst v18;
	v18 =	vadd.f32 v25, v7  }
0x86: {  	v17 =	vld [tilespmem:s25+$0x90];
	[tilespmem:s25+$0x8820] =	vst v19;
	v19 =	vadd.f32 v21, v2  }
0x87: {  	v20 =	vld [tilespmem:s25+$0x430];
	v21 =	vadd.f32 v22, v1;
	[tilespmem:s25+$0x84A0] =	vst v18  }
0x88: {  	v28 =	vld [tilespmem:s25+$0xD0];
	v18 =	vadd.f32 v26, v8;
	[tilespmem:s25+$0x8840] =	vst v19  }
0x89: {  	v23 =	vld [tilespmem:s25+$0x460];
	[tilespmem:s25+$0x8850] =	vst v21;
	v16 =	vadd.f32 v16, v3  }
0x8a: {  	v24 =	vld [tilespmem:s25+$0x470];
	v19 =	vadd.f32 v27, v10;
	[tilespmem:s25+$0x84B0] =	vst v18  }
0x8b: {  	v29 =	vld [tilespmem:s25+$0xE0];
	[tilespmem:s25+$0x8480] =	vst v16;
	v16 =	vadd.f32 v17, v5  }
0x8c: {  	[tilespmem:s25+$0x84C0] =	vst v19;
	v17 =	vadd.f32 v20, v4;
	v20 =	vld [tilespmem:s25+$0xF0]  }
0x8d: {  	v21 =	vadd.f32 v28, v12;
	[tilespmem:s25+$0x8490] =	vst v16;
	v16 =	vld [tilespmem:s25+$0x480]  }
0x8e: {  	v22 =	vadd.f32 v23, v0;
	[tilespmem:s25+$0x8830] =	vst v17;
	v17 =	vld [tilespmem:s25+$0x490]  }
0x8f: {  	v18 =	vld [tilespmem:s25+$0x4A0];
	[tilespmem:s25+$0x84D0] =	vst v21;
	v23 =	vadd.f32 v24, v15  }
0x90: {  	v19 =	vld [tilespmem:s25+$0x4B0];
	[tilespmem:s25+$0x8860] =	vst v22;
	v22 =	vadd.f32 v29, v13  }
0x91: {  	s28 =	simm.s32 $0x2100;
	s29 =	simm.s32 $0x4200;
	s26 =	simm.s32 $0x40;
	[tilespmem:s25+$0x8870] =	vst v23;
	v21 =	vadd.f32 v20, v14;
	v20 =	vld [tilespmem:s25+$0x4C0]  }
.LBB2_4:
0x92: {  	s30 =	sand.u32 $0x7800, s29;
	s31 =	sand.u32 $0x300, s28;
	s26 =	sadd.s32 $0x2, s26;
	[tilespmem:s25+$0x84E0] =	vst v22;
	v16 =	vadd.f32 v16, v11;
	v22 =	vld [tilespmem:s25+$0x4D0]  }
0x93: {  	s30 =	sor.u32 s31, s30;
	p0 =	slt.u32 s26, $0x7E;
	[tilespmem:s25+$0x84F0] =	vst v21;
	v17 =	vadd.f32 v17, v9;
	v21 =	vld [tilespmem:s25+$0x4E0]  }
0x94: {  	v23 =	vld [tilespmem:s30+$0x4F0];
	[tilespmem:s25+$0x8880] =	vst v16;
	v16 =	vadd.f32 v18, v6  }
0x95: {  	v18 =	vld [tilespmem:s30+$0x0];
	[tilespmem:s25+$0x8890] =	vst v17;
	v17 =	vadd.f32 v19, v4  }
0x96: {  	v19 =	vld [tilespmem:s30+$0x10];
	[tilespmem:s25+$0x88A0] =	vst v16;
	v16 =	vadd.f32 v20, v2  }
0x97: {  	v20 =	vld [tilespmem:s30+$0x20];
	[tilespmem:s25+$0x88B0] =	vst v17;
	v17 =	vadd.f32 v22, v1  }
0x98: {  	v22 =	vld [tilespmem:s30+$0x30];
	[tilespmem:s25+$0x88C0] =	vst v16;
	v16 =	vadd.f32 v21, v0  }
0x99: {  	v21 =	vld [tilespmem:s30+$0x40];
	v23 =	vadd.f32 v23, v15;
	[tilespmem:s25+$0x88D0] =	vst v17  }
0x9a: {  	v17 =	vadd.f32 v18, v3;
	v18 =	vld [tilespmem:s30+$0x50];
	[tilespmem:s25+$0x88E0] =	vst v16;
	s25 =	smov.u32 s30  }
0x9b: {  	v16 =	vadd.f32 v19, v5;
	v19 =	vld [tilespmem:s25+$0x60];
	[tilespmem:s25+$0x88F0] =	vst v23  }
0x9c: {  	[tilespmem:s25+$0x8400] =	vst v17;
	v17 =	vadd.f32 v20, v7;
	v20 =	vld [tilespmem:s25+$0x70]  }
0x9d: {  	[tilespmem:s25+$0x8410] =	vst v16;
	v16 =	vadd.f32 v22, v8;
	v22 =	vld [tilespmem:s25+$0x400]  }
0x9e: {  	[tilespmem:s25+$0x8420] =	vst v17;
	v17 =	vadd.f32 v21, v10;
	v21 =	vld [tilespmem:s25+$0x410]  }
0x9f: {  	[tilespmem:s25+$0x8430] =	vst v16;
	v16 =	vadd.f32 v18, v12;
	v18 =	vld [tilespmem:s25+$0x420]  }
0xa0: {  	[tilespmem:s25+$0x8440] =	vst v17;
	v17 =	vadd.f32 v19, v13;
	v19 =	vld [tilespmem:s25+$0x430]  }
0xa1: {  	[tilespmem:s25+$0x8450] =	vst v16;
	v16 =	vadd.f32 v20, v14;
	v20 =	vld [tilespmem:s25+$0x440]  }
0xa2: {  	[tilespmem:s25+$0x8460] =	vst v17;
	v17 =	vadd.f32 v22, v11;
	v22 =	vld [tilespmem:s25+$0x450]  }
0xa3: {  	[tilespmem:s25+$0x8470] =	vst v16;
	v16 =	vadd.f32 v21, v9;
	v21 =	vld [tilespmem:s25+$0x460]  }
0xa4: {  	[tilespmem:s25+$0x8800] =	vst v17;
	v17 =	vadd.f32 v18, v6;
	v18 =	vld [tilespmem:s25+$0x470]  }
0xa5: {  	[tilespmem:s25+$0x8810] =	vst v16;
	v16 =	vadd.f32 v19, v4;
	v19 =	vld [tilespmem:s25+$0x80]  }
0xa6: {  	[tilespmem:s25+$0x8820] =	vst v17;
	v17 =	vadd.f32 v20, v2;
	v20 =	vld [tilespmem:s25+$0x90]  }
0xa7: {  	[tilespmem:s25+$0x8830] =	vst v16;
	v16 =	vadd.f32 v22, v1;
	v22 =	vld [tilespmem:s25+$0xA0]  }
0xa8: {  	[tilespmem:s25+$0x8840] =	vst v17;
	v17 =	vadd.f32 v21, v0;
	v21 =	vld [tilespmem:s25+$0xB0]  }
0xa9: {  	[tilespmem:s25+$0x8850] =	vst v16;
	v16 =	vadd.f32 v18, v15;
	v18 =	vld [tilespmem:s25+$0xC0]  }
0xaa: {  	[tilespmem:s25+$0x8860] =	vst v17;
	v17 =	vadd.f32 v19, v3;
	v19 =	vld [tilespmem:s25+$0xD0]  }
0xab: {  	[tilespmem:s25+$0x8870] =	vst v16;
	v16 =	vadd.f32 v20, v5;
	v20 =	vld [tilespmem:s25+$0xE0]  }
0xac: {  	[tilespmem:s25+$0x8480] =	vst v17;
	v17 =	vadd.f32 v22, v7;
	v23 =	vld [tilespmem:s25+$0xF0]  }
.Ltmp1:
0xad: {  	[tilespmem:s25+$0x8490] =	vst v16;
	v21 =	vadd.f32 v21, v8;
	v16 =	vld [tilespmem:s25+$0x480];
	(pc) =	sbr.rel @p0 .LBB2_4-.Ltmp1, $4  }
0xae: {  	[tilespmem:s25+$0x84A0] =	vst v17;
	v22 =	vadd.f32 v18, v10;
	v17 =	vld [tilespmem:s25+$0x490]  }
0xaf: {  	[tilespmem:s25+$0x84B0] =	vst v21;
	v21 =	vadd.f32 v19, v12;
	v18 =	vld [tilespmem:s25+$0x4A0]  }
0xb0: {  	[tilespmem:s25+$0x84C0] =	vst v22;
	v22 =	vadd.f32 v20, v13;
	v19 =	vld [tilespmem:s25+$0x4B0]  }
0xb1: {  	s28 =	sadd.s32 $0x100, s28;
	s29 =	sadd.s32 $0x200, s29;
	[tilespmem:s25+$0x84D0] =	vst v21;
	v21 =	vadd.f32 v23, v14;
	v20 =	vld [tilespmem:s25+$0x4C0]  }
0xb2: {  	[tilespmem:s25+$0x84E0] =	vst v22;
	v3 =	vld [tilespmem:s25+$0x4D0];
	v5 =	vadd.f32 v16, v11  }
0xb3: {  	v8 =	vld [tilespmem:s25+$0x4E0];
	[tilespmem:s25+$0x84F0] =	vst v21;
	v7 =	vadd.f32 v17, v9  }
0xb4: {  	[tilespmem:s25+$0x8880] =	vst v5;
	v5 =	vadd.f32 v18, v6  }
0xb5: {  	[tilespmem:s25+$0x8890] =	vst v7;
	v4 =	vadd.f32 v19, v4  }
0xb6: {  	[tilespmem:s25+$0x88A0] =	vst v5;
	v2 =	vadd.f32 v20, v2  }
0xb7: {  	[tilespmem:s25+$0x88B0] =	vst v4;
	v1 =	vadd.f32 v3, v1  }
0xb8: {  	v0 =	vadd.f32 v8, v0;
	[tilespmem:s25+$0x88C0] =	vst v2  }
0xb9: {  	[tilespmem:s25+$0x88D0] =	vst v1  }
0xba: {  	s31 =	simm.s32 $0x0;
	[tilespmem:s25+$0x88E0] =	vst v0  }
0xbb: {  	[hbm4b:s6+s31] =	stream.linear.scatter [tilespmem:s19], [sflag:$0x3], $0x8000, $0x38;
	[tilespmem:$0x18400] =	vst v63  }
0xbc: {  	v3 =	vld [tilespmem:$0x8080]  }
0xbd: {  	v5 =	vld [tilespmem:$0x8090]  }
0xbe: {  	v7 =	vld [tilespmem:$0x80A0]  }
0xbf: {  	v8 =	vld [tilespmem:$0x80B0]  }
0xc0: {  	v10 =	vld [tilespmem:$0x80C0]  }
0xc1: {  	v12 =	vld [tilespmem:$0x80D0]  }
0xc2: {  	v13 =	vld [tilespmem:$0x80E0]  }
0xc3: {  	v14 =	vld [tilespmem:$0x80F0]  }
0xc4: {  	v11 =	vld [tilespmem:$0x8280]  }
0xc5: {  	v9 =	vld [tilespmem:$0x8290]  }
0xc6: {  	v6 =	vld [tilespmem:$0x82A0]  }
0xc7: {  	v4 =	vld [tilespmem:$0x82B0]  }
0xc8: {  	v2 =	vld [tilespmem:$0x82C0]  }
0xc9: {  	v1 =	vld [tilespmem:$0x82D0]  }
0xca: {  	s26 =	sand.u32 $0x7800, s31;
	s25 =	sand.u32 $0x300, s31;
	v0 =	vld [tilespmem:$0x82E0]  }
0xcb: {  	s25 =	sor.u32 s25, s26;
	v15 =	vld [tilespmem:$0x82F0]  }
0xcc: {  	v16 =	vld [tilespmem:s25+$0x0]  }
0xcd: {  	v17 =	vld [tilespmem:s25+$0x10]  }
0xce: {  	v18 =	vld [tilespmem:s25+$0x20]  }
0xcf: {  	v19 =	vld [tilespmem:s25+$0x30]  }
0xd0: {  	v20 =	vld [tilespmem:s25+$0x40]  }
0xd1: {  	v21 =	vld [tilespmem:s25+$0x50];
	v16 =	vadd.f32 v16, v3  }
0xd2: {  	v22 =	vld [tilespmem:s25+$0x60];
	v17 =	vadd.f32 v17, v5  }
0xd3: {  	v18 =	vadd.f32 v18, v7;
	[tilespmem:s25+$0x10400] =	vst v16;
	v16 =	vld [tilespmem:s25+$0x70]  }
0xd4: {  	v19 =	vadd.f32 v19, v8;
	[tilespmem:s25+$0x10410] =	vst v17;
	v17 =	vld [tilespmem:s25+$0x400]  }
0xd5: {  	v23 =	vld [tilespmem:s25+$0x4F0];
	v20 =	vadd.f32 v20, v10;
	[tilespmem:s25+$0x10420] =	vst v18  }
0xd6: {  	v21 =	vadd.f32 v21, v12;
	v18 =	vld [tilespmem:s25+$0x410];
	[tilespmem:s25+$0x10430] =	vst v19  }
0xd7: {  	v22 =	vadd.f32 v22, v13;
	v19 =	vld [tilespmem:s25+$0x420];
	[tilespmem:s25+$0x10440] =	vst v20  }
0xd8: {  	v25 =	vld [tilespmem:s25+$0xA0];
	[tilespmem:s25+$0x10450] =	vst v21;
	v16 =	vadd.f32 v16, v14  }
0xd9: {  	v21 =	vld [tilespmem:s25+$0x440];
	[tilespmem:s25+$0x10460] =	vst v22;
	v17 =	vadd.f32 v17, v11  }
0xda: {  	v22 =	vld [tilespmem:s25+$0x450];
	[tilespmem:s25+$0x10470] =	vst v16;
	v16 =	vadd.f32 v23, v15  }
0xdb: {  	v26 =	vld [tilespmem:s25+$0xB0];
	v18 =	vadd.f32 v18, v9;
	[tilespmem:s25+$0x10800] =	vst v17  }
0xdc: {  	v19 =	vadd.f32 v19, v6;
	[tilespmem:s25+$0x108F0] =	vst v16;
	v16 =	vld [tilespmem:s25+$0x80]  }
0xdd: {  	v27 =	vld [tilespmem:s25+$0xC0];
	[tilespmem:s25+$0x10810] =	vst v18;
	v18 =	vadd.f32 v25, v7  }
0xde: {  	v17 =	vld [tilespmem:s25+$0x90];
	[tilespmem:s25+$0x10820] =	vst v19;
	v19 =	vadd.f32 v21, v2  }
0xdf: {  	v20 =	vld [tilespmem:s25+$0x430];
	v21 =	vadd.f32 v22, v1;
	[tilespmem:s25+$0x104A0] =	vst v18  }
0xe0: {  	v28 =	vld [tilespmem:s25+$0xD0];
	v18 =	vadd.f32 v26, v8;
	[tilespmem:s25+$0x10840] =	vst v19  }
0xe1: {  	v23 =	vld [tilespmem:s25+$0x460];
	[tilespmem:s25+$0x10850] =	vst v21;
	v16 =	vadd.f32 v16, v3  }
0xe2: {  	v24 =	vld [tilespmem:s25+$0x470];
	v19 =	vadd.f32 v27, v10;
	[tilespmem:s25+$0x104B0] =	vst v18  }
0xe3: {  	v29 =	vld [tilespmem:s25+$0xE0];
	[tilespmem:s25+$0x10480] =	vst v16;
	v16 =	vadd.f32 v17, v5  }
0xe4: {  	[tilespmem:s25+$0x104C0] =	vst v19;
	v17 =	vadd.f32 v20, v4;
	v20 =	vld [tilespmem:s25+$0xF0]  }
0xe5: {  	v21 =	vadd.f32 v28, v12;
	[tilespmem:s25+$0x10490] =	vst v16;
	v16 =	vld [tilespmem:s25+$0x480]  }
0xe6: {  	v22 =	vadd.f32 v23, v0;
	[tilespmem:s25+$0x10830] =	vst v17;
	v17 =	vld [tilespmem:s25+$0x490]  }
0xe7: {  	v18 =	vld [tilespmem:s25+$0x4A0];
	[tilespmem:s25+$0x104D0] =	vst v21;
	v23 =	vadd.f32 v24, v15  }
0xe8: {  	v19 =	vld [tilespmem:s25+$0x4B0];
	[tilespmem:s25+$0x10860] =	vst v22;
	v22 =	vadd.f32 v29, v13  }
0xe9: {  	s28 =	simm.s32 $0x100;
	s29 =	simm.s32 $0x200;
	s26 =	simm.s32 $0x0;
	[tilespmem:s25+$0x10870] =	vst v23;
	v21 =	vadd.f32 v20, v14;
	v20 =	vld [tilespmem:s25+$0x4C0]  }
.LBB2_6:
0xea: {  	s30 =	sand.u32 $0x7800, s29;
	s31 =	sand.u32 $0x300, s28;
	s26 =	sadd.s32 $0x2, s26;
	[tilespmem:s25+$0x104E0] =	vst v22;
	v16 =	vadd.f32 v16, v11;
	v22 =	vld [tilespmem:s25+$0x4D0]  }
0xeb: {  	s30 =	sor.u32 s31, s30;
	p0 =	slt.u32 s26, $0x7E;
	[tilespmem:s25+$0x104F0] =	vst v21;
	v17 =	vadd.f32 v17, v9;
	v21 =	vld [tilespmem:s25+$0x4E0]  }
0xec: {  	v23 =	vld [tilespmem:s30+$0x4F0];
	[tilespmem:s25+$0x10880] =	vst v16;
	v16 =	vadd.f32 v18, v6  }
0xed: {  	v18 =	vld [tilespmem:s30+$0x0];
	[tilespmem:s25+$0x10890] =	vst v17;
	v17 =	vadd.f32 v19, v4  }
0xee: {  	v19 =	vld [tilespmem:s30+$0x10];
	[tilespmem:s25+$0x108A0] =	vst v16;
	v16 =	vadd.f32 v20, v2  }
0xef: {  	v20 =	vld [tilespmem:s30+$0x20];
	[tilespmem:s25+$0x108B0] =	vst v17;
	v17 =	vadd.f32 v22, v1  }
0xf0: {  	v22 =	vld [tilespmem:s30+$0x30];
	[tilespmem:s25+$0x108C0] =	vst v16;
	v16 =	vadd.f32 v21, v0  }
0xf1: {  	v21 =	vld [tilespmem:s30+$0x40];
	v23 =	vadd.f32 v23, v15;
	[tilespmem:s25+$0x108D0] =	vst v17  }
0xf2: {  	v17 =	vadd.f32 v18, v3;
	v18 =	vld [tilespmem:s30+$0x50];
	[tilespmem:s25+$0x108E0] =	vst v16;
	s25 =	smov.u32 s30  }
0xf3: {  	v16 =	vadd.f32 v19, v5;
	v19 =	vld [tilespmem:s25+$0x60];
	[tilespmem:s25+$0x108F0] =	vst v23  }
0xf4: {  	[tilespmem:s25+$0x10400] =	vst v17;
	v17 =	vadd.f32 v20, v7;
	v20 =	vld [tilespmem:s25+$0x70]  }
0xf5: {  	[tilespmem:s25+$0x10410] =	vst v16;
	v16 =	vadd.f32 v22, v8;
	v22 =	vld [tilespmem:s25+$0x400]  }
0xf6: {  	[tilespmem:s25+$0x10420] =	vst v17;
	v17 =	vadd.f32 v21, v10;
	v21 =	vld [tilespmem:s25+$0x410]  }
0xf7: {  	[tilespmem:s25+$0x10430] =	vst v16;
	v16 =	vadd.f32 v18, v12;
	v18 =	vld [tilespmem:s25+$0x420]  }
0xf8: {  	[tilespmem:s25+$0x10440] =	vst v17;
	v17 =	vadd.f32 v19, v13;
	v19 =	vld [tilespmem:s25+$0x430]  }
0xf9: {  	[tilespmem:s25+$0x10450] =	vst v16;
	v16 =	vadd.f32 v20, v14;
	v20 =	vld [tilespmem:s25+$0x440]  }
0xfa: {  	[tilespmem:s25+$0x10460] =	vst v17;
	v17 =	vadd.f32 v22, v11;
	v22 =	vld [tilespmem:s25+$0x450]  }
0xfb: {  	[tilespmem:s25+$0x10470] =	vst v16;
	v16 =	vadd.f32 v21, v9;
	v21 =	vld [tilespmem:s25+$0x460]  }
0xfc: {  	[tilespmem:s25+$0x10800] =	vst v17;
	v17 =	vadd.f32 v18, v6;
	v18 =	vld [tilespmem:s25+$0x470]  }
0xfd: {  	[tilespmem:s25+$0x10810] =	vst v16;
	v16 =	vadd.f32 v19, v4;
	v19 =	vld [tilespmem:s25+$0x80]  }
0xfe: {  	[tilespmem:s25+$0x10820] =	vst v17;
	v17 =	vadd.f32 v20, v2;
	v20 =	vld [tilespmem:s25+$0x90]  }
0xff: {  	[tilespmem:s25+$0x10830] =	vst v16;
	v16 =	vadd.f32 v22, v1;
	v22 =	vld [tilespmem:s25+$0xA0]  }
0x100: {  	[tilespmem:s25+$0x10840] =	vst v17;
	v17 =	vadd.f32 v21, v0;
	v21 =	vld [tilespmem:s25+$0xB0]  }
0x101: {  	[tilespmem:s25+$0x10850] =	vst v16;
	v16 =	vadd.f32 v18, v15;
	v18 =	vld [tilespmem:s25+$0xC0]  }
0x102: {  	[tilespmem:s25+$0x10860] =	vst v17;
	v17 =	vadd.f32 v19, v3;
	v19 =	vld [tilespmem:s25+$0xD0]  }
0x103: {  	[tilespmem:s25+$0x10870] =	vst v16;
	v16 =	vadd.f32 v20, v5;
	v20 =	vld [tilespmem:s25+$0xE0]  }
0x104: {  	[tilespmem:s25+$0x10480] =	vst v17;
	v17 =	vadd.f32 v22, v7;
	v23 =	vld [tilespmem:s25+$0xF0]  }
.Ltmp2:
0x105: {  	[tilespmem:s25+$0x10490] =	vst v16;
	v21 =	vadd.f32 v21, v8;
	v16 =	vld [tilespmem:s25+$0x480];
	(pc) =	sbr.rel @p0 .LBB2_6-.Ltmp2, $4  }
0x106: {  	[tilespmem:s25+$0x104A0] =	vst v17;
	v22 =	vadd.f32 v18, v10;
	v17 =	vld [tilespmem:s25+$0x490]  }
0x107: {  	[tilespmem:s25+$0x104B0] =	vst v21;
	v21 =	vadd.f32 v19, v12;
	v18 =	vld [tilespmem:s25+$0x4A0]  }
0x108: {  	[tilespmem:s25+$0x104C0] =	vst v22;
	v22 =	vadd.f32 v20, v13;
	v19 =	vld [tilespmem:s25+$0x4B0]  }
0x109: {  	s28 =	sadd.s32 $0x100, s28;
	s29 =	sadd.s32 $0x200, s29;
	[tilespmem:s25+$0x104D0] =	vst v21;
	v21 =	vadd.f32 v23, v14;
	v20 =	vld [tilespmem:s25+$0x4C0]  }
0x10a: {  	[tilespmem:s25+$0x104E0] =	vst v22;
	v3 =	vld [tilespmem:s25+$0x4D0];
	v5 =	vadd.f32 v16, v11  }
0x10b: {  	v8 =	vld [tilespmem:s25+$0x4E0];
	[tilespmem:s25+$0x104F0] =	vst v21;
	v7 =	vadd.f32 v17, v9  }
0x10c: {  	[tilespmem:s25+$0x10880] =	vst v5;
	v5 =	vadd.f32 v18, v6  }
0x10d: {  	[tilespmem:s25+$0x10890] =	vst v7;
	v4 =	vadd.f32 v19, v4  }
0x10e: {  	[tilespmem:s25+$0x108A0] =	vst v5;
	v2 =	vadd.f32 v20, v2  }
0x10f: {  	[tilespmem:s25+$0x108B0] =	vst v4;
	v1 =	vadd.f32 v3, v1  }
0x110: {  	v0 =	vadd.f32 v8, v0;
	[tilespmem:s25+$0x108C0] =	vst v2  }
0x111: {  	[tilespmem:s25+$0x108D0] =	vst v1  }
0x112: {  	s31 =	simm.s32 $0x0;
	[tilespmem:s25+$0x108E0] =	vst v0  }
0x113: {  	[hbm4b:s7+s31] =	stream.linear.scatter [tilespmem:s20], [sflag:$0x4], $0x8000, $0x38;
	[tilespmem:$0x18400] =	vst v63  }
0x114: {  	_ =	swait.ge [sflag:s21], $0x8000  }
0x115: {  	[sflag:s21] =	ssyncset.done $0x0  }
0x116: {  	[sflag:s21] =	ssyncadd.s32 $0xFFFF8000  }
0x117: {  	v3 =	vld [tilespmem:$0x8100]  }
0x118: {  	v5 =	vld [tilespmem:$0x8110]  }
0x119: {  	v7 =	vld [tilespmem:$0x8120]  }
0x11a: {  	v8 =	vld [tilespmem:$0x8130]  }
0x11b: {  	v10 =	vld [tilespmem:$0x8140]  }
0x11c: {  	v12 =	vld [tilespmem:$0x8150]  }
0x11d: {  	v13 =	vld [tilespmem:$0x8160]  }
0x11e: {  	v14 =	vld [tilespmem:$0x8170]  }
0x11f: {  	v11 =	vld [tilespmem:$0x8300]  }
0x120: {  	v9 =	vld [tilespmem:$0x8310]  }
0x121: {  	v6 =	vld [tilespmem:$0x8320]  }
0x122: {  	v4 =	vld [tilespmem:$0x8330]  }
0x123: {  	v2 =	vld [tilespmem:$0x8340]  }
0x124: {  	v1 =	vld [tilespmem:$0x8350]  }
0x125: {  	s26 =	sand.u32 $0x7800, s31;
	s25 =	sand.u32 $0x300, s31;
	v0 =	vld [tilespmem:$0x8360]  }
0x126: {  	s25 =	sor.u32 s25, s26;
	v15 =	vld [tilespmem:$0x8370]  }
0x127: {  	v16 =	vld [tilespmem:s25+$0x0]  }
0x128: {  	v17 =	vld [tilespmem:s25+$0x10]  }
0x129: {  	v18 =	vld [tilespmem:s25+$0x20]  }
0x12a: {  	v19 =	vld [tilespmem:s25+$0x30]  }
0x12b: {  	v20 =	vld [tilespmem:s25+$0x40]  }
0x12c: {  	v21 =	vld [tilespmem:s25+$0x50];
	v16 =	vadd.f32 v16, v3  }
0x12d: {  	v22 =	vld [tilespmem:s25+$0x60];
	v17 =	vadd.f32 v17, v5  }
0x12e: {  	v18 =	vadd.f32 v18, v7;
	[tilespmem:s25+$0x8400] =	vst v16;
	v16 =	vld [tilespmem:s25+$0x70]  }
0x12f: {  	v19 =	vadd.f32 v19, v8;
	[tilespmem:s25+$0x8410] =	vst v17;
	v17 =	vld [tilespmem:s25+$0x400]  }
0x130: {  	v23 =	vld [tilespmem:s25+$0x4F0];
	v20 =	vadd.f32 v20, v10;
	[tilespmem:s25+$0x8420] =	vst v18  }
0x131: {  	v21 =	vadd.f32 v21, v12;
	v18 =	vld [tilespmem:s25+$0x410];
	[tilespmem:s25+$0x8430] =	vst v19  }
0x132: {  	v22 =	vadd.f32 v22, v13;
	v19 =	vld [tilespmem:s25+$0x420];
	[tilespmem:s25+$0x8440] =	vst v20  }
0x133: {  	v25 =	vld [tilespmem:s25+$0xA0];
	[tilespmem:s25+$0x8450] =	vst v21;
	v16 =	vadd.f32 v16, v14  }
0x134: {  	v21 =	vld [tilespmem:s25+$0x440];
	[tilespmem:s25+$0x8460] =	vst v22;
	v17 =	vadd.f32 v17, v11  }
0x135: {  	v22 =	vld [tilespmem:s25+$0x450];
	[tilespmem:s25+$0x8470] =	vst v16;
	v16 =	vadd.f32 v23, v15  }
0x136: {  	v26 =	vld [tilespmem:s25+$0xB0];
	v18 =	vadd.f32 v18, v9;
	[tilespmem:s25+$0x8800] =	vst v17  }
0x137: {  	v19 =	vadd.f32 v19, v6;
	[tilespmem:s25+$0x88F0] =	vst v16;
	v16 =	vld [tilespmem:s25+$0x80]  }
0x138: {  	v27 =	vld [tilespmem:s25+$0xC0];
	[tilespmem:s25+$0x8810] =	vst v18;
	v18 =	vadd.f32 v25, v7  }
0x139: {  	v17 =	vld [tilespmem:s25+$0x90];
	[tilespmem:s25+$0x8820] =	vst v19;
	v19 =	vadd.f32 v21, v2  }
0x13a: {  	v20 =	vld [tilespmem:s25+$0x430];
	v21 =	vadd.f32 v22, v1;
	[tilespmem:s25+$0x84A0] =	vst v18  }
0x13b: {  	v28 =	vld [tilespmem:s25+$0xD0];
	v18 =	vadd.f32 v26, v8;
	[tilespmem:s25+$0x8840] =	vst v19  }
0x13c: {  	v23 =	vld [tilespmem:s25+$0x460];
	[tilespmem:s25+$0x8850] =	vst v21;
	v16 =	vadd.f32 v16, v3  }
0x13d: {  	v24 =	vld [tilespmem:s25+$0x470];
	v19 =	vadd.f32 v27, v10;
	[tilespmem:s25+$0x84B0] =	vst v18  }
0x13e: {  	v29 =	vld [tilespmem:s25+$0xE0];
	[tilespmem:s25+$0x8480] =	vst v16;
	v16 =	vadd.f32 v17, v5  }
0x13f: {  	[tilespmem:s25+$0x84C0] =	vst v19;
	v17 =	vadd.f32 v20, v4;
	v20 =	vld [tilespmem:s25+$0xF0]  }
0x140: {  	v21 =	vadd.f32 v28, v12;
	[tilespmem:s25+$0x8490] =	vst v16;
	v16 =	vld [tilespmem:s25+$0x480]  }
0x141: {  	v22 =	vadd.f32 v23, v0;
	[tilespmem:s25+$0x8830] =	vst v17;
	v17 =	vld [tilespmem:s25+$0x490]  }
0x142: {  	v18 =	vld [tilespmem:s25+$0x4A0];
	[tilespmem:s25+$0x84D0] =	vst v21;
	v23 =	vadd.f32 v24, v15  }
0x143: {  	v19 =	vld [tilespmem:s25+$0x4B0];
	[tilespmem:s25+$0x8860] =	vst v22;
	v22 =	vadd.f32 v29, v13  }
0x144: {  	s28 =	simm.s32 $0x100;
	s29 =	simm.s32 $0x200;
	s26 =	simm.s32 $0x0;
	[tilespmem:s25+$0x8870] =	vst v23;
	v21 =	vadd.f32 v20, v14;
	v20 =	vld [tilespmem:s25+$0x4C0]  }
.LBB2_8:
0x145: {  	s30 =	sand.u32 $0x7800, s29;
	s31 =	sand.u32 $0x300, s28;
	s26 =	sadd.s32 $0x2, s26;
	[tilespmem:s25+$0x84E0] =	vst v22;
	v16 =	vadd.f32 v16, v11;
	v22 =	vld [tilespmem:s25+$0x4D0]  }
0x146: {  	s30 =	sor.u32 s31, s30;
	p0 =	slt.u32 s26, $0x7E;
	[tilespmem:s25+$0x84F0] =	vst v21;
	v17 =	vadd.f32 v17, v9;
	v21 =	vld [tilespmem:s25+$0x4E0]  }
0x147: {  	v23 =	vld [tilespmem:s30+$0x4F0];
	[tilespmem:s25+$0x8880] =	vst v16;
	v16 =	vadd.f32 v18, v6  }
0x148: {  	v18 =	vld [tilespmem:s30+$0x0];
	[tilespmem:s25+$0x8890] =	vst v17;
	v17 =	vadd.f32 v19, v4  }
0x149: {  	v19 =	vld [tilespmem:s30+$0x10];
	[tilespmem:s25+$0x88A0] =	vst v16;
	v16 =	vadd.f32 v20, v2  }
0x14a: {  	v20 =	vld [tilespmem:s30+$0x20];
	[tilespmem:s25+$0x88B0] =	vst v17;
	v17 =	vadd.f32 v22, v1  }
0x14b: {  	v22 =	vld [tilespmem:s30+$0x30];
	[tilespmem:s25+$0x88C0] =	vst v16;
	v16 =	vadd.f32 v21, v0  }
0x14c: {  	v21 =	vld [tilespmem:s30+$0x40];
	v23 =	vadd.f32 v23, v15;
	[tilespmem:s25+$0x88D0] =	vst v17  }
0x14d: {  	v17 =	vadd.f32 v18, v3;
	v18 =	vld [tilespmem:s30+$0x50];
	[tilespmem:s25+$0x88E0] =	vst v16;
	s25 =	smov.u32 s30  }
0x14e: {  	v16 =	vadd.f32 v19, v5;
	v19 =	vld [tilespmem:s25+$0x60];
	[tilespmem:s25+$0x88F0] =	vst v23  }
0x14f: {  	[tilespmem:s25+$0x8400] =	vst v17;
	v17 =	vadd.f32 v20, v7;
	v20 =	vld [tilespmem:s25+$0x70]  }
0x150: {  	[tilespmem:s25+$0x8410] =	vst v16;
	v16 =	vadd.f32 v22, v8;
	v22 =	vld [tilespmem:s25+$0x400]  }
0x151: {  	[tilespmem:s25+$0x8420] =	vst v17;
	v17 =	vadd.f32 v21, v10;
	v21 =	vld [tilespmem:s25+$0x410]  }
0x152: {  	[tilespmem:s25+$0x8430] =	vst v16;
	v16 =	vadd.f32 v18, v12;
	v18 =	vld [tilespmem:s25+$0x420]  }
0x153: {  	[tilespmem:s25+$0x8440] =	vst v17;
	v17 =	vadd.f32 v19, v13;
	v19 =	vld [tilespmem:s25+$0x430]  }
0x154: {  	[tilespmem:s25+$0x8450] =	vst v16;
	v16 =	vadd.f32 v20, v14;
	v20 =	vld [tilespmem:s25+$0x440]  }
0x155: {  	[tilespmem:s25+$0x8460] =	vst v17;
	v17 =	vadd.f32 v22, v11;
	v22 =	vld [tilespmem:s25+$0x450]  }
0x156: {  	[tilespmem:s25+$0x8470] =	vst v16;
	v16 =	vadd.f32 v21, v9;
	v21 =	vld [tilespmem:s25+$0x460]  }
0x157: {  	[tilespmem:s25+$0x8800] =	vst v17;
	v17 =	vadd.f32 v18, v6;
	v18 =	vld [tilespmem:s25+$0x470]  }
0x158: {  	[tilespmem:s25+$0x8810] =	vst v16;
	v16 =	vadd.f32 v19, v4;
	v19 =	vld [tilespmem:s25+$0x80]  }
0x159: {  	[tilespmem:s25+$0x8820] =	vst v17;
	v17 =	vadd.f32 v20, v2;
	v20 =	vld [tilespmem:s25+$0x90]  }
0x15a: {  	[tilespmem:s25+$0x8830] =	vst v16;
	v16 =	vadd.f32 v22, v1;
	v22 =	vld [tilespmem:s25+$0xA0]  }
0x15b: {  	[tilespmem:s25+$0x8840] =	vst v17;
	v17 =	vadd.f32 v21, v0;
	v21 =	vld [tilespmem:s25+$0xB0]  }
0x15c: {  	[tilespmem:s25+$0x8850] =	vst v16;
	v16 =	vadd.f32 v18, v15;
	v18 =	vld [tilespmem:s25+$0xC0]  }
0x15d: {  	[tilespmem:s25+$0x8860] =	vst v17;
	v17 =	vadd.f32 v19, v3;
	v19 =	vld [tilespmem:s25+$0xD0]  }
0x15e: {  	[tilespmem:s25+$0x8870] =	vst v16;
	v16 =	vadd.f32 v20, v5;
	v20 =	vld [tilespmem:s25+$0xE0]  }
0x15f: {  	[tilespmem:s25+$0x8480] =	vst v17;
	v17 =	vadd.f32 v22, v7;
	v23 =	vld [tilespmem:s25+$0xF0]  }
.Ltmp3:
0x160: {  	[tilespmem:s25+$0x8490] =	vst v16;
	v21 =	vadd.f32 v21, v8;
	v16 =	vld [tilespmem:s25+$0x480];
	(pc) =	sbr.rel @p0 .LBB2_8-.Ltmp3, $4  }
0x161: {  	[tilespmem:s25+$0x84A0] =	vst v17;
	v22 =	vadd.f32 v18, v10;
	v17 =	vld [tilespmem:s25+$0x490]  }
0x162: {  	[tilespmem:s25+$0x84B0] =	vst v21;
	v21 =	vadd.f32 v19, v12;
	v18 =	vld [tilespmem:s25+$0x4A0]  }
0x163: {  	[tilespmem:s25+$0x84C0] =	vst v22;
	v22 =	vadd.f32 v20, v13;
	v19 =	vld [tilespmem:s25+$0x4B0]  }
0x164: {  	s28 =	sadd.s32 $0x100, s28;
	s29 =	sadd.s32 $0x200, s29;
	[tilespmem:s25+$0x84D0] =	vst v21;
	v21 =	vadd.f32 v23, v14;
	v20 =	vld [tilespmem:s25+$0x4C0]  }
0x165: {  	[tilespmem:s25+$0x84E0] =	vst v22;
	v3 =	vld [tilespmem:s25+$0x4D0];
	v5 =	vadd.f32 v16, v11  }
0x166: {  	v8 =	vld [tilespmem:s25+$0x4E0];
	[tilespmem:s25+$0x84F0] =	vst v21;
	v7 =	vadd.f32 v17, v9  }
0x167: {  	[tilespmem:s25+$0x8880] =	vst v5;
	v5 =	vadd.f32 v18, v6  }
0x168: {  	[tilespmem:s25+$0x8890] =	vst v7;
	v4 =	vadd.f32 v19, v4  }
0x169: {  	[tilespmem:s25+$0x88A0] =	vst v5;
	v2 =	vadd.f32 v20, v2  }
0x16a: {  	[tilespmem:s25+$0x88B0] =	vst v4;
	v1 =	vadd.f32 v3, v1  }
0x16b: {  	v0 =	vadd.f32 v8, v0;
	[tilespmem:s25+$0x88C0] =	vst v2  }
0x16c: {  	[tilespmem:s25+$0x88D0] =	vst v1  }
0x16d: {  	s31 =	simm.s32 $0x0;
	[tilespmem:s25+$0x88E0] =	vst v0  }
0x16e: {  	[hbm4b:s8+s31] =	stream.linear.scatter [tilespmem:s19], [sflag:$0x3], $0x8000, $0x38;
	[tilespmem:$0x18400] =	vst v63  }
0x16f: {  	_ =	swait.ge [sflag:s22], $0x8000  }
0x170: {  	[sflag:s22] =	ssyncset.done $0x0  }
0x171: {  	[sflag:s22] =	ssyncadd.s32 $0xFFFF8000  }
0x172: {  	v3 =	vld [tilespmem:$0x8180]  }
0x173: {  	v5 =	vld [tilespmem:$0x8190]  }
0x174: {  	v7 =	vld [tilespmem:$0x81A0]  }
0x175: {  	v8 =	vld [tilespmem:$0x81B0]  }
0x176: {  	v10 =	vld [tilespmem:$0x81C0]  }
0x177: {  	v12 =	vld [tilespmem:$0x81D0]  }
0x178: {  	v13 =	vld [tilespmem:$0x81E0]  }
0x179: {  	v14 =	vld [tilespmem:$0x81F0]  }
0x17a: {  	v11 =	vld [tilespmem:$0x8380]  }
0x17b: {  	v9 =	vld [tilespmem:$0x8390]  }
0x17c: {  	v6 =	vld [tilespmem:$0x83A0]  }
0x17d: {  	v4 =	vld [tilespmem:$0x83B0]  }
0x17e: {  	v2 =	vld [tilespmem:$0x83C0]  }
0x17f: {  	v1 =	vld [tilespmem:$0x83D0]  }
0x180: {  	s26 =	sand.u32 $0x3800, s31;
	s25 =	sand.u32 $0x300, s31;
	v0 =	vld [tilespmem:$0x83E0]  }
0x181: {  	s25 =	sor.u32 s25, s26;
	v15 =	vld [tilespmem:$0x83F0]  }
0x182: {  	v16 =	vld [tilespmem:s25+$0x0]  }
0x183: {  	v17 =	vld [tilespmem:s25+$0x10]  }
0x184: {  	v18 =	vld [tilespmem:s25+$0x20]  }
0x185: {  	v19 =	vld [tilespmem:s25+$0x30]  }
0x186: {  	v20 =	vld [tilespmem:s25+$0x40]  }
0x187: {  	v21 =	vld [tilespmem:s25+$0x50];
	v16 =	vadd.f32 v16, v3  }
0x188: {  	v22 =	vld [tilespmem:s25+$0x60];
	v17 =	vadd.f32 v17, v5  }
0x189: {  	v18 =	vadd.f32 v18, v7;
	[tilespmem:s25+$0x10400] =	vst v16;
	v16 =	vld [tilespmem:s25+$0x70]  }
0x18a: {  	v19 =	vadd.f32 v19, v8;
	[tilespmem:s25+$0x10410] =	vst v17;
	v17 =	vld [tilespmem:s25+$0x400]  }
0x18b: {  	v23 =	vld [tilespmem:s25+$0x4F0];
	v20 =	vadd.f32 v20, v10;
	[tilespmem:s25+$0x10420] =	vst v18  }
0x18c: {  	v21 =	vadd.f32 v21, v12;
	v18 =	vld [tilespmem:s25+$0x410];
	[tilespmem:s25+$0x10430] =	vst v19  }
0x18d: {  	v22 =	vadd.f32 v22, v13;
	v19 =	vld [tilespmem:s25+$0x420];
	[tilespmem:s25+$0x10440] =	vst v20  }
0x18e: {  	v25 =	vld [tilespmem:s25+$0xA0];
	[tilespmem:s25+$0x10450] =	vst v21;
	v16 =	vadd.f32 v16, v14  }
0x18f: {  	v21 =	vld [tilespmem:s25+$0x440];
	[tilespmem:s25+$0x10460] =	vst v22;
	v17 =	vadd.f32 v17, v11  }
0x190: {  	v22 =	vld [tilespmem:s25+$0x450];
	[tilespmem:s25+$0x10470] =	vst v16;
	v16 =	vadd.f32 v23, v15  }
0x191: {  	v26 =	vld [tilespmem:s25+$0xB0];
	v18 =	vadd.f32 v18, v9;
	[tilespmem:s25+$0x10800] =	vst v17  }
0x192: {  	v19 =	vadd.f32 v19, v6;
	[tilespmem:s25+$0x108F0] =	vst v16;
	v16 =	vld [tilespmem:s25+$0x80]  }
0x193: {  	v27 =	vld [tilespmem:s25+$0xC0];
	[tilespmem:s25+$0x10810] =	vst v18;
	v18 =	vadd.f32 v25, v7  }
0x194: {  	v17 =	vld [tilespmem:s25+$0x90];
	[tilespmem:s25+$0x10820] =	vst v19;
	v19 =	vadd.f32 v21, v2  }
0x195: {  	v20 =	vld [tilespmem:s25+$0x430];
	v21 =	vadd.f32 v22, v1;
	[tilespmem:s25+$0x104A0] =	vst v18  }
0x196: {  	v28 =	vld [tilespmem:s25+$0xD0];
	v18 =	vadd.f32 v26, v8;
	[tilespmem:s25+$0x10840] =	vst v19  }
0x197: {  	v23 =	vld [tilespmem:s25+$0x460];
	[tilespmem:s25+$0x10850] =	vst v21;
	v16 =	vadd.f32 v16, v3  }
0x198: {  	v24 =	vld [tilespmem:s25+$0x470];
	v19 =	vadd.f32 v27, v10;
	[tilespmem:s25+$0x104B0] =	vst v18  }
0x199: {  	v29 =	vld [tilespmem:s25+$0xE0];
	[tilespmem:s25+$0x10480] =	vst v16;
	v16 =	vadd.f32 v17, v5  }
0x19a: {  	[tilespmem:s25+$0x104C0] =	vst v19;
	v17 =	vadd.f32 v20, v4;
	v20 =	vld [tilespmem:s25+$0xF0]  }
0x19b: {  	v21 =	vadd.f32 v28, v12;
	[tilespmem:s25+$0x10490] =	vst v16;
	v16 =	vld [tilespmem:s25+$0x480]  }
0x19c: {  	v22 =	vadd.f32 v23, v0;
	[tilespmem:s25+$0x10830] =	vst v17;
	v17 =	vld [tilespmem:s25+$0x490]  }
0x19d: {  	v18 =	vld [tilespmem:s25+$0x4A0];
	[tilespmem:s25+$0x104D0] =	vst v21;
	v23 =	vadd.f32 v24, v15  }
0x19e: {  	v19 =	vld [tilespmem:s25+$0x4B0];
	[tilespmem:s25+$0x10860] =	vst v22;
	v22 =	vadd.f32 v29, v13  }
0x19f: {  	s28 =	simm.s32 $0x100;
	s29 =	simm.s32 $0x200;
	s26 =	simm.s32 $0x0;
	[tilespmem:s25+$0x10870] =	vst v23;
	v21 =	vadd.f32 v20, v14;
	v20 =	vld [tilespmem:s25+$0x4C0]  }
.LBB2_10:
0x1a0: {  	s30 =	sand.u32 $0x3800, s29;
	s31 =	sand.u32 $0x300, s28;
	s26 =	sadd.s32 $0x2, s26;
	[tilespmem:s25+$0x104E0] =	vst v22;
	v16 =	vadd.f32 v16, v11;
	v22 =	vld [tilespmem:s25+$0x4D0]  }
0x1a1: {  	s30 =	sor.u32 s31, s30;
	p0 =	slt.u32 s26, $0x3E;
	[tilespmem:s25+$0x104F0] =	vst v21;
	v17 =	vadd.f32 v17, v9;
	v21 =	vld [tilespmem:s25+$0x4E0]  }
0x1a2: {  	v23 =	vld [tilespmem:s30+$0x4F0];
	[tilespmem:s25+$0x10880] =	vst v16;
	v16 =	vadd.f32 v18, v6  }
0x1a3: {  	v18 =	vld [tilespmem:s30+$0x0];
	[tilespmem:s25+$0x10890] =	vst v17;
	v17 =	vadd.f32 v19, v4  }
0x1a4: {  	v19 =	vld [tilespmem:s30+$0x10];
	[tilespmem:s25+$0x108A0] =	vst v16;
	v16 =	vadd.f32 v20, v2  }
0x1a5: {  	v20 =	vld [tilespmem:s30+$0x20];
	[tilespmem:s25+$0x108B0] =	vst v17;
	v17 =	vadd.f32 v22, v1  }
0x1a6: {  	v22 =	vld [tilespmem:s30+$0x30];
	[tilespmem:s25+$0x108C0] =	vst v16;
	v16 =	vadd.f32 v21, v0  }
0x1a7: {  	v21 =	vld [tilespmem:s30+$0x40];
	v23 =	vadd.f32 v23, v15;
	[tilespmem:s25+$0x108D0] =	vst v17  }
0x1a8: {  	v17 =	vadd.f32 v18, v3;
	v18 =	vld [tilespmem:s30+$0x50];
	[tilespmem:s25+$0x108E0] =	vst v16;
	s25 =	smov.u32 s30  }
0x1a9: {  	v16 =	vadd.f32 v19, v5;
	v19 =	vld [tilespmem:s25+$0x60];
	[tilespmem:s25+$0x108F0] =	vst v23  }
0x1aa: {  	[tilespmem:s25+$0x10400] =	vst v17;
	v17 =	vadd.f32 v20, v7;
	v20 =	vld [tilespmem:s25+$0x70]  }
0x1ab: {  	[tilespmem:s25+$0x10410] =	vst v16;
	v16 =	vadd.f32 v22, v8;
	v22 =	vld [tilespmem:s25+$0x400]  }
0x1ac: {  	[tilespmem:s25+$0x10420] =	vst v17;
	v17 =	vadd.f32 v21, v10;
	v21 =	vld [tilespmem:s25+$0x410]  }
0x1ad: {  	[tilespmem:s25+$0x10430] =	vst v16;
	v16 =	vadd.f32 v18, v12;
	v18 =	vld [tilespmem:s25+$0x420]  }
0x1ae: {  	[tilespmem:s25+$0x10440] =	vst v17;
	v17 =	vadd.f32 v19, v13;
	v19 =	vld [tilespmem:s25+$0x430]  }
0x1af: {  	[tilespmem:s25+$0x10450] =	vst v16;
	v16 =	vadd.f32 v20, v14;
	v20 =	vld [tilespmem:s25+$0x440]  }
0x1b0: {  	[tilespmem:s25+$0x10460] =	vst v17;
	v17 =	vadd.f32 v22, v11;
	v22 =	vld [tilespmem:s25+$0x450]  }
0x1b1: {  	[tilespmem:s25+$0x10470] =	vst v16;
	v16 =	vadd.f32 v21, v9;
	v21 =	vld [tilespmem:s25+$0x460]  }
0x1b2: {  	[tilespmem:s25+$0x10800] =	vst v17;
	v17 =	vadd.f32 v18, v6;
	v18 =	vld [tilespmem:s25+$0x470]  }
0x1b3: {  	[tilespmem:s25+$0x10810] =	vst v16;
	v16 =	vadd.f32 v19, v4;
	v19 =	vld [tilespmem:s25+$0x80]  }
0x1b4: {  	[tilespmem:s25+$0x10820] =	vst v17;
	v17 =	vadd.f32 v20, v2;
	v20 =	vld [tilespmem:s25+$0x90]  }
0x1b5: {  	[tilespmem:s25+$0x10830] =	vst v16;
	v16 =	vadd.f32 v22, v1;
	v22 =	vld [tilespmem:s25+$0xA0]  }
0x1b6: {  	[tilespmem:s25+$0x10840] =	vst v17;
	v17 =	vadd.f32 v21, v0;
	v21 =	vld [tilespmem:s25+$0xB0]  }
0x1b7: {  	[tilespmem:s25+$0x10850] =	vst v16;
	v16 =	vadd.f32 v18, v15;
	v18 =	vld [tilespmem:s25+$0xC0]  }
0x1b8: {  	[tilespmem:s25+$0x10860] =	vst v17;
	v17 =	vadd.f32 v19, v3;
	v19 =	vld [tilespmem:s25+$0xD0]  }
0x1b9: {  	[tilespmem:s25+$0x10870] =	vst v16;
	v16 =	vadd.f32 v20, v5;
	v20 =	vld [tilespmem:s25+$0xE0]  }
0x1ba: {  	[tilespmem:s25+$0x10480] =	vst v17;
	v17 =	vadd.f32 v22, v7;
	v23 =	vld [tilespmem:s25+$0xF0]  }
.Ltmp4:
0x1bb: {  	[tilespmem:s25+$0x10490] =	vst v16;
	v21 =	vadd.f32 v21, v8;
	v16 =	vld [tilespmem:s25+$0x480];
	(pc) =	sbr.rel @p0 .LBB2_10-.Ltmp4, $4  }
0x1bc: {  	[tilespmem:s25+$0x104A0] =	vst v17;
	v22 =	vadd.f32 v18, v10;
	v17 =	vld [tilespmem:s25+$0x490]  }
0x1bd: {  	[tilespmem:s25+$0x104B0] =	vst v21;
	v21 =	vadd.f32 v19, v12;
	v18 =	vld [tilespmem:s25+$0x4A0]  }
0x1be: {  	[tilespmem:s25+$0x104C0] =	vst v22;
	v22 =	vadd.f32 v20, v13;
	v19 =	vld [tilespmem:s25+$0x4B0]  }
0x1bf: {  	s28 =	sadd.s32 $0x100, s28;
	s29 =	sadd.s32 $0x200, s29;
	[tilespmem:s25+$0x104D0] =	vst v21;
	v21 =	vadd.f32 v23, v14;
	v20 =	vld [tilespmem:s25+$0x4C0]  }
0x1c0: {  	[tilespmem:s25+$0x104E0] =	vst v22;
	v22 =	vld [tilespmem:s25+$0x4D0];
	v16 =	vadd.f32 v16, v11  }
0x1c1: {  	[tilespmem:s25+$0x104F0] =	vst v21;
	v17 =	vadd.f32 v17, v9;
	v21 =	vld [tilespmem:s25+$0x4E0]  }
0x1c2: {  	[tilespmem:s25+$0x10880] =	vst v16;
	v16 =	vadd.f32 v18, v6  }
0x1c3: {  	[tilespmem:s25+$0x10890] =	vst v17;
	v17 =	vadd.f32 v19, v4  }
0x1c4: {  	[tilespmem:s25+$0x108A0] =	vst v16;
	v16 =	vadd.f32 v20, v2  }
0x1c5: {  	[tilespmem:s25+$0x108B0] =	vst v17;
	v17 =	vadd.f32 v22, v1  }
0x1c6: {  	[tilespmem:s25+$0x108C0] =	vst v16;
	v16 =	vadd.f32 v21, v0  }
0x1c7: {  	s31 =	simm.s32 $0x2000;
	s26 =	simm.s32 $0x4000;
	[tilespmem:s25+$0x108D0] =	vst v17  }
0x1c8: {  	s26 =	sand.u32 $0x7800, s26;
	[tilespmem:s25+$0x108E0] =	vst v16;
	s25 =	sand.u32 $0x300, s31  }
0x1c9: {  	[hbm4b:s9+s2] =	stream.linear.scatter [tilespmem:s20], [sflag:$0x1], $0x4000, $0x38;
	[tilespmem:$0x18400] =	vst v63  }
0x1ca: {  	s25 =	sor.u32 s25, s26  }
0x1cb: {  	v16 =	vld [tilespmem:s25+$0x0]  }
0x1cc: {  	v17 =	vld [tilespmem:s25+$0x10]  }
0x1cd: {  	v18 =	vld [tilespmem:s25+$0x20]  }
0x1ce: {  	v19 =	vld [tilespmem:s25+$0x30]  }
0x1cf: {  	v20 =	vld [tilespmem:s25+$0x40]  }
0x1d0: {  	v21 =	vld [tilespmem:s25+$0x50];
	v16 =	vadd.f32 v16, v3  }
0x1d1: {  	v22 =	vld [tilespmem:s25+$0x60];
	v17 =	vadd.f32 v17, v5  }
0x1d2: {  	v18 =	vadd.f32 v18, v7;
	[tilespmem:s25+$0x10400] =	vst v16;
	v16 =	vld [tilespmem:s25+$0x70]  }
0x1d3: {  	v19 =	vadd.f32 v19, v8;
	[tilespmem:s25+$0x10410] =	vst v17;
	v17 =	vld [tilespmem:s25+$0x400]  }
0x1d4: {  	v23 =	vld [tilespmem:s25+$0x4F0];
	v20 =	vadd.f32 v20, v10;
	[tilespmem:s25+$0x10420] =	vst v18  }
0x1d5: {  	v21 =	vadd.f32 v21, v12;
	v18 =	vld [tilespmem:s25+$0x410];
	[tilespmem:s25+$0x10430] =	vst v19  }
0x1d6: {  	v22 =	vadd.f32 v22, v13;
	v19 =	vld [tilespmem:s25+$0x420];
	[tilespmem:s25+$0x10440] =	vst v20  }
0x1d7: {  	v25 =	vld [tilespmem:s25+$0xA0];
	[tilespmem:s25+$0x10450] =	vst v21;
	v16 =	vadd.f32 v16, v14  }
0x1d8: {  	v21 =	vld [tilespmem:s25+$0x440];
	[tilespmem:s25+$0x10460] =	vst v22;
	v17 =	vadd.f32 v17, v11  }
0x1d9: {  	v22 =	vld [tilespmem:s25+$0x450];
	[tilespmem:s25+$0x10470] =	vst v16;
	v16 =	vadd.f32 v23, v15  }
0x1da: {  	v26 =	vld [tilespmem:s25+$0xB0];
	v18 =	vadd.f32 v18, v9;
	[tilespmem:s25+$0x10800] =	vst v17  }
0x1db: {  	v19 =	vadd.f32 v19, v6;
	[tilespmem:s25+$0x108F0] =	vst v16;
	v16 =	vld [tilespmem:s25+$0x80]  }
0x1dc: {  	v27 =	vld [tilespmem:s25+$0xC0];
	[tilespmem:s25+$0x10810] =	vst v18;
	v18 =	vadd.f32 v25, v7  }
0x1dd: {  	v17 =	vld [tilespmem:s25+$0x90];
	[tilespmem:s25+$0x10820] =	vst v19;
	v19 =	vadd.f32 v21, v2  }
0x1de: {  	v20 =	vld [tilespmem:s25+$0x430];
	v21 =	vadd.f32 v22, v1;
	[tilespmem:s25+$0x104A0] =	vst v18  }
0x1df: {  	v28 =	vld [tilespmem:s25+$0xD0];
	v18 =	vadd.f32 v26, v8;
	[tilespmem:s25+$0x10840] =	vst v19  }
0x1e0: {  	v23 =	vld [tilespmem:s25+$0x460];
	[tilespmem:s25+$0x10850] =	vst v21;
	v16 =	vadd.f32 v16, v3  }
0x1e1: {  	v24 =	vld [tilespmem:s25+$0x470];
	v19 =	vadd.f32 v27, v10;
	[tilespmem:s25+$0x104B0] =	vst v18  }
0x1e2: {  	v29 =	vld [tilespmem:s25+$0xE0];
	[tilespmem:s25+$0x10480] =	vst v16;
	v16 =	vadd.f32 v17, v5  }
0x1e3: {  	[tilespmem:s25+$0x104C0] =	vst v19;
	v17 =	vadd.f32 v20, v4;
	v20 =	vld [tilespmem:s25+$0xF0]  }
0x1e4: {  	v21 =	vadd.f32 v28, v12;
	[tilespmem:s25+$0x10490] =	vst v16;
	v16 =	vld [tilespmem:s25+$0x480]  }
0x1e5: {  	v22 =	vadd.f32 v23, v0;
	[tilespmem:s25+$0x10830] =	vst v17;
	v17 =	vld [tilespmem:s25+$0x490]  }
0x1e6: {  	v18 =	vld [tilespmem:s25+$0x4A0];
	[tilespmem:s25+$0x104D0] =	vst v21;
	v23 =	vadd.f32 v24, v15  }
0x1e7: {  	v19 =	vld [tilespmem:s25+$0x4B0];
	[tilespmem:s25+$0x10860] =	vst v22;
	v22 =	vadd.f32 v29, v13  }
0x1e8: {  	s28 =	simm.s32 $0x2100;
	s29 =	simm.s32 $0x4200;
	s26 =	simm.s32 $0x40;
	[tilespmem:s25+$0x10870] =	vst v23;
	v21 =	vadd.f32 v20, v14;
	v20 =	vld [tilespmem:s25+$0x4C0]  }
.LBB2_12:
0x1e9: {  	s30 =	sand.u32 $0x7800, s29;
	s31 =	sand.u32 $0x300, s28;
	s26 =	sadd.s32 $0x2, s26;
	[tilespmem:s25+$0x104E0] =	vst v22;
	v16 =	vadd.f32 v16, v11;
	v22 =	vld [tilespmem:s25+$0x4D0]  }
0x1ea: {  	s30 =	sor.u32 s31, s30;
	p0 =	slt.u32 s26, $0x7E;
	[tilespmem:s25+$0x104F0] =	vst v21;
	v17 =	vadd.f32 v17, v9;
	v21 =	vld [tilespmem:s25+$0x4E0]  }
0x1eb: {  	v23 =	vld [tilespmem:s30+$0x4F0];
	[tilespmem:s25+$0x10880] =	vst v16;
	v16 =	vadd.f32 v18, v6  }
0x1ec: {  	v18 =	vld [tilespmem:s30+$0x0];
	[tilespmem:s25+$0x10890] =	vst v17;
	v17 =	vadd.f32 v19, v4  }
0x1ed: {  	v19 =	vld [tilespmem:s30+$0x10];
	[tilespmem:s25+$0x108A0] =	vst v16;
	v16 =	vadd.f32 v20, v2  }
0x1ee: {  	v20 =	vld [tilespmem:s30+$0x20];
	[tilespmem:s25+$0x108B0] =	vst v17;
	v17 =	vadd.f32 v22, v1  }
0x1ef: {  	v22 =	vld [tilespmem:s30+$0x30];
	[tilespmem:s25+$0x108C0] =	vst v16;
	v16 =	vadd.f32 v21, v0  }
0x1f0: {  	v21 =	vld [tilespmem:s30+$0x40];
	v23 =	vadd.f32 v23, v15;
	[tilespmem:s25+$0x108D0] =	vst v17  }
0x1f1: {  	v17 =	vadd.f32 v18, v3;
	v18 =	vld [tilespmem:s30+$0x50];
	[tilespmem:s25+$0x108E0] =	vst v16;
	s25 =	smov.u32 s30  }
0x1f2: {  	v16 =	vadd.f32 v19, v5;
	v19 =	vld [tilespmem:s25+$0x60];
	[tilespmem:s25+$0x108F0] =	vst v23  }
0x1f3: {  	[tilespmem:s25+$0x10400] =	vst v17;
	v17 =	vadd.f32 v20, v7;
	v20 =	vld [tilespmem:s25+$0x70]  }
0x1f4: {  	[tilespmem:s25+$0x10410] =	vst v16;
	v16 =	vadd.f32 v22, v8;
	v22 =	vld [tilespmem:s25+$0x400]  }
0x1f5: {  	[tilespmem:s25+$0x10420] =	vst v17;
	v17 =	vadd.f32 v21, v10;
	v21 =	vld [tilespmem:s25+$0x410]  }
0x1f6: {  	[tilespmem:s25+$0x10430] =	vst v16;
	v16 =	vadd.f32 v18, v12;
	v18 =	vld [tilespmem:s25+$0x420]  }
0x1f7: {  	[tilespmem:s25+$0x10440] =	vst v17;
	v17 =	vadd.f32 v19, v13;
	v19 =	vld [tilespmem:s25+$0x430]  }
0x1f8: {  	[tilespmem:s25+$0x10450] =	vst v16;
	v16 =	vadd.f32 v20, v14;
	v20 =	vld [tilespmem:s25+$0x440]  }
0x1f9: {  	[tilespmem:s25+$0x10460] =	vst v17;
	v17 =	vadd.f32 v22, v11;
	v22 =	vld [tilespmem:s25+$0x450]  }
0x1fa: {  	[tilespmem:s25+$0x10470] =	vst v16;
	v16 =	vadd.f32 v21, v9;
	v21 =	vld [tilespmem:s25+$0x460]  }
0x1fb: {  	[tilespmem:s25+$0x10800] =	vst v17;
	v17 =	vadd.f32 v18, v6;
	v18 =	vld [tilespmem:s25+$0x470]  }
0x1fc: {  	[tilespmem:s25+$0x10810] =	vst v16;
	v16 =	vadd.f32 v19, v4;
	v19 =	vld [tilespmem:s25+$0x80]  }
0x1fd: {  	[tilespmem:s25+$0x10820] =	vst v17;
	v17 =	vadd.f32 v20, v2;
	v20 =	vld [tilespmem:s25+$0x90]  }
0x1fe: {  	[tilespmem:s25+$0x10830] =	vst v16;
	v16 =	vadd.f32 v22, v1;
	v22 =	vld [tilespmem:s25+$0xA0]  }
0x1ff: {  	[tilespmem:s25+$0x10840] =	vst v17;
	v17 =	vadd.f32 v21, v0;
	v21 =	vld [tilespmem:s25+$0xB0]  }
0x200: {  	[tilespmem:s25+$0x10850] =	vst v16;
	v16 =	vadd.f32 v18, v15;
	v18 =	vld [tilespmem:s25+$0xC0]  }
0x201: {  	[tilespmem:s25+$0x10860] =	vst v17;
	v17 =	vadd.f32 v19, v3;
	v19 =	vld [tilespmem:s25+$0xD0]  }
0x202: {  	[tilespmem:s25+$0x10870] =	vst v16;
	v16 =	vadd.f32 v20, v5;
	v20 =	vld [tilespmem:s25+$0xE0]  }
0x203: {  	[tilespmem:s25+$0x10480] =	vst v17;
	v17 =	vadd.f32 v22, v7;
	v23 =	vld [tilespmem:s25+$0xF0]  }
.Ltmp5:
0x204: {  	[tilespmem:s25+$0x10490] =	vst v16;
	v21 =	vadd.f32 v21, v8;
	v16 =	vld [tilespmem:s25+$0x480];
	(pc) =	sbr.rel @p0 .LBB2_12-.Ltmp5, $4  }
0x205: {  	[tilespmem:s25+$0x104A0] =	vst v17;
	v22 =	vadd.f32 v18, v10;
	v17 =	vld [tilespmem:s25+$0x490]  }
0x206: {  	[tilespmem:s25+$0x104B0] =	vst v21;
	v21 =	vadd.f32 v19, v12;
	v18 =	vld [tilespmem:s25+$0x4A0]  }
0x207: {  	[tilespmem:s25+$0x104C0] =	vst v22;
	v22 =	vadd.f32 v20, v13;
	v19 =	vld [tilespmem:s25+$0x4B0]  }
0x208: {  	s28 =	sadd.s32 $0x100, s28;
	s29 =	sadd.s32 $0x200, s29;
	[tilespmem:s25+$0x104D0] =	vst v21;
	v21 =	vadd.f32 v23, v14;
	v20 =	vld [tilespmem:s25+$0x4C0]  }
0x209: {  	[tilespmem:s25+$0x104E0] =	vst v22;
	v3 =	vld [tilespmem:s25+$0x4D0];
	v5 =	vadd.f32 v16, v11  }
0x20a: {  	v8 =	vld [tilespmem:s25+$0x4E0];
	[tilespmem:s25+$0x104F0] =	vst v21;
	v7 =	vadd.f32 v17, v9  }
0x20b: {  	[tilespmem:s25+$0x10880] =	vst v5;
	v63 =	vadd.f32 v18, v6  }
0x20c: {  	[tilespmem:s25+$0x10890] =	vst v7;
	v4 =	vadd.f32 v19, v4  }
0x20d: {  	[tilespmem:s25+$0x108A0] =	vst v63;
	v2 =	vadd.f32 v20, v2  }
0x20e: {  	[tilespmem:s25+$0x108B0] =	vst v4;
	v1 =	vadd.f32 v3, v1  }
0x20f: {  	v0 =	vadd.f32 v8, v0;
	[tilespmem:s25+$0x108C0] =	vst v2  }
0x210: {  	[tilespmem:s25+$0x108D0] =	vst v1  }
0x211: {  	[tilespmem:s25+$0x108E0] =	vst v0  }
0x212: {  	[hbm4b:s10+s2] =	stream.linear.scatter [tilespmem:s23], [sflag:$0x2], $0x4000, $0x38;
	[tilespmem:$0x18400] =	vst v63  }
0x213: {  	_ =	swait.ge [sflag:s21], $0x8000  }
0x214: {  	[sflag:s21] =	ssyncset.done $0x0  }
0x215: {  	s24 =	sadd.s32 $0x1, s24;
	[sflag:s21] =	ssyncadd.s32 $0xFFFF8000  }
0x216: {  	p0 =	sne.s32 s24, s11;
	_ =	swait.ge [sflag:s17], $0x4000  }
.Ltmp6:
0x217: {  	[sflag:s17] =	ssyncset.done $0x0;
	(pc) =	sbr.rel @p0 .LBB2_1-.Ltmp6, $4  }
0x218: {  	[sflag:s17] =	ssyncadd.s32 $0xFFFFC000  }
0x219: {  	_ =	swait.ge [sflag:s18], $0x4000  }
0x21a: {  	[sflag:s18] =	ssyncset.done $0x0  }
0x21b: {  	[sflag:s18] =	ssyncadd.s32 $0xFFFFC000  }
0x21c: {  	_ =	sfence.sel $0x180000  }
0x21d: {  	[bflag:$0x0] =	sbarrier.arrive $0xFFFF  }
0x21e: {  	p0 =	sne.s32 s3, $0x0;
	_ =	strace $0x90000047  }
0x21f: {  	s0 =	sadd.s32 @!p0 $0x100000, s0;
	[bflag:$0x2] =	sbarrier.arrive $0xFFFF  }
0x220: {  	[sflag:s0] =	ssyncadd.tile.s32 @!p0 $0x1;
	_ =	shalt  }
.Lfunc_end2:
_tile_overlayer_lowered:
.L_overlay_start_2:
0x221: {  	(tag) =	ssettag $0x2  }
0x222: {  	s0 =	rddreg [dreg:$0x0];
	s2 =	stileid.u32  }
0x223: {  	s1 =	rddreg [dreg:$0x1];
	p0 =	sne.s32 s2, $0x0  }
0x224: {  	s3 =	rddreg [dreg:$0x2];
	[bflag:$0x3] =	sbarrier.arrive $0xFFFF;
	s2 =	simm.s32 @!p0 $0x1C05  }
0x225: {  	[timem:s3], [sflag:s2] =	dma.local @!p0 [hbm:s0], s1  }
0x226: {  	s0 =	simm.s32 @!p0 $0x5  }
0x227: {  	_ =	swait.ge @!p0 [sflag:s0], s1  }
0x228: {  	s1 =	ssub.s32 @!p0 $0x0, s1;
	[sflag:s0] =	ssyncset.done @!p0 $0x0  }
0x229: {  	[sflag:s0] =	ssyncadd.s32 @!p0 s1  }
0x22a: {  	[bflag:$0x3] =	sbarrier.arrive $0xFFFF  }
0x22b: {  	_ =	shalt  }

</sc_bundles>
